<compile_context>
chip_gen: v7x
topology: tpu7x:2x2x1
jax: 0.10.2.dev20260603
libtpu: 0.0.44.dev20260713+nightly
codegen_flags: <defaults>
</compile_context>

<pallas_src>
import functools

import jax
import jax.numpy as jnp
from jax import lax
from jax.experimental import pallas as pl
from jax.experimental.pallas import tpu as pltpu
from jax.experimental.pallas import tpu_sc as plsc

N_NODES = 10000
C = 128
N_EDGES = 320000

NC = 2
NS = 16
NW = NC * NS
E_PER_TILE = N_EDGES // NW
CHUNK = 125
NCHUNK = E_PER_TILE // CHUNK
N_PAD = 10240
ROWS_PER_TILE = N_PAD // NS
_TAIL_ROWS = N_NODES - (NS - 1) * ROWS_PER_TILE

_sc_mesh = plsc.VectorSubcoreMesh(
    core_axis_name="c", subcore_axis_name="s", num_cores=NC, num_subcores=NS
)


def _wid():
    return lax.axis_index("c") * NS + lax.axis_index("s")


@functools.partial(
    pl.kernel,
    out_type=jax.ShapeDtypeStruct((NC, N_PAD), jnp.float32),
    mesh=_sc_mesh,
    scratch_types=[
        pltpu.VMEM((NCHUNK, CHUNK), jnp.int32),
        pltpu.VMEM((CHUNK,), jnp.float32),
        pltpu.SemaphoreType.DMA,
        pltpu.VMEM_SHARED((N_PAD,), jnp.float32),
    ],
)
def _sc_degree(dst_hbm, zeros_hbm, ones_hbm, degp_hbm, idx_v, ones_v, ssem,
               acc):
    cid = lax.axis_index("c")
    sid = lax.axis_index("s")
    row0 = sid * ROWS_PER_TILE
    pltpu.sync_copy(zeros_hbm.at[pl.ds(row0, ROWS_PER_TILE)],
                    acc.at[pl.ds(row0, ROWS_PER_TILE)])
    pltpu.sync_copy(ones_hbm, ones_v)
    pltpu.sync_copy(dst_hbm.at[_wid()], idx_v)
    plsc.subcore_barrier()

    @pl.loop(0, NCHUNK // 16)
    def _scatter(gq):
        for b in range(16):
            pltpu.async_copy(ones_v, acc.at[idx_v.at[gq * 16 + b]], ssem,
                             add=True)
        for b in range(16):
            pltpu.make_async_copy(ones_v, acc.at[idx_v.at[0]], ssem).wait()

    plsc.subcore_barrier()
    pltpu.sync_copy(acc.at[pl.ds(row0, ROWS_PER_TILE)],
                    degp_hbm.at[cid, pl.ds(row0, ROWS_PER_TILE)])


NBUF = 2
HALF = NCHUNK // 2
NGROUP = HALF // NBUF


@functools.partial(
    pl.kernel,
    out_type=jax.ShapeDtypeStruct((NC, N_PAD, C), jnp.float32),
    mesh=_sc_mesh,
    scratch_types=[
        pltpu.VMEM((HALF, CHUNK), jnp.int32),
        pltpu.VMEM((HALF, CHUNK), jnp.int32),
        [pltpu.VMEM((CHUNK, C), jnp.float32) for _ in range(NBUF)],
        [pltpu.SemaphoreType.DMA for _ in range(NBUF)],
        pltpu.VMEM_SHARED((N_PAD, C), jnp.float32),
    ],
)
def _sc_aggregate(g_hbm, src_hbm, dst_hbm, aggp_hbm,
                  idxs_v, idxd_v, bufs, gsems, acc):
    cid = lax.axis_index("c")
    sid = lax.axis_index("s")
    row0 = sid * ROWS_PER_TILE

    @pl.when(sid < NS - 1)
    def _full():
        pltpu.sync_copy(g_hbm.at[pl.ds(row0, ROWS_PER_TILE)],
                        acc.at[pl.ds(row0, ROWS_PER_TILE)])

    @pl.when(sid == NS - 1)
    def _tail():
        pltpu.sync_copy(g_hbm.at[pl.ds(row0, _TAIL_ROWS)],
                        acc.at[pl.ds(row0, _TAIL_ROWS)])

    pltpu.sync_copy(src_hbm.at[_wid(), pl.ds(0, HALF)], idxs_v)
    pltpu.sync_copy(dst_hbm.at[_wid(), pl.ds(0, HALF)], idxd_v)
    for b in range(NBUF):
        pltpu.async_copy(g_hbm.at[idxs_v.at[b]], bufs[b], gsems[b])
    plsc.subcore_barrier()

    for h in range(2):
        if h > 0:
            pltpu.sync_copy(src_hbm.at[_wid(), pl.ds(h * HALF, HALF)], idxs_v)
            pltpu.sync_copy(dst_hbm.at[_wid(), pl.ds(h * HALF, HALF)], idxd_v)
            for b in range(NBUF):
                pltpu.async_copy(g_hbm.at[idxs_v.at[b]], bufs[b], gsems[b])

        @pl.loop(0, NGROUP)
        def _grp(g):
            for b in range(NBUF):
                j = g * NBUF + b
                pltpu.make_async_copy(g_hbm.at[idxs_v.at[0]], bufs[b],
                                      gsems[b]).wait()
                pltpu.sync_copy(bufs[b], acc.at[idxd_v.at[j]], add=True)

                @pl.when(g < NGROUP - 1)
                def _prefetch():
                    pltpu.async_copy(g_hbm.at[idxs_v.at[j + NBUF]],
                                     bufs[b], gsems[b])

    plsc.subcore_barrier()
    pltpu.sync_copy(acc.at[pl.ds(row0, ROWS_PER_TILE)],
                    aggp_hbm.at[cid, pl.ds(row0, ROWS_PER_TILE)])


_RB = 2000
_GRID = N_NODES // _RB


def _tc_phase1_body(degp_ref, x_ref, w1_ref, dinv_ref, g1_ref):
    deg = degp_ref[0] + degp_ref[1] + 1.0
    dinv = lax.rsqrt(deg)
    dinv_ref[...] = dinv
    g1_ref[...] = dinv * jnp.dot(x_ref[...], w1_ref[...],
                                 preferred_element_type=jnp.float32)


def _tc_phase2_body(aggp_ref, g_ref, dinv_ref, b1_ref, w2_ref, g2_ref):
    s = aggp_ref[0] + aggp_ref[1] - g_ref[...]
    h = dinv_ref[...] * s + b1_ref[...]
    r = jnp.maximum(h, 0.0)
    g2_ref[...] = dinv_ref[...] * jnp.dot(r, w2_ref[...],
                                          preferred_element_type=jnp.float32)


def _tc_phase3_body(aggp_ref, g_ref, dinv_ref, b2_ref, out_ref):
    s = aggp_ref[0] + aggp_ref[1] - g_ref[...]
    out_ref[...] = dinv_ref[...] * s + b2_ref[...]


def _rows_spec(width):
    return pl.BlockSpec((_RB, width), lambda i: (i, 0))


def _aggp_spec(width):
    return pl.BlockSpec((2, _RB, width), lambda i: (0, i, 0))


def _full_spec(shape):
    return pl.BlockSpec(shape, lambda i: tuple(0 for _ in shape))


def kernel(x, edge_index, W1, b1, W2, b2):
    ei = edge_index.astype(jnp.int32)
    src3 = ei[0].reshape(NW, NCHUNK, CHUNK)
    dst3 = ei[1].reshape(NW, NCHUNK, CHUNK)
    zeros1 = jnp.zeros((N_PAD,), jnp.float32)
    ones_chunk = jnp.ones((CHUNK,), jnp.float32)
    b1r = b1.reshape(1, C)
    b2r = b2.reshape(1, C)

    degp = _sc_degree(dst3, zeros1, ones_chunk).reshape(NC, N_PAD, 1)

    dinv, g1 = pl.pallas_call(
        _tc_phase1_body,
        grid=(_GRID,),
        in_specs=[_aggp_spec(1), _rows_spec(C), _full_spec((C, C))],
        out_specs=[_rows_spec(1), _rows_spec(C)],
        out_shape=[
            jax.ShapeDtypeStruct((N_NODES, 1), jnp.float32),
            jax.ShapeDtypeStruct((N_NODES, C), jnp.float32),
        ],
    )(degp, x, W1)

    aggp1 = _sc_aggregate(g1, src3, dst3)

    g2 = pl.pallas_call(
        _tc_phase2_body,
        grid=(_GRID,),
        in_specs=[_aggp_spec(C), _rows_spec(C), _rows_spec(1),
                  _full_spec((1, C)), _full_spec((C, C))],
        out_specs=_rows_spec(C),
        out_shape=jax.ShapeDtypeStruct((N_NODES, C), jnp.float32),
    )(aggp1, g1, dinv, b1r, W2)

    aggp2 = _sc_aggregate(g2, src3, dst3)

    out = pl.pallas_call(
        _tc_phase3_body,
        grid=(_GRID,),
        in_specs=[_aggp_spec(C), _rows_spec(C), _rows_spec(1),
                  _full_spec((1, C))],
        out_specs=_rows_spec(C),
        out_shape=jax.ShapeDtypeStruct((N_NODES, C), jnp.float32),
    )(aggp2, g2, dinv, b2r)

    return out

# --- scband reference (transcript-rebuilt; emitter-appended) ---
"""Pipeline reference for scband-gcn-37838661878509 (READ-ONLY COPY).

The authoritative reference and input builder live on the scoring server;
editing this copy changes nothing except your own understanding.
"""

import jax, jax.numpy as jnp
import numpy as np

N_NODES = 10000
N_EDGES = 320000
IN_C = 128
HID_C = 128
OUT_C = 128


def setup_inputs(seed: int = 0) -> dict:
    key = jax.random.key(seed)
    k_x, k_e, k_w1, k_b1, k_w2, k_b2 = jax.random.split(key, 6)
    x = jax.random.normal(k_x, (N_NODES, IN_C), dtype=jnp.float32)
    edge_index = jax.random.randint(k_e, (2, N_EDGES), 0, N_NODES, dtype=jnp.int64)
    # GCNConv weights (glorot) and biases (zeros-init in PyG; use small random for generality)
    W1 = jax.random.normal(k_w1, (IN_C, HID_C), dtype=jnp.float32) * (1.0 / np.sqrt(IN_C))
    b1 = jnp.zeros((HID_C,), dtype=jnp.float32)
    W2 = jax.random.normal(k_w2, (HID_C, OUT_C), dtype=jnp.float32) * (1.0 / np.sqrt(HID_C))
    b2 = jnp.zeros((OUT_C,), dtype=jnp.float32)
    return {"x": x, "edge_index": edge_index, "W1": W1, "b1": b1, "W2": W2, "b2": b2}


def _gcn_conv(x, edge_index, W, b):
    num_nodes = x.shape[0]
    # add self-loops (default add_self_loops=True in GCNConv)
    loop = jnp.arange(num_nodes, dtype=edge_index.dtype)
    src = jnp.concatenate([edge_index[0], loop])
    dst = jnp.concatenate([edge_index[1], loop])
    # linear transform first (PyG applies lin before propagate)
    h = x @ W
    # symmetric normalization: D^{-1/2} A_hat D^{-1/2}
    deg = jnp.zeros((num_nodes,), dtype=h.dtype).at[dst].add(1.0)
    deg_inv_sqrt = jnp.where(deg > 0, 1.0 / jnp.sqrt(deg), 0.0)
    norm = deg_inv_sqrt[src] * deg_inv_sqrt[dst]
    # gather messages from src, scale, scatter-add into dst
    msg = h[src] * norm[:, None]
    out = jnp.zeros((num_nodes, h.shape[1]), dtype=h.dtype).at[dst].add(msg)
    return out + b


def reference(x, edge_index, W1, b1, W2, b2):
    h = _gcn_conv(x, edge_index, W1, b1)
    h = jax.nn.relu(h)
    out = _gcn_conv(h, edge_index, W2, b2)
    return out

if __name__ == "__main__":
    import jax
    _d = setup_inputs()
    print(jax.jit(kernel)(*tuple(_d.values())))

</pallas_src>

<mosaic_0001>
#map = affine_map<(d0, d1) -> (0, 0, 0)>
#map1 = affine_map<(d0, d1) -> (0)>
#map2 = affine_map<(d0, d1) -> (0, 0)>
module attributes {stable_mosaic.version = 14 : i64} {
  func.func @_sc_degree(%arg0: i32, %arg1: i32, %arg2: memref<32x80x125xi32, #tpu.memory_space<hbm>>, %arg3: memref<10240xf32, #tpu.memory_space<hbm>>, %arg4: memref<125xf32, #tpu.memory_space<hbm>>, %arg5: memref<2x10240xf32, #tpu.memory_space<hbm>>, %arg6: memref<80x125xi32, #tpu.memory_space<vmem>>, %arg7: memref<125xf32, #tpu.memory_space<vmem>>, %arg8: memref<!tpu.dma_semaphore, #tpu.memory_space<semaphore_mem>>, %arg9: memref<10240xf32, #tpu.memory_space<vmem_shared>>) attributes {dimension_semantics = [#tpu.dimension_semantics<core_parallel>, #tpu.dimension_semantics<subcore_parallel>], iteration_bounds = array<i64: 2, 16>, scalar_prefetch = 0 : i64, scratch_operands = 4 : i64, tpu.core_type = #tpu.core_type<sc_vector_subcore>, window_params = [{transform_indices = #map}, {transform_indices = #map1}, {transform_indices = #map1}, {transform_indices = #map2}]} {
    %mul3A = arith.constant 640 : i32
    %mul3A_0 = arith.muli %arg1, %mul3A : i32
    "tpu.region"() ({
      %run_scoped3A = tpu.sem_alloc : memref<!tpu.dma_semaphore, #tpu.memory_space<semaphore_mem>>
      %dma_start3A = tpu.memref_slice %arg9[%mul3A_0] : memref<10240xf32, #tpu.memory_space<vmem_shared>> -> memref<640xf32, #tpu.memory_space<vmem_shared>>
      %dma_start3A_8 = tpu.memref_slice %arg3[%mul3A_0] : memref<10240xf32, #tpu.memory_space<hbm>> -> memref<640xf32, #tpu.memory_space<hbm>>
      tpu.enqueue_dma source(%dma_start3A_8 : memref<640xf32, #tpu.memory_space<hbm>>) target(%dma_start3A : memref<640xf32, #tpu.memory_space<vmem_shared>>) target_semaphore(%run_scoped3A : memref<!tpu.dma_semaphore, #tpu.memory_space<semaphore_mem>>)
      %dma_wait3A = tpu.memref_slice %arg9[%mul3A_0] : memref<10240xf32, #tpu.memory_space<vmem_shared>> -> memref<640xf32, #tpu.memory_space<vmem_shared>>
      %dma_wait3A_9 = tpu.memref_slice %arg3[%mul3A_0] : memref<10240xf32, #tpu.memory_space<hbm>> -> memref<640xf32, #tpu.memory_space<hbm>>
      tpu.wait_dma2 semaphore(%run_scoped3A : memref<!tpu.dma_semaphore, #tpu.memory_space<semaphore_mem>>) src(%dma_wait3A_9 : memref<640xf32, #tpu.memory_space<hbm>>) dst(%dma_wait3A : memref<640xf32, #tpu.memory_space<vmem_shared>>)
      tpu.yield
    }) : () -> ()
    "tpu.region"() ({
      %run_scoped3A = tpu.sem_alloc : memref<!tpu.dma_semaphore, #tpu.memory_space<semaphore_mem>>
      tpu.enqueue_dma source(%arg4 : memref<125xf32, #tpu.memory_space<hbm>>) target(%arg7 : memref<125xf32, #tpu.memory_space<vmem>>) target_semaphore(%run_scoped3A : memref<!tpu.dma_semaphore, #tpu.memory_space<semaphore_mem>>)
      tpu.wait_dma2 semaphore(%run_scoped3A : memref<!tpu.dma_semaphore, #tpu.memory_space<semaphore_mem>>) src(%arg4 : memref<125xf32, #tpu.memory_space<hbm>>) dst(%arg7 : memref<125xf32, #tpu.memory_space<vmem>>)
      tpu.yield
    }) : () -> ()
    %mul3A_1 = arith.constant 16 : i32
    %mul3A_2 = arith.muli %arg0, %mul3A_1 : i32
    %add3A = arith.addi %mul3A_2, %arg1 : i32
    "tpu.region"() ({
      %run_scoped3A = tpu.sem_alloc : memref<!tpu.dma_semaphore, #tpu.memory_space<semaphore_mem>>
      %dma_start3A = arith.constant 0 : i32
      %dma_start3A_8 = arith.constant 0 : i32
      %dma_start3A_9 = tpu.memref_slice %arg2[%add3A, %dma_start3A, %dma_start3A_8] : memref<32x80x125xi32, #tpu.memory_space<hbm>> -> memref<1x80x125xi32, #tpu.memory_space<hbm>>
      %dma_start3A_10 = tpu.memref_squeeze %dma_start3A_9 : memref<1x80x125xi32, #tpu.memory_space<hbm>> -> memref<80x125xi32, #tpu.memory_space<hbm>>
      %dma_start3A_11 = arith.constant 0 : i32
      %dma_start3A_12 = arith.constant 0 : i32
      %dma_start3A_13 = tpu.memref_slice %arg2[%add3A, %dma_start3A_11, %dma_start3A_12] : memref<32x80x125xi32, #tpu.memory_space<hbm>> -> memref<1x80x125xi32, #tpu.memory_space<hbm>>
      %dma_start3A_14 = tpu.memref_squeeze %dma_start3A_13 : memref<1x80x125xi32, #tpu.memory_space<hbm>> -> memref<80x125xi32, #tpu.memory_space<hbm>>
      tpu.enqueue_dma source(%dma_start3A_14 : memref<80x125xi32, #tpu.memory_space<hbm>>) target(%arg6 : memref<80x125xi32, #tpu.memory_space<vmem>>) target_semaphore(%run_scoped3A : memref<!tpu.dma_semaphore, #tpu.memory_space<semaphore_mem>>)
      %dma_wait3A = arith.constant 0 : i32
      %dma_wait3A_15 = arith.constant 0 : i32
      %dma_wait3A_16 = tpu.memref_slice %arg2[%add3A, %dma_wait3A, %dma_wait3A_15] : memref<32x80x125xi32, #tpu.memory_space<hbm>> -> memref<1x80x125xi32, #tpu.memory_space<hbm>>
      %dma_wait3A_17 = tpu.memref_squeeze %dma_wait3A_16 : memref<1x80x125xi32, #tpu.memory_space<hbm>> -> memref<80x125xi32, #tpu.memory_space<hbm>>
      %dma_wait3A_18 = arith.constant 0 : i32
      %dma_wait3A_19 = arith.constant 0 : i32
      %dma_wait3A_20 = tpu.memref_slice %arg2[%add3A, %dma_wait3A_18, %dma_wait3A_19] : memref<32x80x125xi32, #tpu.memory_space<hbm>> -> memref<1x80x125xi32, #tpu.memory_space<hbm>>
      %dma_wait3A_21 = tpu.memref_squeeze %dma_wait3A_20 : memref<1x80x125xi32, #tpu.memory_space<hbm>> -> memref<80x125xi32, #tpu.memory_space<hbm>>
      tpu.wait_dma2 semaphore(%run_scoped3A : memref<!tpu.dma_semaphore, #tpu.memory_space<semaphore_mem>>) src(%dma_wait3A_21 : memref<80x125xi32, #tpu.memory_space<hbm>>) dst(%arg6 : memref<80x125xi32, #tpu.memory_space<vmem>>)
      tpu.yield
    }) : () -> ()
    %barrier3A = arith.constant 0 : index
    tpu.barrier barrier_id(%barrier3A)
    %scan3A = arith.constant 0 : i32
    %scan3A_3 = arith.constant 5 : i32
    %scan3A_4 = arith.addi %scan3A, %scan3A_3 : i32
    %scan3A_5 = arith.constant 1 : i32
    scf.for %scan3A_8 = %scan3A to %scan3A_4 step %scan3A_5  : i32 {
      %mul3A_9 = arith.constant 1 : i32
      %mul3A_10 = arith.muli %scan3A_8, %mul3A_9 : i32
      %add3A_11 = arith.constant 0 : i32
      %add3A_12 = arith.addi %add3A_11, %mul3A_10 : i32
      %mul3A_13 = arith.constant 16 : i32
      %mul3A_14 = arith.muli %add3A_12, %mul3A_13 : i32
      %add3A_15 = arith.constant 0 : i32
      %add3A_16 = arith.addi %mul3A_14, %add3A_15 : i32
      %dma_start3A = arith.constant 0 : i32
      %dma_start3A_17 = tpu.memref_slice %arg6[%add3A_16, %dma_start3A] : memref<80x125xi32, #tpu.memory_space<vmem>> -> memref<1x125xi32, #tpu.memory_space<vmem>>
      %dma_start3A_18 = tpu.memref_squeeze %dma_start3A_17 : memref<1x125xi32, #tpu.memory_space<vmem>> -> memref<125xi32, #tpu.memory_space<vmem>>
      %dma_start3A_19 = arith.constant 0 : i32
      %dma_start3A_20 = tpu.memref_slice %arg9[%dma_start3A_19] : memref<10240xf32, #tpu.memory_space<vmem_shared>> -> memref<10240xf32, #tpu.memory_space<vmem_shared>>
      tpu.enqueue_indirect_dma source(%arg7 : memref<125xf32, #tpu.memory_space<vmem>>) target(%dma_start3A_20 : memref<10240xf32, #tpu.memory_space<vmem_shared>>) offsets(%dma_start3A_18 : memref<125xi32, #tpu.memory_space<vmem>>) semaphore(%arg8 : memref<!tpu.dma_semaphore, #tpu.memory_space<semaphore_mem>>) {add = true}
      %mul3A_21 = arith.constant 16 : i32
      %mul3A_22 = arith.muli %add3A_12, %mul3A_21 : i32
      %add3A_23 = arith.constant 1 : i32
      %add3A_24 = arith.addi %mul3A_22, %add3A_23 : i32
      %dma_start3A_25 = arith.constant 0 : i32
      %dma_start3A_26 = tpu.memref_slice %arg6[%add3A_24, %dma_start3A_25] : memref<80x125xi32, #tpu.memory_space<vmem>> -> memref<1x125xi32, #tpu.memory_space<vmem>>
      %dma_start3A_27 = tpu.memref_squeeze %dma_start3A_26 : memref<1x125xi32, #tpu.memory_space<vmem>> -> memref<125xi32, #tpu.memory_space<vmem>>
      %dma_start3A_28 = arith.constant 0 : i32
      %dma_start3A_29 = tpu.memref_slice %arg9[%dma_start3A_28] : memref<10240xf32, #tpu.memory_space<vmem_shared>> -> memref<10240xf32, #tpu.memory_space<vmem_shared>>
      tpu.enqueue_indirect_dma source(%arg7 : memref<125xf32, #tpu.memory_space<vmem>>) target(%dma_start3A_29 : memref<10240xf32, #tpu.memory_space<vmem_shared>>) offsets(%dma_start3A_27 : memref<125xi32, #tpu.memory_space<vmem>>) semaphore(%arg8 : memref<!tpu.dma_semaphore, #tpu.memory_space<semaphore_mem>>) {add = true}
      %mul3A_30 = arith.constant 16 : i32
      %mul3A_31 = arith.muli %add3A_12, %mul3A_30 : i32
      %add3A_32 = arith.constant 2 : i32
      %add3A_33 = arith.addi %mul3A_31, %add3A_32 : i32
      %dma_start3A_34 = arith.constant 0 : i32
      %dma_start3A_35 = tpu.memref_slice %arg6[%add3A_33, %dma_start3A_34] : memref<80x125xi32, #tpu.memory_space<vmem>> -> memref<1x125xi32, #tpu.memory_space<vmem>>
      %dma_start3A_36 = tpu.memref_squeeze %dma_start3A_35 : memref<1x125xi32, #tpu.memory_space<vmem>> -> memref<125xi32, #tpu.memory_space<vmem>>
      %dma_start3A_37 = arith.constant 0 : i32
      %dma_start3A_38 = tpu.memref_slice %arg9[%dma_start3A_37] : memref<10240xf32, #tpu.memory_space<vmem_shared>> -> memref<10240xf32, #tpu.memory_space<vmem_shared>>
      tpu.enqueue_indirect_dma source(%arg7 : memref<125xf32, #tpu.memory_space<vmem>>) target(%dma_start3A_38 : memref<10240xf32, #tpu.memory_space<vmem_shared>>) offsets(%dma_start3A_36 : memref<125xi32, #tpu.memory_space<vmem>>) semaphore(%arg8 : memref<!tpu.dma_semaphore, #tpu.memory_space<semaphore_mem>>) {add = true}
      %mul3A_39 = arith.constant 16 : i32
      %mul3A_40 = arith.muli %add3A_12, %mul3A_39 : i32
      %add3A_41 = arith.constant 3 : i32
      %add3A_42 = arith.addi %mul3A_40, %add3A_41 : i32
      %dma_start3A_43 = arith.constant 0 : i32
      %dma_start3A_44 = tpu.memref_slice %arg6[%add3A_42, %dma_start3A_43] : memref<80x125xi32, #tpu.memory_space<vmem>> -> memref<1x125xi32, #tpu.memory_space<vmem>>
      %dma_start3A_45 = tpu.memref_squeeze %dma_start3A_44 : memref<1x125xi32, #tpu.memory_space<vmem>> -> memref<125xi32, #tpu.memory_space<vmem>>
      %dma_start3A_46 = arith.constant 0 : i32
      %dma_start3A_47 = tpu.memref_slice %arg9[%dma_start3A_46] : memref<10240xf32, #tpu.memory_space<vmem_shared>> -> memref<10240xf32, #tpu.memory_space<vmem_shared>>
      tpu.enqueue_indirect_dma source(%arg7 : memref<125xf32, #tpu.memory_space<vmem>>) target(%dma_start3A_47 : memref<10240xf32, #tpu.memory_space<vmem_shared>>) offsets(%dma_start3A_45 : memref<125xi32, #tpu.memory_space<vmem>>) semaphore(%arg8 : memref<!tpu.dma_semaphore, #tpu.memory_space<semaphore_mem>>) {add = true}
      %mul3A_48 = arith.constant 16 : i32
      %mul3A_49 = arith.muli %add3A_12, %mul3A_48 : i32
      %add3A_50 = arith.constant 4 : i32
      %add3A_51 = arith.addi %mul3A_49, %add3A_50 : i32
      %dma_start3A_52 = arith.constant 0 : i32
      %dma_start3A_53 = tpu.memref_slice %arg6[%add3A_51, %dma_start3A_52] : memref<80x125xi32, #tpu.memory_space<vmem>> -> memref<1x125xi32, #tpu.memory_space<vmem>>
      %dma_start3A_54 = tpu.memref_squeeze %dma_start3A_53 : memref<1x125xi32, #tpu.memory_space<vmem>> -> memref<125xi32, #tpu.memory_space<vmem>>
      %dma_start3A_55 = arith.constant 0 : i32
      %dma_start3A_56 = tpu.memref_slice %arg9[%dma_start3A_55] : memref<10240xf32, #tpu.memory_space<vmem_shared>> -> memref<10240xf32, #tpu.memory_space<vmem_shared>>
      tpu.enqueue_indirect_dma source(%arg7 : memref<125xf32, #tpu.memory_space<vmem>>) target(%dma_start3A_56 : memref<10240xf32, #tpu.memory_space<vmem_shared>>) offsets(%dma_start3A_54 : memref<125xi32, #tpu.memory_space<vmem>>) semaphore(%arg8 : memref<!tpu.dma_semaphore, #tpu.memory_space<semaphore_mem>>) {add = true}
      %mul3A_57 = arith.constant 16 : i32
      %mul3A_58 = arith.muli %add3A_12, %mul3A_57 : i32
      %add3A_59 = arith.constant 5 : i32
      %add3A_60 = arith.addi %mul3A_58, %add3A_59 : i32
      %dma_start3A_61 = arith.constant 0 : i32
      %dma_start3A_62 = tpu.memref_slice %arg6[%add3A_60, %dma_start3A_61] : memref<80x125xi32, #tpu.memory_space<vmem>> -> memref<1x125xi32, #tpu.memory_space<vmem>>
      %dma_start3A_63 = tpu.memref_squeeze %dma_start3A_62 : memref<1x125xi32, #tpu.memory_space<vmem>> -> memref<125xi32, #tpu.memory_space<vmem>>
      %dma_start3A_64 = arith.constant 0 : i32
      %dma_start3A_65 = tpu.memref_slice %arg9[%dma_start3A_64] : memref<10240xf32, #tpu.memory_space<vmem_shared>> -> memref<10240xf32, #tpu.memory_space<vmem_shared>>
      tpu.enqueue_indirect_dma source(%arg7 : memref<125xf32, #tpu.memory_space<vmem>>) target(%dma_start3A_65 : memref<10240xf32, #tpu.memory_space<vmem_shared>>) offsets(%dma_start3A_63 : memref<125xi32, #tpu.memory_space<vmem>>) semaphore(%arg8 : memref<!tpu.dma_semaphore, #tpu.memory_space<semaphore_mem>>) {add = true}
      %mul3A_66 = arith.constant 16 : i32
      %mul3A_67 = arith.muli %add3A_12, %mul3A_66 : i32
      %add3A_68 = arith.constant 6 : i32
      %add3A_69 = arith.addi %mul3A_67, %add3A_68 : i32
      %dma_start3A_70 = arith.constant 0 : i32
      %dma_start3A_71 = tpu.memref_slice %arg6[%add3A_69, %dma_start3A_70] : memref<80x125xi32, #tpu.memory_space<vmem>> -> memref<1x125xi32, #tpu.memory_space<vmem>>
      %dma_start3A_72 = tpu.memref_squeeze %dma_start3A_71 : memref<1x125xi32, #tpu.memory_space<vmem>> -> memref<125xi32, #tpu.memory_space<vmem>>
      %dma_start3A_73 = arith.constant 0 : i32
      %dma_start3A_74 = tpu.memref_slice %arg9[%dma_start3A_73] : memref<10240xf32, #tpu.memory_space<vmem_shared>> -> memref<10240xf32, #tpu.memory_space<vmem_shared>>
      tpu.enqueue_indirect_dma source(%arg7 : memref<125xf32, #tpu.memory_space<vmem>>) target(%dma_start3A_74 : memref<10240xf32, #tpu.memory_space<vmem_shared>>) offsets(%dma_start3A_72 : memref<125xi32, #tpu.memory_space<vmem>>) semaphore(%arg8 : memref<!tpu.dma_semaphore, #tpu.memory_space<semaphore_mem>>) {add = true}
      %mul3A_75 = arith.constant 16 : i32
      %mul3A_76 = arith.muli %add3A_12, %mul3A_75 : i32
      %add3A_77 = arith.constant 7 : i32
      %add3A_78 = arith.addi %mul3A_76, %add3A_77 : i32
      %dma_start3A_79 = arith.constant 0 : i32
      %dma_start3A_80 = tpu.memref_slice %arg6[%add3A_78, %dma_start3A_79] : memref<80x125xi32, #tpu.memory_space<vmem>> -> memref<1x125xi32, #tpu.memory_space<vmem>>
      %dma_start3A_81 = tpu.memref_squeeze %dma_start3A_80 : memref<1x125xi32, #tpu.memory_space<vmem>> -> memref<125xi32, #tpu.memory_space<vmem>>
      %dma_start3A_82 = arith.constant 0 : i32
      %dma_start3A_83 = tpu.memref_slice %arg9[%dma_start3A_82] : memref<10240xf32, #tpu.memory_space<vmem_shared>> -> memref<10240xf32, #tpu.memory_space<vmem_shared>>
      tpu.enqueue_indirect_dma source(%arg7 : memref<125xf32, #tpu.memory_space<vmem>>) target(%dma_start3A_83 : memref<10240xf32, #tpu.memory_space<vmem_shared>>) offsets(%dma_start3A_81 : memref<125xi32, #tpu.memory_space<vmem>>) semaphore(%arg8 : memref<!tpu.dma_semaphore, #tpu.memory_space<semaphore_mem>>) {add = true}
      %mul3A_84 = arith.constant 16 : i32
      %mul3A_85 = arith.muli %add3A_12, %mul3A_84 : i32
      %add3A_86 = arith.constant 8 : i32
      %add3A_87 = arith.addi %mul3A_85, %add3A_86 : i32
      %dma_start3A_88 = arith.constant 0 : i32
      %dma_start3A_89 = tpu.memref_slice %arg6[%add3A_87, %dma_start3A_88] : memref<80x125xi32, #tpu.memory_space<vmem>> -> memref<1x125xi32, #tpu.memory_space<vmem>>
      %dma_start3A_90 = tpu.memref_squeeze %dma_start3A_89 : memref<1x125xi32, #tpu.memory_space<vmem>> -> memref<125xi32, #tpu.memory_space<vmem>>
      %dma_start3A_91 = arith.constant 0 : i32
      %dma_start3A_92 = tpu.memref_slice %arg9[%dma_start3A_91] : memref<10240xf32, #tpu.memory_space<vmem_shared>> -> memref<10240xf32, #tpu.memory_space<vmem_shared>>
      tpu.enqueue_indirect_dma source(%arg7 : memref<125xf32, #tpu.memory_space<vmem>>) target(%dma_start3A_92 : memref<10240xf32, #tpu.memory_space<vmem_shared>>) offsets(%dma_start3A_90 : memref<125xi32, #tpu.memory_space<vmem>>) semaphore(%arg8 : memref<!tpu.dma_semaphore, #tpu.memory_space<semaphore_mem>>) {add = true}
      %mul3A_93 = arith.constant 16 : i32
      %mul3A_94 = arith.muli %add3A_12, %mul3A_93 : i32
      %add3A_95 = arith.constant 9 : i32
      %add3A_96 = arith.addi %mul3A_94, %add3A_95 : i32
      %dma_start3A_97 = arith.constant 0 : i32
      %dma_start3A_98 = tpu.memref_slice %arg6[%add3A_96, %dma_start3A_97] : memref<80x125xi32, #tpu.memory_space<vmem>> -> memref<1x125xi32, #tpu.memory_space<vmem>>
      %dma_start3A_99 = tpu.memref_squeeze %dma_start3A_98 : memref<1x125xi32, #tpu.memory_space<vmem>> -> memref<125xi32, #tpu.memory_space<vmem>>
      %dma_start3A_100 = arith.constant 0 : i32
      %dma_start3A_101 = tpu.memref_slice %arg9[%dma_start3A_100] : memref<10240xf32, #tpu.memory_space<vmem_shared>> -> memref<10240xf32, #tpu.memory_space<vmem_shared>>
      tpu.enqueue_indirect_dma source(%arg7 : memref<125xf32, #tpu.memory_space<vmem>>) target(%dma_start3A_101 : memref<10240xf32, #tpu.memory_space<vmem_shared>>) offsets(%dma_start3A_99 : memref<125xi32, #tpu.memory_space<vmem>>) semaphore(%arg8 : memref<!tpu.dma_semaphore, #tpu.memory_space<semaphore_mem>>) {add = true}
      %mul3A_102 = arith.constant 16 : i32
      %mul3A_103 = arith.muli %add3A_12, %mul3A_102 : i32
      %add3A_104 = arith.constant 10 : i32
      %add3A_105 = arith.addi %mul3A_103, %add3A_104 : i32
      %dma_start3A_106 = arith.constant 0 : i32
      %dma_start3A_107 = tpu.memref_slice %arg6[%add3A_105, %dma_start3A_106] : memref<80x125xi32, #tpu.memory_space<vmem>> -> memref<1x125xi32, #tpu.memory_space<vmem>>
      %dma_start3A_108 = tpu.memref_squeeze %dma_start3A_107 : memref<1x125xi32, #tpu.memory_space<vmem>> -> memref<125xi32, #tpu.memory_space<vmem>>
      %dma_start3A_109 = arith.constant 0 : i32
      %dma_start3A_110 = tpu.memref_slice %arg9[%dma_start3A_109] : memref<10240xf32, #tpu.memory_space<vmem_shared>> -> memref<10240xf32, #tpu.memory_space<vmem_shared>>
      tpu.enqueue_indirect_dma source(%arg7 : memref<125xf32, #tpu.memory_space<vmem>>) target(%dma_start3A_110 : memref<10240xf32, #tpu.memory_space<vmem_shared>>) offsets(%dma_start3A_108 : memref<125xi32, #tpu.memory_space<vmem>>) semaphore(%arg8 : memref<!tpu.dma_semaphore, #tpu.memory_space<semaphore_mem>>) {add = true}
      %mul3A_111 = arith.constant 16 : i32
      %mul3A_112 = arith.muli %add3A_12, %mul3A_111 : i32
      %add3A_113 = arith.constant 11 : i32
      %add3A_114 = arith.addi %mul3A_112, %add3A_113 : i32
      %dma_start3A_115 = arith.constant 0 : i32
      %dma_start3A_116 = tpu.memref_slice %arg6[%add3A_114, %dma_start3A_115] : memref<80x125xi32, #tpu.memory_space<vmem>> -> memref<1x125xi32, #tpu.memory_space<vmem>>
      %dma_start3A_117 = tpu.memref_squeeze %dma_start3A_116 : memref<1x125xi32, #tpu.memory_space<vmem>> -> memref<125xi32, #tpu.memory_space<vmem>>
      %dma_start3A_118 = arith.constant 0 : i32
      %dma_start3A_119 = tpu.memref_slice %arg9[%dma_start3A_118] : memref<10240xf32, #tpu.memory_space<vmem_shared>> -> memref<10240xf32, #tpu.memory_space<vmem_shared>>
      tpu.enqueue_indirect_dma source(%arg7 : memref<125xf32, #tpu.memory_space<vmem>>) target(%dma_start3A_119 : memref<10240xf32, #tpu.memory_space<vmem_shared>>) offsets(%dma_start3A_117 : memref<125xi32, #tpu.memory_space<vmem>>) semaphore(%arg8 : memref<!tpu.dma_semaphore, #tpu.memory_space<semaphore_mem>>) {add = true}
      %mul3A_120 = arith.constant 16 : i32
      %mul3A_121 = arith.muli %add3A_12, %mul3A_120 : i32
      %add3A_122 = arith.constant 12 : i32
      %add3A_123 = arith.addi %mul3A_121, %add3A_122 : i32
      %dma_start3A_124 = arith.constant 0 : i32
      %dma_start3A_125 = tpu.memref_slice %arg6[%add3A_123, %dma_start3A_124] : memref<80x125xi32, #tpu.memory_space<vmem>> -> memref<1x125xi32, #tpu.memory_space<vmem>>
      %dma_start3A_126 = tpu.memref_squeeze %dma_start3A_125 : memref<1x125xi32, #tpu.memory_space<vmem>> -> memref<125xi32, #tpu.memory_space<vmem>>
      %dma_start3A_127 = arith.constant 0 : i32
      %dma_start3A_128 = tpu.memref_slice %arg9[%dma_start3A_127] : memref<10240xf32, #tpu.memory_space<vmem_shared>> -> memref<10240xf32, #tpu.memory_space<vmem_shared>>
      tpu.enqueue_indirect_dma source(%arg7 : memref<125xf32, #tpu.memory_space<vmem>>) target(%dma_start3A_128 : memref<10240xf32, #tpu.memory_space<vmem_shared>>) offsets(%dma_start3A_126 : memref<125xi32, #tpu.memory_space<vmem>>) semaphore(%arg8 : memref<!tpu.dma_semaphore, #tpu.memory_space<semaphore_mem>>) {add = true}
      %mul3A_129 = arith.constant 16 : i32
      %mul3A_130 = arith.muli %add3A_12, %mul3A_129 : i32
      %add3A_131 = arith.constant 13 : i32
      %add3A_132 = arith.addi %mul3A_130, %add3A_131 : i32
      %dma_start3A_133 = arith.constant 0 : i32
      %dma_start3A_134 = tpu.memref_slice %arg6[%add3A_132, %dma_start3A_133] : memref<80x125xi32, #tpu.memory_space<vmem>> -> memref<1x125xi32, #tpu.memory_space<vmem>>
      %dma_start3A_135 = tpu.memref_squeeze %dma_start3A_134 : memref<1x125xi32, #tpu.memory_space<vmem>> -> memref<125xi32, #tpu.memory_space<vmem>>
      %dma_start3A_136 = arith.constant 0 : i32
      %dma_start3A_137 = tpu.memref_slice %arg9[%dma_start3A_136] : memref<10240xf32, #tpu.memory_space<vmem_shared>> -> memref<10240xf32, #tpu.memory_space<vmem_shared>>
      tpu.enqueue_indirect_dma source(%arg7 : memref<125xf32, #tpu.memory_space<vmem>>) target(%dma_start3A_137 : memref<10240xf32, #tpu.memory_space<vmem_shared>>) offsets(%dma_start3A_135 : memref<125xi32, #tpu.memory_space<vmem>>) semaphore(%arg8 : memref<!tpu.dma_semaphore, #tpu.memory_space<semaphore_mem>>) {add = true}
      %mul3A_138 = arith.constant 16 : i32
      %mul3A_139 = arith.muli %add3A_12, %mul3A_138 : i32
      %add3A_140 = arith.constant 14 : i32
      %add3A_141 = arith.addi %mul3A_139, %add3A_140 : i32
      %dma_start3A_142 = arith.constant 0 : i32
      %dma_start3A_143 = tpu.memref_slice %arg6[%add3A_141, %dma_start3A_142] : memref<80x125xi32, #tpu.memory_space<vmem>> -> memref<1x125xi32, #tpu.memory_space<vmem>>
      %dma_start3A_144 = tpu.memref_squeeze %dma_start3A_143 : memref<1x125xi32, #tpu.memory_space<vmem>> -> memref<125xi32, #tpu.memory_space<vmem>>
      %dma_start3A_145 = arith.constant 0 : i32
      %dma_start3A_146 = tpu.memref_slice %arg9[%dma_start3A_145] : memref<10240xf32, #tpu.memory_space<vmem_shared>> -> memref<10240xf32, #tpu.memory_space<vmem_shared>>
      tpu.enqueue_indirect_dma source(%arg7 : memref<125xf32, #tpu.memory_space<vmem>>) target(%dma_start3A_146 : memref<10240xf32, #tpu.memory_space<vmem_shared>>) offsets(%dma_start3A_144 : memref<125xi32, #tpu.memory_space<vmem>>) semaphore(%arg8 : memref<!tpu.dma_semaphore, #tpu.memory_space<semaphore_mem>>) {add = true}
      %mul3A_147 = arith.constant 16 : i32
      %mul3A_148 = arith.muli %add3A_12, %mul3A_147 : i32
      %add3A_149 = arith.constant 15 : i32
      %add3A_150 = arith.addi %mul3A_148, %add3A_149 : i32
      %dma_start3A_151 = arith.constant 0 : i32
      %dma_start3A_152 = tpu.memref_slice %arg6[%add3A_150, %dma_start3A_151] : memref<80x125xi32, #tpu.memory_space<vmem>> -> memref<1x125xi32, #tpu.memory_space<vmem>>
      %dma_start3A_153 = tpu.memref_squeeze %dma_start3A_152 : memref<1x125xi32, #tpu.memory_space<vmem>> -> memref<125xi32, #tpu.memory_space<vmem>>
      %dma_start3A_154 = arith.constant 0 : i32
      %dma_start3A_155 = tpu.memref_slice %arg9[%dma_start3A_154] : memref<10240xf32, #tpu.memory_space<vmem_shared>> -> memref<10240xf32, #tpu.memory_space<vmem_shared>>
      tpu.enqueue_indirect_dma source(%arg7 : memref<125xf32, #tpu.memory_space<vmem>>) target(%dma_start3A_155 : memref<10240xf32, #tpu.memory_space<vmem_shared>>) offsets(%dma_start3A_153 : memref<125xi32, #tpu.memory_space<vmem>>) semaphore(%arg8 : memref<!tpu.dma_semaphore, #tpu.memory_space<semaphore_mem>>) {add = true}
      %dma_wait3A = arith.constant 0 : i32
      %dma_wait3A_156 = arith.constant 0 : i32
      %dma_wait3A_157 = tpu.memref_slice %arg6[%dma_wait3A, %dma_wait3A_156] : memref<80x125xi32, #tpu.memory_space<vmem>> -> memref<1x125xi32, #tpu.memory_space<vmem>>
      %dma_wait3A_158 = tpu.memref_squeeze %dma_wait3A_157 : memref<1x125xi32, #tpu.memory_space<vmem>> -> memref<125xi32, #tpu.memory_space<vmem>>
      %dma_wait3A_159 = arith.constant 0 : i32
      %dma_wait3A_160 = tpu.memref_slice %arg9[%dma_wait3A_159] : memref<10240xf32, #tpu.memory_space<vmem_shared>> -> memref<10240xf32, #tpu.memory_space<vmem_shared>>
      tpu.wait_indirect_dma semaphore(%arg8 : memref<!tpu.dma_semaphore, #tpu.memory_space<semaphore_mem>>) src(%arg7 : memref<125xf32, #tpu.memory_space<vmem>>) dst(%dma_wait3A_160 : memref<10240xf32, #tpu.memory_space<vmem_shared>>)
      %dma_wait3A_161 = arith.constant 0 : i32
      %dma_wait3A_162 = arith.constant 0 : i32
      %dma_wait3A_163 = tpu.memref_slice %arg6[%dma_wait3A_161, %dma_wait3A_162] : memref<80x125xi32, #tpu.memory_space<vmem>> -> memref<1x125xi32, #tpu.memory_space<vmem>>
      %dma_wait3A_164 = tpu.memref_squeeze %dma_wait3A_163 : memref<1x125xi32, #tpu.memory_space<vmem>> -> memref<125xi32, #tpu.memory_space<vmem>>
      %dma_wait3A_165 = arith.constant 0 : i32
      %dma_wait3A_166 = tpu.memref_slice %arg9[%dma_wait3A_165] : memref<10240xf32, #tpu.memory_space<vmem_shared>> -> memref<10240xf32, #tpu.memory_space<vmem_shared>>
      tpu.wait_indirect_dma semaphore(%arg8 : memref<!tpu.dma_semaphore, #tpu.memory_space<semaphore_mem>>) src(%arg7 : memref<125xf32, #tpu.memory_space<vmem>>) dst(%dma_wait3A_166 : memref<10240xf32, #tpu.memory_space<vmem_shared>>)
      %dma_wait3A_167 = arith.constant 0 : i32
      %dma_wait3A_168 = arith.constant 0 : i32
      %dma_wait3A_169 = tpu.memref_slice %arg6[%dma_wait3A_167, %dma_wait3A_168] : memref<80x125xi32, #tpu.memory_space<vmem>> -> memref<1x125xi32, #tpu.memory_space<vmem>>
      %dma_wait3A_170 = tpu.memref_squeeze %dma_wait3A_169 : memref<1x125xi32, #tpu.memory_space<vmem>> -> memref<125xi32, #tpu.memory_space<vmem>>
      %dma_wait3A_171 = arith.constant 0 : i32
      %dma_wait3A_172 = tpu.memref_slice %arg9[%dma_wait3A_171] : memref<10240xf32, #tpu.memory_space<vmem_shared>> -> memref<10240xf32, #tpu.memory_space<vmem_shared>>
      tpu.wait_indirect_dma semaphore(%arg8 : memref<!tpu.dma_semaphore, #tpu.memory_space<semaphore_mem>>) src(%arg7 : memref<125xf32, #tpu.memory_space<vmem>>) dst(%dma_wait3A_172 : memref<10240xf32, #tpu.memory_space<vmem_shared>>)
      %dma_wait3A_173 = arith.constant 0 : i32
      %dma_wait3A_174 = arith.constant 0 : i32
      %dma_wait3A_175 = tpu.memref_slice %arg6[%dma_wait3A_173, %dma_wait3A_174] : memref<80x125xi32, #tpu.memory_space<vmem>> -> memref<1x125xi32, #tpu.memory_space<vmem>>
      %dma_wait3A_176 = tpu.memref_squeeze %dma_wait3A_175 : memref<1x125xi32, #tpu.memory_space<vmem>> -> memref<125xi32, #tpu.memory_space<vmem>>
      %dma_wait3A_177 = arith.constant 0 : i32
      %dma_wait3A_178 = tpu.memref_slice %arg9[%dma_wait3A_177] : memref<10240xf32, #tpu.memory_space<vmem_shared>> -> memref<10240xf32, #tpu.memory_space<vmem_shared>>
      tpu.wait_indirect_dma semaphore(%arg8 : memref<!tpu.dma_semaphore, #tpu.memory_space<semaphore_mem>>) src(%arg7 : memref<125xf32, #tpu.memory_space<vmem>>) dst(%dma_wait3A_178 : memref<10240xf32, #tpu.memory_space<vmem_shared>>)
      %dma_wait3A_179 = arith.constant 0 : i32
      %dma_wait3A_180 = arith.constant 0 : i32
      %dma_wait3A_181 = tpu.memref_slice %arg6[%dma_wait3A_179, %dma_wait3A_180] : memref<80x125xi32, #tpu.memory_space<vmem>> -> memref<1x125xi32, #tpu.memory_space<vmem>>
      %dma_wait3A_182 = tpu.memref_squeeze %dma_wait3A_181 : memref<1x125xi32, #tpu.memory_space<vmem>> -> memref<125xi32, #tpu.memory_space<vmem>>
      %dma_wait3A_183 = arith.constant 0 : i32
      %dma_wait3A_184 = tpu.memref_slice %arg9[%dma_wait3A_183] : memref<10240xf32, #tpu.memory_space<vmem_shared>> -> memref<10240xf32, #tpu.memory_space<vmem_shared>>
      tpu.wait_indirect_dma semaphore(%arg8 : memref<!tpu.dma_semaphore, #tpu.memory_space<semaphore_mem>>) src(%arg7 : memref<125xf32, #tpu.memory_space<vmem>>) dst(%dma_wait3A_184 : memref<10240xf32, #tpu.memory_space<vmem_shared>>)
      %dma_wait3A_185 = arith.constant 0 : i32
      %dma_wait3A_186 = arith.constant 0 : i32
      %dma_wait3A_187 = tpu.memref_slice %arg6[%dma_wait3A_185, %dma_wait3A_186] : memref<80x125xi32, #tpu.memory_space<vmem>> -> memref<1x125xi32, #tpu.memory_space<vmem>>
      %dma_wait3A_188 = tpu.memref_squeeze %dma_wait3A_187 : memref<1x125xi32, #tpu.memory_space<vmem>> -> memref<125xi32, #tpu.memory_space<vmem>>
      %dma_wait3A_189 = arith.constant 0 : i32
      %dma_wait3A_190 = tpu.memref_slice %arg9[%dma_wait3A_189] : memref<10240xf32, #tpu.memory_space<vmem_shared>> -> memref<10240xf32, #tpu.memory_space<vmem_shared>>
      tpu.wait_indirect_dma semaphore(%arg8 : memref<!tpu.dma_semaphore, #tpu.memory_space<semaphore_mem>>) src(%arg7 : memref<125xf32, #tpu.memory_space<vmem>>) dst(%dma_wait3A_190 : memref<10240xf32, #tpu.memory_space<vmem_shared>>)
      %dma_wait3A_191 = arith.constant 0 : i32
      %dma_wait3A_192 = arith.constant 0 : i32
      %dma_wait3A_193 = tpu.memref_slice %arg6[%dma_wait3A_191, %dma_wait3A_192] : memref<80x125xi32, #tpu.memory_space<vmem>> -> memref<1x125xi32, #tpu.memory_space<vmem>>
      %dma_wait3A_194 = tpu.memref_squeeze %dma_wait3A_193 : memref<1x125xi32, #tpu.memory_space<vmem>> -> memref<125xi32, #tpu.memory_space<vmem>>
      %dma_wait3A_195 = arith.constant 0 : i32
      %dma_wait3A_196 = tpu.memref_slice %arg9[%dma_wait3A_195] : memref<10240xf32, #tpu.memory_space<vmem_shared>> -> memref<10240xf32, #tpu.memory_space<vmem_shared>>
      tpu.wait_indirect_dma semaphore(%arg8 : memref<!tpu.dma_semaphore, #tpu.memory_space<semaphore_mem>>) src(%arg7 : memref<125xf32, #tpu.memory_space<vmem>>) dst(%dma_wait3A_196 : memref<10240xf32, #tpu.memory_space<vmem_shared>>)
      %dma_wait3A_197 = arith.constant 0 : i32
      %dma_wait3A_198 = arith.constant 0 : i32
      %dma_wait3A_199 = tpu.memref_slice %arg6[%dma_wait3A_197, %dma_wait3A_198] : memref<80x125xi32, #tpu.memory_space<vmem>> -> memref<1x125xi32, #tpu.memory_space<vmem>>
      %dma_wait3A_200 = tpu.memref_squeeze %dma_wait3A_199 : memref<1x125xi32, #tpu.memory_space<vmem>> -> memref<125xi32, #tpu.memory_space<vmem>>
      %dma_wait3A_201 = arith.constant 0 : i32
      %dma_wait3A_202 = tpu.memref_slice %arg9[%dma_wait3A_201] : memref<10240xf32, #tpu.memory_space<vmem_shared>> -> memref<10240xf32, #tpu.memory_space<vmem_shared>>
      tpu.wait_indirect_dma semaphore(%arg8 : memref<!tpu.dma_semaphore, #tpu.memory_space<semaphore_mem>>) src(%arg7 : memref<125xf32, #tpu.memory_space<vmem>>) dst(%dma_wait3A_202 : memref<10240xf32, #tpu.memory_space<vmem_shared>>)
      %dma_wait3A_203 = arith.constant 0 : i32
      %dma_wait3A_204 = arith.constant 0 : i32
      %dma_wait3A_205 = tpu.memref_slice %arg6[%dma_wait3A_203, %dma_wait3A_204] : memref<80x125xi32, #tpu.memory_space<vmem>> -> memref<1x125xi32, #tpu.memory_space<vmem>>
      %dma_wait3A_206 = tpu.memref_squeeze %dma_wait3A_205 : memref<1x125xi32, #tpu.memory_space<vmem>> -> memref<125xi32, #tpu.memory_space<vmem>>
      %dma_wait3A_207 = arith.constant 0 : i32
      %dma_wait3A_208 = tpu.memref_slice %arg9[%dma_wait3A_207] : memref<10240xf32, #tpu.memory_space<vmem_shared>> -> memref<10240xf32, #tpu.memory_space<vmem_shared>>
      tpu.wait_indirect_dma semaphore(%arg8 : memref<!tpu.dma_semaphore, #tpu.memory_space<semaphore_mem>>) src(%arg7 : memref<125xf32, #tpu.memory_space<vmem>>) dst(%dma_wait3A_208 : memref<10240xf32, #tpu.memory_space<vmem_shared>>)
      %dma_wait3A_209 = arith.constant 0 : i32
      %dma_wait3A_210 = arith.constant 0 : i32
      %dma_wait3A_211 = tpu.memref_slice %arg6[%dma_wait3A_209, %dma_wait3A_210] : memref<80x125xi32, #tpu.memory_space<vmem>> -> memref<1x125xi32, #tpu.memory_space<vmem>>
      %dma_wait3A_212 = tpu.memref_squeeze %dma_wait3A_211 : memref<1x125xi32, #tpu.memory_space<vmem>> -> memref<125xi32, #tpu.memory_space<vmem>>
      %dma_wait3A_213 = arith.constant 0 : i32
      %dma_wait3A_214 = tpu.memref_slice %arg9[%dma_wait3A_213] : memref<10240xf32, #tpu.memory_space<vmem_shared>> -> memref<10240xf32, #tpu.memory_space<vmem_shared>>
      tpu.wait_indirect_dma semaphore(%arg8 : memref<!tpu.dma_semaphore, #tpu.memory_space<semaphore_mem>>) src(%arg7 : memref<125xf32, #tpu.memory_space<vmem>>) dst(%dma_wait3A_214 : memref<10240xf32, #tpu.memory_space<vmem_shared>>)
      %dma_wait3A_215 = arith.constant 0 : i32
      %dma_wait3A_216 = arith.constant 0 : i32
      %dma_wait3A_217 = tpu.memref_slice %arg6[%dma_wait3A_215, %dma_wait3A_216] : memref<80x125xi32, #tpu.memory_space<vmem>> -> memref<1x125xi32, #tpu.memory_space<vmem>>
      %dma_wait3A_218 = tpu.memref_squeeze %dma_wait3A_217 : memref<1x125xi32, #tpu.memory_space<vmem>> -> memref<125xi32, #tpu.memory_space<vmem>>
      %dma_wait3A_219 = arith.constant 0 : i32
      %dma_wait3A_220 = tpu.memref_slice %arg9[%dma_wait3A_219] : memref<10240xf32, #tpu.memory_space<vmem_shared>> -> memref<10240xf32, #tpu.memory_space<vmem_shared>>
      tpu.wait_indirect_dma semaphore(%arg8 : memref<!tpu.dma_semaphore, #tpu.memory_space<semaphore_mem>>) src(%arg7 : memref<125xf32, #tpu.memory_space<vmem>>) dst(%dma_wait3A_220 : memref<10240xf32, #tpu.memory_space<vmem_shared>>)
      %dma_wait3A_221 = arith.constant 0 : i32
      %dma_wait3A_222 = arith.constant 0 : i32
      %dma_wait3A_223 = tpu.memref_slice %arg6[%dma_wait3A_221, %dma_wait3A_222] : memref<80x125xi32, #tpu.memory_space<vmem>> -> memref<1x125xi32, #tpu.memory_space<vmem>>
      %dma_wait3A_224 = tpu.memref_squeeze %dma_wait3A_223 : memref<1x125xi32, #tpu.memory_space<vmem>> -> memref<125xi32, #tpu.memory_space<vmem>>
      %dma_wait3A_225 = arith.constant 0 : i32
      %dma_wait3A_226 = tpu.memref_slice %arg9[%dma_wait3A_225] : memref<10240xf32, #tpu.memory_space<vmem_shared>> -> memref<10240xf32, #tpu.memory_space<vmem_shared>>
      tpu.wait_indirect_dma semaphore(%arg8 : memref<!tpu.dma_semaphore, #tpu.memory_space<semaphore_mem>>) src(%arg7 : memref<125xf32, #tpu.memory_space<vmem>>) dst(%dma_wait3A_226 : memref<10240xf32, #tpu.memory_space<vmem_shared>>)
      %dma_wait3A_227 = arith.constant 0 : i32
      %dma_wait3A_228 = arith.constant 0 : i32
      %dma_wait3A_229 = tpu.memref_slice %arg6[%dma_wait3A_227, %dma_wait3A_228] : memref<80x125xi32, #tpu.memory_space<vmem>> -> memref<1x125xi32, #tpu.memory_space<vmem>>
      %dma_wait3A_230 = tpu.memref_squeeze %dma_wait3A_229 : memref<1x125xi32, #tpu.memory_space<vmem>> -> memref<125xi32, #tpu.memory_space<vmem>>
      %dma_wait3A_231 = arith.constant 0 : i32
      %dma_wait3A_232 = tpu.memref_slice %arg9[%dma_wait3A_231] : memref<10240xf32, #tpu.memory_space<vmem_shared>> -> memref<10240xf32, #tpu.memory_space<vmem_shared>>
      tpu.wait_indirect_dma semaphore(%arg8 : memref<!tpu.dma_semaphore, #tpu.memory_space<semaphore_mem>>) src(%arg7 : memref<125xf32, #tpu.memory_space<vmem>>) dst(%dma_wait3A_232 : memref<10240xf32, #tpu.memory_space<vmem_shared>>)
      %dma_wait3A_233 = arith.constant 0 : i32
      %dma_wait3A_234 = arith.constant 0 : i32
      %dma_wait3A_235 = tpu.memref_slice %arg6[%dma_wait3A_233, %dma_wait3A_234] : memref<80x125xi32, #tpu.memory_space<vmem>> -> memref<1x125xi32, #tpu.memory_space<vmem>>
      %dma_wait3A_236 = tpu.memref_squeeze %dma_wait3A_235 : memref<1x125xi32, #tpu.memory_space<vmem>> -> memref<125xi32, #tpu.memory_space<vmem>>
      %dma_wait3A_237 = arith.constant 0 : i32
      %dma_wait3A_238 = tpu.memref_slice %arg9[%dma_wait3A_237] : memref<10240xf32, #tpu.memory_space<vmem_shared>> -> memref<10240xf32, #tpu.memory_space<vmem_shared>>
      tpu.wait_indirect_dma semaphore(%arg8 : memref<!tpu.dma_semaphore, #tpu.memory_space<semaphore_mem>>) src(%arg7 : memref<125xf32, #tpu.memory_space<vmem>>) dst(%dma_wait3A_238 : memref<10240xf32, #tpu.memory_space<vmem_shared>>)
      %dma_wait3A_239 = arith.constant 0 : i32
      %dma_wait3A_240 = arith.constant 0 : i32
      %dma_wait3A_241 = tpu.memref_slice %arg6[%dma_wait3A_239, %dma_wait3A_240] : memref<80x125xi32, #tpu.memory_space<vmem>> -> memref<1x125xi32, #tpu.memory_space<vmem>>
      %dma_wait3A_242 = tpu.memref_squeeze %dma_wait3A_241 : memref<1x125xi32, #tpu.memory_space<vmem>> -> memref<125xi32, #tpu.memory_space<vmem>>
      %dma_wait3A_243 = arith.constant 0 : i32
      %dma_wait3A_244 = tpu.memref_slice %arg9[%dma_wait3A_243] : memref<10240xf32, #tpu.memory_space<vmem_shared>> -> memref<10240xf32, #tpu.memory_space<vmem_shared>>
      tpu.wait_indirect_dma semaphore(%arg8 : memref<!tpu.dma_semaphore, #tpu.memory_space<semaphore_mem>>) src(%arg7 : memref<125xf32, #tpu.memory_space<vmem>>) dst(%dma_wait3A_244 : memref<10240xf32, #tpu.memory_space<vmem_shared>>)
      %dma_wait3A_245 = arith.constant 0 : i32
      %dma_wait3A_246 = arith.constant 0 : i32
      %dma_wait3A_247 = tpu.memref_slice %arg6[%dma_wait3A_245, %dma_wait3A_246] : memref<80x125xi32, #tpu.memory_space<vmem>> -> memref<1x125xi32, #tpu.memory_space<vmem>>
      %dma_wait3A_248 = tpu.memref_squeeze %dma_wait3A_247 : memref<1x125xi32, #tpu.memory_space<vmem>> -> memref<125xi32, #tpu.memory_space<vmem>>
      %dma_wait3A_249 = arith.constant 0 : i32
      %dma_wait3A_250 = tpu.memref_slice %arg9[%dma_wait3A_249] : memref<10240xf32, #tpu.memory_space<vmem_shared>> -> memref<10240xf32, #tpu.memory_space<vmem_shared>>
      tpu.wait_indirect_dma semaphore(%arg8 : memref<!tpu.dma_semaphore, #tpu.memory_space<semaphore_mem>>) src(%arg7 : memref<125xf32, #tpu.memory_space<vmem>>) dst(%dma_wait3A_250 : memref<10240xf32, #tpu.memory_space<vmem_shared>>)
    }
    %scan3A_6 = arith.constant 5 : i32
    %barrier3A_7 = arith.constant 0 : index
    tpu.barrier barrier_id(%barrier3A_7)
    "tpu.region"() ({
      %run_scoped3A = tpu.sem_alloc : memref<!tpu.dma_semaphore, #tpu.memory_space<semaphore_mem>>
      %dma_start3A = tpu.memref_slice %arg5[%arg0, %mul3A_0] : memref<2x10240xf32, #tpu.memory_space<hbm>> -> memref<1x640xf32, #tpu.memory_space<hbm>>
      %dma_start3A_8 = tpu.memref_squeeze %dma_start3A : memref<1x640xf32, #tpu.memory_space<hbm>> -> memref<640xf32, #tpu.memory_space<hbm>>
      %dma_start3A_9 = tpu.memref_slice %arg9[%mul3A_0] : memref<10240xf32, #tpu.memory_space<vmem_shared>> -> memref<640xf32, #tpu.memory_space<vmem_shared>>
      tpu.enqueue_dma source(%dma_start3A_9 : memref<640xf32, #tpu.memory_space<vmem_shared>>) target(%dma_start3A_8 : memref<640xf32, #tpu.memory_space<hbm>>) target_semaphore(%run_scoped3A : memref<!tpu.dma_semaphore, #tpu.memory_space<semaphore_mem>>)
      %dma_wait3A = tpu.memref_slice %arg5[%arg0, %mul3A_0] : memref<2x10240xf32, #tpu.memory_space<hbm>> -> memref<1x640xf32, #tpu.memory_space<hbm>>
      %dma_wait3A_10 = tpu.memref_squeeze %dma_wait3A : memref<1x640xf32, #tpu.memory_space<hbm>> -> memref<640xf32, #tpu.memory_space<hbm>>
      %dma_wait3A_11 = tpu.memref_slice %arg9[%mul3A_0] : memref<10240xf32, #tpu.memory_space<vmem_shared>> -> memref<640xf32, #tpu.memory_space<vmem_shared>>
      tpu.wait_dma2 semaphore(%run_scoped3A : memref<!tpu.dma_semaphore, #tpu.memory_space<semaphore_mem>>) src(%dma_wait3A_11 : memref<640xf32, #tpu.memory_space<vmem_shared>>) dst(%dma_wait3A_10 : memref<640xf32, #tpu.memory_space<hbm>>)
      tpu.yield
    }) : () -> ()
    return
  }
}

#map = affine_map<(d0, d1) -> (0, 0)>
#map1 = affine_map<(d0, d1) -> (0, 0, 0)>
module attributes {stable_mosaic.version = 14 : i64} {
  func.func @_sc_aggregate(%arg0: i32, %arg1: i32, %arg2: memref<10000x128xf32, #tpu.memory_space<hbm>>, %arg3: memref<32x80x125xi32, #tpu.memory_space<hbm>>, %arg4: memref<32x80x125xi32, #tpu.memory_space<hbm>>, %arg5: memref<2x10240x128xf32, #tpu.memory_space<hbm>>, %arg6: memref<40x125xi32, #tpu.memory_space<vmem>>, %arg7: memref<40x125xi32, #tpu.memory_space<vmem>>, %arg8: memref<125x128xf32, #tpu.memory_space<vmem>>, %arg9: memref<125x128xf32, #tpu.memory_space<vmem>>, %arg10: memref<!tpu.dma_semaphore, #tpu.memory_space<semaphore_mem>>, %arg11: memref<!tpu.dma_semaphore, #tpu.memory_space<semaphore_mem>>, %arg12: memref<10240x128xf32, #tpu.memory_space<vmem_shared>>) attributes {dimension_semantics = [#tpu.dimension_semantics<core_parallel>, #tpu.dimension_semantics<subcore_parallel>], iteration_bounds = array<i64: 2, 16>, scalar_prefetch = 0 : i64, scratch_operands = 7 : i64, tpu.core_type = #tpu.core_type<sc_vector_subcore>, window_params = [{transform_indices = #map}, {transform_indices = #map1}, {transform_indices = #map1}, {transform_indices = #map1}]} {
    %mul3A = arith.constant 640 : i32
    %mul3A_0 = arith.muli %arg1, %mul3A : i32
    %lt3A = arith.constant 15 : i32
    %lt3A_1 = arith.cmpi slt, %arg1, %lt3A : i32
    %convert_element_type3A = arith.extui %lt3A_1 : i1 to i32
    %cond3A = arith.constant 0 : i32
    %cond3A_2 = arith.cmpi ne, %convert_element_type3A, %cond3A : i32
    scf.if %cond3A_2 {
      "tpu.region"() ({
        %run_scoped3A = tpu.sem_alloc : memref<!tpu.dma_semaphore, #tpu.memory_space<semaphore_mem>>
        %dma_start3A_55 = arith.constant 0 : i32
        %dma_start3A_56 = tpu.memref_slice %arg12[%mul3A_0, %dma_start3A_55] : memref<10240x128xf32, #tpu.memory_space<vmem_shared>> -> memref<640x128xf32, #tpu.memory_space<vmem_shared>>
        %dma_start3A_57 = arith.constant 0 : i32
        %dma_start3A_58 = tpu.memref_slice %arg2[%mul3A_0, %dma_start3A_57] : memref<10000x128xf32, #tpu.memory_space<hbm>> -> memref<640x128xf32, #tpu.memory_space<hbm>>
        tpu.enqueue_dma source(%dma_start3A_58 : memref<640x128xf32, #tpu.memory_space<hbm>>) target(%dma_start3A_56 : memref<640x128xf32, #tpu.memory_space<vmem_shared>>) target_semaphore(%run_scoped3A : memref<!tpu.dma_semaphore, #tpu.memory_space<semaphore_mem>>)
        %dma_wait3A = arith.constant 0 : i32
        %dma_wait3A_59 = tpu.memref_slice %arg12[%mul3A_0, %dma_wait3A] : memref<10240x128xf32, #tpu.memory_space<vmem_shared>> -> memref<640x128xf32, #tpu.memory_space<vmem_shared>>
        %dma_wait3A_60 = arith.constant 0 : i32
        %dma_wait3A_61 = tpu.memref_slice %arg2[%mul3A_0, %dma_wait3A_60] : memref<10000x128xf32, #tpu.memory_space<hbm>> -> memref<640x128xf32, #tpu.memory_space<hbm>>
        tpu.wait_dma2 semaphore(%run_scoped3A : memref<!tpu.dma_semaphore, #tpu.memory_space<semaphore_mem>>) src(%dma_wait3A_61 : memref<640x128xf32, #tpu.memory_space<hbm>>) dst(%dma_wait3A_59 : memref<640x128xf32, #tpu.memory_space<vmem_shared>>)
        tpu.yield
      }) : () -> ()
    } else {
    }
    %eq3A = arith.constant 15 : i32
    %eq3A_3 = arith.cmpi eq, %arg1, %eq3A : i32
    %convert_element_type3A_4 = arith.extui %eq3A_3 : i1 to i32
    %cond3A_5 = arith.constant 0 : i32
    %cond3A_6 = arith.cmpi ne, %convert_element_type3A_4, %cond3A_5 : i32
    scf.if %cond3A_6 {
      "tpu.region"() ({
        %run_scoped3A = tpu.sem_alloc : memref<!tpu.dma_semaphore, #tpu.memory_space<semaphore_mem>>
        %dma_start3A_55 = arith.constant 0 : i32
        %dma_start3A_56 = tpu.memref_slice %arg12[%mul3A_0, %dma_start3A_55] : memref<10240x128xf32, #tpu.memory_space<vmem_shared>> -> memref<400x128xf32, #tpu.memory_space<vmem_shared>>
        %dma_start3A_57 = arith.constant 0 : i32
        %dma_start3A_58 = tpu.memref_slice %arg2[%mul3A_0, %dma_start3A_57] : memref<10000x128xf32, #tpu.memory_space<hbm>> -> memref<400x128xf32, #tpu.memory_space<hbm>>
        tpu.enqueue_dma source(%dma_start3A_58 : memref<400x128xf32, #tpu.memory_space<hbm>>) target(%dma_start3A_56 : memref<400x128xf32, #tpu.memory_space<vmem_shared>>) target_semaphore(%run_scoped3A : memref<!tpu.dma_semaphore, #tpu.memory_space<semaphore_mem>>)
        %dma_wait3A = arith.constant 0 : i32
        %dma_wait3A_59 = tpu.memref_slice %arg12[%mul3A_0, %dma_wait3A] : memref<10240x128xf32, #tpu.memory_space<vmem_shared>> -> memref<400x128xf32, #tpu.memory_space<vmem_shared>>
        %dma_wait3A_60 = arith.constant 0 : i32
        %dma_wait3A_61 = tpu.memref_slice %arg2[%mul3A_0, %dma_wait3A_60] : memref<10000x128xf32, #tpu.memory_space<hbm>> -> memref<400x128xf32, #tpu.memory_space<hbm>>
        tpu.wait_dma2 semaphore(%run_scoped3A : memref<!tpu.dma_semaphore, #tpu.memory_space<semaphore_mem>>) src(%dma_wait3A_61 : memref<400x128xf32, #tpu.memory_space<hbm>>) dst(%dma_wait3A_59 : memref<400x128xf32, #tpu.memory_space<vmem_shared>>)
        tpu.yield
      }) : () -> ()
    } else {
    }
    %mul3A_7 = arith.constant 16 : i32
    %mul3A_8 = arith.muli %arg0, %mul3A_7 : i32
    %add3A = arith.addi %mul3A_8, %arg1 : i32
    "tpu.region"() ({
      %run_scoped3A = tpu.sem_alloc : memref<!tpu.dma_semaphore, #tpu.memory_space<semaphore_mem>>
      %dma_start3A_55 = arith.constant 0 : i32
      %dma_start3A_56 = arith.constant 0 : i32
      %dma_start3A_57 = tpu.memref_slice %arg3[%add3A, %dma_start3A_55, %dma_start3A_56] : memref<32x80x125xi32, #tpu.memory_space<hbm>> -> memref<1x40x125xi32, #tpu.memory_space<hbm>>
      %dma_start3A_58 = tpu.memref_squeeze %dma_start3A_57 : memref<1x40x125xi32, #tpu.memory_space<hbm>> -> memref<40x125xi32, #tpu.memory_space<hbm>>
      %dma_start3A_59 = arith.constant 0 : i32
      %dma_start3A_60 = arith.constant 0 : i32
      %dma_start3A_61 = tpu.memref_slice %arg3[%add3A, %dma_start3A_59, %dma_start3A_60] : memref<32x80x125xi32, #tpu.memory_space<hbm>> -> memref<1x40x125xi32, #tpu.memory_space<hbm>>
      %dma_start3A_62 = tpu.memref_squeeze %dma_start3A_61 : memref<1x40x125xi32, #tpu.memory_space<hbm>> -> memref<40x125xi32, #tpu.memory_space<hbm>>
      tpu.enqueue_dma source(%dma_start3A_62 : memref<40x125xi32, #tpu.memory_space<hbm>>) target(%arg6 : memref<40x125xi32, #tpu.memory_space<vmem>>) target_semaphore(%run_scoped3A : memref<!tpu.dma_semaphore, #tpu.memory_space<semaphore_mem>>)
      %dma_wait3A = arith.constant 0 : i32
      %dma_wait3A_63 = arith.constant 0 : i32
      %dma_wait3A_64 = tpu.memref_slice %arg3[%add3A, %dma_wait3A, %dma_wait3A_63] : memref<32x80x125xi32, #tpu.memory_space<hbm>> -> memref<1x40x125xi32, #tpu.memory_space<hbm>>
      %dma_wait3A_65 = tpu.memref_squeeze %dma_wait3A_64 : memref<1x40x125xi32, #tpu.memory_space<hbm>> -> memref<40x125xi32, #tpu.memory_space<hbm>>
      %dma_wait3A_66 = arith.constant 0 : i32
      %dma_wait3A_67 = arith.constant 0 : i32
      %dma_wait3A_68 = tpu.memref_slice %arg3[%add3A, %dma_wait3A_66, %dma_wait3A_67] : memref<32x80x125xi32, #tpu.memory_space<hbm>> -> memref<1x40x125xi32, #tpu.memory_space<hbm>>
      %dma_wait3A_69 = tpu.memref_squeeze %dma_wait3A_68 : memref<1x40x125xi32, #tpu.memory_space<hbm>> -> memref<40x125xi32, #tpu.memory_space<hbm>>
      tpu.wait_dma2 semaphore(%run_scoped3A : memref<!tpu.dma_semaphore, #tpu.memory_space<semaphore_mem>>) src(%dma_wait3A_69 : memref<40x125xi32, #tpu.memory_space<hbm>>) dst(%arg6 : memref<40x125xi32, #tpu.memory_space<vmem>>)
      tpu.yield
    }) : () -> ()
    %mul3A_9 = arith.constant 16 : i32
    %mul3A_10 = arith.muli %arg0, %mul3A_9 : i32
    %add3A_11 = arith.addi %mul3A_10, %arg1 : i32
    "tpu.region"() ({
      %run_scoped3A = tpu.sem_alloc : memref<!tpu.dma_semaphore, #tpu.memory_space<semaphore_mem>>
      %dma_start3A_55 = arith.constant 0 : i32
      %dma_start3A_56 = arith.constant 0 : i32
      %dma_start3A_57 = tpu.memref_slice %arg4[%add3A_11, %dma_start3A_55, %dma_start3A_56] : memref<32x80x125xi32, #tpu.memory_space<hbm>> -> memref<1x40x125xi32, #tpu.memory_space<hbm>>
      %dma_start3A_58 = tpu.memref_squeeze %dma_start3A_57 : memref<1x40x125xi32, #tpu.memory_space<hbm>> -> memref<40x125xi32, #tpu.memory_space<hbm>>
      %dma_start3A_59 = arith.constant 0 : i32
      %dma_start3A_60 = arith.constant 0 : i32
      %dma_start3A_61 = tpu.memref_slice %arg4[%add3A_11, %dma_start3A_59, %dma_start3A_60] : memref<32x80x125xi32, #tpu.memory_space<hbm>> -> memref<1x40x125xi32, #tpu.memory_space<hbm>>
      %dma_start3A_62 = tpu.memref_squeeze %dma_start3A_61 : memref<1x40x125xi32, #tpu.memory_space<hbm>> -> memref<40x125xi32, #tpu.memory_space<hbm>>
      tpu.enqueue_dma source(%dma_start3A_62 : memref<40x125xi32, #tpu.memory_space<hbm>>) target(%arg7 : memref<40x125xi32, #tpu.memory_space<vmem>>) target_semaphore(%run_scoped3A : memref<!tpu.dma_semaphore, #tpu.memory_space<semaphore_mem>>)
      %dma_wait3A = arith.constant 0 : i32
      %dma_wait3A_63 = arith.constant 0 : i32
      %dma_wait3A_64 = tpu.memref_slice %arg4[%add3A_11, %dma_wait3A, %dma_wait3A_63] : memref<32x80x125xi32, #tpu.memory_space<hbm>> -> memref<1x40x125xi32, #tpu.memory_space<hbm>>
      %dma_wait3A_65 = tpu.memref_squeeze %dma_wait3A_64 : memref<1x40x125xi32, #tpu.memory_space<hbm>> -> memref<40x125xi32, #tpu.memory_space<hbm>>
      %dma_wait3A_66 = arith.constant 0 : i32
      %dma_wait3A_67 = arith.constant 0 : i32
      %dma_wait3A_68 = tpu.memref_slice %arg4[%add3A_11, %dma_wait3A_66, %dma_wait3A_67] : memref<32x80x125xi32, #tpu.memory_space<hbm>> -> memref<1x40x125xi32, #tpu.memory_space<hbm>>
      %dma_wait3A_69 = tpu.memref_squeeze %dma_wait3A_68 : memref<1x40x125xi32, #tpu.memory_space<hbm>> -> memref<40x125xi32, #tpu.memory_space<hbm>>
      tpu.wait_dma2 semaphore(%run_scoped3A : memref<!tpu.dma_semaphore, #tpu.memory_space<semaphore_mem>>) src(%dma_wait3A_69 : memref<40x125xi32, #tpu.memory_space<hbm>>) dst(%arg7 : memref<40x125xi32, #tpu.memory_space<vmem>>)
      tpu.yield
    }) : () -> ()
    %dma_start3A = arith.constant 0 : i32
    %dma_start3A_12 = arith.constant 0 : i32
    %dma_start3A_13 = tpu.memref_slice %arg6[%dma_start3A, %dma_start3A_12] : memref<40x125xi32, #tpu.memory_space<vmem>> -> memref<1x125xi32, #tpu.memory_space<vmem>>
    %dma_start3A_14 = tpu.memref_squeeze %dma_start3A_13 : memref<1x125xi32, #tpu.memory_space<vmem>> -> memref<125xi32, #tpu.memory_space<vmem>>
    %dma_start3A_15 = arith.constant 0 : i32
    %dma_start3A_16 = arith.constant 0 : i32
    %dma_start3A_17 = tpu.memref_slice %arg2[%dma_start3A_15, %dma_start3A_16] : memref<10000x128xf32, #tpu.memory_space<hbm>> -> memref<10000x128xf32, #tpu.memory_space<hbm>>
    tpu.enqueue_indirect_dma source(%dma_start3A_17 : memref<10000x128xf32, #tpu.memory_space<hbm>>) target(%arg8 : memref<125x128xf32, #tpu.memory_space<vmem>>) offsets(%dma_start3A_14 : memref<125xi32, #tpu.memory_space<vmem>>) semaphore(%arg10 : memref<!tpu.dma_semaphore, #tpu.memory_space<semaphore_mem>>)
    %dma_start3A_18 = arith.constant 1 : i32
    %dma_start3A_19 = arith.constant 0 : i32
    %dma_start3A_20 = tpu.memref_slice %arg6[%dma_start3A_18, %dma_start3A_19] : memref<40x125xi32, #tpu.memory_space<vmem>> -> memref<1x125xi32, #tpu.memory_space<vmem>>
    %dma_start3A_21 = tpu.memref_squeeze %dma_start3A_20 : memref<1x125xi32, #tpu.memory_space<vmem>> -> memref<125xi32, #tpu.memory_space<vmem>>
    %dma_start3A_22 = arith.constant 0 : i32
    %dma_start3A_23 = arith.constant 0 : i32
    %dma_start3A_24 = tpu.memref_slice %arg2[%dma_start3A_22, %dma_start3A_23] : memref<10000x128xf32, #tpu.memory_space<hbm>> -> memref<10000x128xf32, #tpu.memory_space<hbm>>
    tpu.enqueue_indirect_dma source(%dma_start3A_24 : memref<10000x128xf32, #tpu.memory_space<hbm>>) target(%arg9 : memref<125x128xf32, #tpu.memory_space<vmem>>) offsets(%dma_start3A_21 : memref<125xi32, #tpu.memory_space<vmem>>) semaphore(%arg11 : memref<!tpu.dma_semaphore, #tpu.memory_space<semaphore_mem>>)
    %barrier3A = arith.constant 0 : index
    tpu.barrier barrier_id(%barrier3A)
    %scan3A = arith.constant 0 : i32
    %scan3A_25 = arith.constant 20 : i32
    %scan3A_26 = arith.addi %scan3A, %scan3A_25 : i32
    %scan3A_27 = arith.constant 1 : i32
    scf.for %scan3A_55 = %scan3A to %scan3A_26 step %scan3A_27  : i32 {
      %mul3A_56 = arith.constant 1 : i32
      %mul3A_57 = arith.muli %scan3A_55, %mul3A_56 : i32
      %add3A_58 = arith.constant 0 : i32
      %add3A_59 = arith.addi %add3A_58, %mul3A_57 : i32
      %mul3A_60 = arith.constant 2 : i32
      %mul3A_61 = arith.muli %add3A_59, %mul3A_60 : i32
      %add3A_62 = arith.constant 0 : i32
      %add3A_63 = arith.addi %mul3A_61, %add3A_62 : i32
      %dma_wait3A = arith.constant 0 : i32
      %dma_wait3A_64 = arith.constant 0 : i32
      %dma_wait3A_65 = tpu.memref_slice %arg6[%dma_wait3A, %dma_wait3A_64] : memref<40x125xi32, #tpu.memory_space<vmem>> -> memref<1x125xi32, #tpu.memory_space<vmem>>
      %dma_wait3A_66 = tpu.memref_squeeze %dma_wait3A_65 : memref<1x125xi32, #tpu.memory_space<vmem>> -> memref<125xi32, #tpu.memory_space<vmem>>
      %dma_wait3A_67 = arith.constant 0 : i32
      %dma_wait3A_68 = arith.constant 0 : i32
      %dma_wait3A_69 = tpu.memref_slice %arg2[%dma_wait3A_67, %dma_wait3A_68] : memref<10000x128xf32, #tpu.memory_space<hbm>> -> memref<10000x128xf32, #tpu.memory_space<hbm>>
      tpu.wait_indirect_dma semaphore(%arg10 : memref<!tpu.dma_semaphore, #tpu.memory_space<semaphore_mem>>) src(%dma_wait3A_69 : memref<10000x128xf32, #tpu.memory_space<hbm>>) dst(%arg8 : memref<125x128xf32, #tpu.memory_space<vmem>>)
      "tpu.region"() ({
        %run_scoped3A = tpu.sem_alloc : memref<!tpu.dma_semaphore, #tpu.memory_space<semaphore_mem>>
        %dma_start3A_91 = arith.constant 0 : i32
        %dma_start3A_92 = tpu.memref_slice %arg7[%add3A_63, %dma_start3A_91] : memref<40x125xi32, #tpu.memory_space<vmem>> -> memref<1x125xi32, #tpu.memory_space<vmem>>
        %dma_start3A_93 = tpu.memref_squeeze %dma_start3A_92 : memref<1x125xi32, #tpu.memory_space<vmem>> -> memref<125xi32, #tpu.memory_space<vmem>>
        %dma_start3A_94 = arith.constant 0 : i32
        %dma_start3A_95 = arith.constant 0 : i32
        %dma_start3A_96 = tpu.memref_slice %arg12[%dma_start3A_94, %dma_start3A_95] : memref<10240x128xf32, #tpu.memory_space<vmem_shared>> -> memref<10240x128xf32, #tpu.memory_space<vmem_shared>>
        tpu.enqueue_indirect_dma source(%arg8 : memref<125x128xf32, #tpu.memory_space<vmem>>) target(%dma_start3A_96 : memref<10240x128xf32, #tpu.memory_space<vmem_shared>>) offsets(%dma_start3A_93 : memref<125xi32, #tpu.memory_space<vmem>>) semaphore(%run_scoped3A : memref<!tpu.dma_semaphore, #tpu.memory_space<semaphore_mem>>) {add = true}
        %dma_wait3A_97 = arith.constant 0 : i32
        %dma_wait3A_98 = tpu.memref_slice %arg7[%add3A_63, %dma_wait3A_97] : memref<40x125xi32, #tpu.memory_space<vmem>> -> memref<1x125xi32, #tpu.memory_space<vmem>>
        %dma_wait3A_99 = tpu.memref_squeeze %dma_wait3A_98 : memref<1x125xi32, #tpu.memory_space<vmem>> -> memref<125xi32, #tpu.memory_space<vmem>>
        %dma_wait3A_100 = arith.constant 0 : i32
        %dma_wait3A_101 = arith.constant 0 : i32
        %dma_wait3A_102 = tpu.memref_slice %arg12[%dma_wait3A_100, %dma_wait3A_101] : memref<10240x128xf32, #tpu.memory_space<vmem_shared>> -> memref<10240x128xf32, #tpu.memory_space<vmem_shared>>
        tpu.wait_indirect_dma semaphore(%run_scoped3A : memref<!tpu.dma_semaphore, #tpu.memory_space<semaphore_mem>>) src(%arg8 : memref<125x128xf32, #tpu.memory_space<vmem>>) dst(%dma_wait3A_102 : memref<10240x128xf32, #tpu.memory_space<vmem_shared>>)
        tpu.yield
      }) : () -> ()
      %lt3A_70 = arith.constant 19 : i32
      %lt3A_71 = arith.cmpi slt, %add3A_59, %lt3A_70 : i32
      %convert_element_type3A_72 = arith.extui %lt3A_71 : i1 to i32
      %cond3A_73 = arith.constant 0 : i32
      %cond3A_74 = arith.cmpi ne, %convert_element_type3A_72, %cond3A_73 : i32
      scf.if %cond3A_74 {
        %add3A_91 = arith.constant 2 : i32
        %add3A_92 = arith.addi %add3A_63, %add3A_91 : i32
        %dma_start3A_93 = arith.constant 0 : i32
        %dma_start3A_94 = tpu.memref_slice %arg6[%add3A_92, %dma_start3A_93] : memref<40x125xi32, #tpu.memory_space<vmem>> -> memref<1x125xi32, #tpu.memory_space<vmem>>
        %dma_start3A_95 = tpu.memref_squeeze %dma_start3A_94 : memref<1x125xi32, #tpu.memory_space<vmem>> -> memref<125xi32, #tpu.memory_space<vmem>>
        %dma_start3A_96 = arith.constant 0 : i32
        %dma_start3A_97 = arith.constant 0 : i32
        %dma_start3A_98 = tpu.memref_slice %arg2[%dma_start3A_96, %dma_start3A_97] : memref<10000x128xf32, #tpu.memory_space<hbm>> -> memref<10000x128xf32, #tpu.memory_space<hbm>>
        tpu.enqueue_indirect_dma source(%dma_start3A_98 : memref<10000x128xf32, #tpu.memory_space<hbm>>) target(%arg8 : memref<125x128xf32, #tpu.memory_space<vmem>>) offsets(%dma_start3A_95 : memref<125xi32, #tpu.memory_space<vmem>>) semaphore(%arg10 : memref<!tpu.dma_semaphore, #tpu.memory_space<semaphore_mem>>)
      } else {
      }
      %mul3A_75 = arith.constant 2 : i32
      %mul3A_76 = arith.muli %add3A_59, %mul3A_75 : i32
      %add3A_77 = arith.constant 1 : i32
      %add3A_78 = arith.addi %mul3A_76, %add3A_77 : i32
      %dma_wait3A_79 = arith.constant 0 : i32
      %dma_wait3A_80 = arith.constant 0 : i32
      %dma_wait3A_81 = tpu.memref_slice %arg6[%dma_wait3A_79, %dma_wait3A_80] : memref<40x125xi32, #tpu.memory_space<vmem>> -> memref<1x125xi32, #tpu.memory_space<vmem>>
      %dma_wait3A_82 = tpu.memref_squeeze %dma_wait3A_81 : memref<1x125xi32, #tpu.memory_space<vmem>> -> memref<125xi32, #tpu.memory_space<vmem>>
      %dma_wait3A_83 = arith.constant 0 : i32
      %dma_wait3A_84 = arith.constant 0 : i32
      %dma_wait3A_85 = tpu.memref_slice %arg2[%dma_wait3A_83, %dma_wait3A_84] : memref<10000x128xf32, #tpu.memory_space<hbm>> -> memref<10000x128xf32, #tpu.memory_space<hbm>>
      tpu.wait_indirect_dma semaphore(%arg11 : memref<!tpu.dma_semaphore, #tpu.memory_space<semaphore_mem>>) src(%dma_wait3A_85 : memref<10000x128xf32, #tpu.memory_space<hbm>>) dst(%arg9 : memref<125x128xf32, #tpu.memory_space<vmem>>)
      "tpu.region"() ({
        %run_scoped3A = tpu.sem_alloc : memref<!tpu.dma_semaphore, #tpu.memory_space<semaphore_mem>>
        %dma_start3A_91 = arith.constant 0 : i32
        %dma_start3A_92 = tpu.memref_slice %arg7[%add3A_78, %dma_start3A_91] : memref<40x125xi32, #tpu.memory_space<vmem>> -> memref<1x125xi32, #tpu.memory_space<vmem>>
        %dma_start3A_93 = tpu.memref_squeeze %dma_start3A_92 : memref<1x125xi32, #tpu.memory_space<vmem>> -> memref<125xi32, #tpu.memory_space<vmem>>
        %dma_start3A_94 = arith.constant 0 : i32
        %dma_start3A_95 = arith.constant 0 : i32
        %dma_start3A_96 = tpu.memref_slice %arg12[%dma_start3A_94, %dma_start3A_95] : memref<10240x128xf32, #tpu.memory_space<vmem_shared>> -> memref<10240x128xf32, #tpu.memory_space<vmem_shared>>
        tpu.enqueue_indirect_dma source(%arg9 : memref<125x128xf32, #tpu.memory_space<vmem>>) target(%dma_start3A_96 : memref<10240x128xf32, #tpu.memory_space<vmem_shared>>) offsets(%dma_start3A_93 : memref<125xi32, #tpu.memory_space<vmem>>) semaphore(%run_scoped3A : memref<!tpu.dma_semaphore, #tpu.memory_space<semaphore_mem>>) {add = true}
        %dma_wait3A_97 = arith.constant 0 : i32
        %dma_wait3A_98 = tpu.memref_slice %arg7[%add3A_78, %dma_wait3A_97] : memref<40x125xi32, #tpu.memory_space<vmem>> -> memref<1x125xi32, #tpu.memory_space<vmem>>
        %dma_wait3A_99 = tpu.memref_squeeze %dma_wait3A_98 : memref<1x125xi32, #tpu.memory_space<vmem>> -> memref<125xi32, #tpu.memory_space<vmem>>
        %dma_wait3A_100 = arith.constant 0 : i32
        %dma_wait3A_101 = arith.constant 0 : i32
        %dma_wait3A_102 = tpu.memref_slice %arg12[%dma_wait3A_100, %dma_wait3A_101] : memref<10240x128xf32, #tpu.memory_space<vmem_shared>> -> memref<10240x128xf32, #tpu.memory_space<vmem_shared>>
        tpu.wait_indirect_dma semaphore(%run_scoped3A : memref<!tpu.dma_semaphore, #tpu.memory_space<semaphore_mem>>) src(%arg9 : memref<125x128xf32, #tpu.memory_space<vmem>>) dst(%dma_wait3A_102 : memref<10240x128xf32, #tpu.memory_space<vmem_shared>>)
        tpu.yield
      }) : () -> ()
      %lt3A_86 = arith.constant 19 : i32
      %lt3A_87 = arith.cmpi slt, %add3A_59, %lt3A_86 : i32
      %convert_element_type3A_88 = arith.extui %lt3A_87 : i1 to i32
      %cond3A_89 = arith.constant 0 : i32
      %cond3A_90 = arith.cmpi ne, %convert_element_type3A_88, %cond3A_89 : i32
      scf.if %cond3A_90 {
        %add3A_91 = arith.constant 2 : i32
        %add3A_92 = arith.addi %add3A_78, %add3A_91 : i32
        %dma_start3A_93 = arith.constant 0 : i32
        %dma_start3A_94 = tpu.memref_slice %arg6[%add3A_92, %dma_start3A_93] : memref<40x125xi32, #tpu.memory_space<vmem>> -> memref<1x125xi32, #tpu.memory_space<vmem>>
        %dma_start3A_95 = tpu.memref_squeeze %dma_start3A_94 : memref<1x125xi32, #tpu.memory_space<vmem>> -> memref<125xi32, #tpu.memory_space<vmem>>
        %dma_start3A_96 = arith.constant 0 : i32
        %dma_start3A_97 = arith.constant 0 : i32
        %dma_start3A_98 = tpu.memref_slice %arg2[%dma_start3A_96, %dma_start3A_97] : memref<10000x128xf32, #tpu.memory_space<hbm>> -> memref<10000x128xf32, #tpu.memory_space<hbm>>
        tpu.enqueue_indirect_dma source(%dma_start3A_98 : memref<10000x128xf32, #tpu.memory_space<hbm>>) target(%arg9 : memref<125x128xf32, #tpu.memory_space<vmem>>) offsets(%dma_start3A_95 : memref<125xi32, #tpu.memory_space<vmem>>) semaphore(%arg11 : memref<!tpu.dma_semaphore, #tpu.memory_space<semaphore_mem>>)
      } else {
      }
    }
    %scan3A_28 = arith.constant 20 : i32
    %mul3A_29 = arith.constant 16 : i32
    %mul3A_30 = arith.muli %arg0, %mul3A_29 : i32
    %add3A_31 = arith.addi %mul3A_30, %arg1 : i32
    "tpu.region"() ({
      %run_scoped3A = tpu.sem_alloc : memref<!tpu.dma_semaphore, #tpu.memory_space<semaphore_mem>>
      %dma_start3A_55 = arith.constant 40 : i32
      %dma_start3A_56 = arith.constant 0 : i32
      %dma_start3A_57 = tpu.memref_slice %arg3[%add3A_31, %dma_start3A_55, %dma_start3A_56] : memref<32x80x125xi32, #tpu.memory_space<hbm>> -> memref<1x40x125xi32, #tpu.memory_space<hbm>>
      %dma_start3A_58 = tpu.memref_squeeze %dma_start3A_57 : memref<1x40x125xi32, #tpu.memory_space<hbm>> -> memref<40x125xi32, #tpu.memory_space<hbm>>
      %dma_start3A_59 = arith.constant 40 : i32
      %dma_start3A_60 = arith.constant 0 : i32
      %dma_start3A_61 = tpu.memref_slice %arg3[%add3A_31, %dma_start3A_59, %dma_start3A_60] : memref<32x80x125xi32, #tpu.memory_space<hbm>> -> memref<1x40x125xi32, #tpu.memory_space<hbm>>
      %dma_start3A_62 = tpu.memref_squeeze %dma_start3A_61 : memref<1x40x125xi32, #tpu.memory_space<hbm>> -> memref<40x125xi32, #tpu.memory_space<hbm>>
      tpu.enqueue_dma source(%dma_start3A_62 : memref<40x125xi32, #tpu.memory_space<hbm>>) target(%arg6 : memref<40x125xi32, #tpu.memory_space<vmem>>) target_semaphore(%run_scoped3A : memref<!tpu.dma_semaphore, #tpu.memory_space<semaphore_mem>>)
      %dma_wait3A = arith.constant 40 : i32
      %dma_wait3A_63 = arith.constant 0 : i32
      %dma_wait3A_64 = tpu.memref_slice %arg3[%add3A_31, %dma_wait3A, %dma_wait3A_63] : memref<32x80x125xi32, #tpu.memory_space<hbm>> -> memref<1x40x125xi32, #tpu.memory_space<hbm>>
      %dma_wait3A_65 = tpu.memref_squeeze %dma_wait3A_64 : memref<1x40x125xi32, #tpu.memory_space<hbm>> -> memref<40x125xi32, #tpu.memory_space<hbm>>
      %dma_wait3A_66 = arith.constant 40 : i32
      %dma_wait3A_67 = arith.constant 0 : i32
      %dma_wait3A_68 = tpu.memref_slice %arg3[%add3A_31, %dma_wait3A_66, %dma_wait3A_67] : memref<32x80x125xi32, #tpu.memory_space<hbm>> -> memref<1x40x125xi32, #tpu.memory_space<hbm>>
      %dma_wait3A_69 = tpu.memref_squeeze %dma_wait3A_68 : memref<1x40x125xi32, #tpu.memory_space<hbm>> -> memref<40x125xi32, #tpu.memory_space<hbm>>
      tpu.wait_dma2 semaphore(%run_scoped3A : memref<!tpu.dma_semaphore, #tpu.memory_space<semaphore_mem>>) src(%dma_wait3A_69 : memref<40x125xi32, #tpu.memory_space<hbm>>) dst(%arg6 : memref<40x125xi32, #tpu.memory_space<vmem>>)
      tpu.yield
    }) : () -> ()
    %mul3A_32 = arith.constant 16 : i32
    %mul3A_33 = arith.muli %arg0, %mul3A_32 : i32
    %add3A_34 = arith.addi %mul3A_33, %arg1 : i32
    "tpu.region"() ({
      %run_scoped3A = tpu.sem_alloc : memref<!tpu.dma_semaphore, #tpu.memory_space<semaphore_mem>>
      %dma_start3A_55 = arith.constant 40 : i32
      %dma_start3A_56 = arith.constant 0 : i32
      %dma_start3A_57 = tpu.memref_slice %arg4[%add3A_34, %dma_start3A_55, %dma_start3A_56] : memref<32x80x125xi32, #tpu.memory_space<hbm>> -> memref<1x40x125xi32, #tpu.memory_space<hbm>>
      %dma_start3A_58 = tpu.memref_squeeze %dma_start3A_57 : memref<1x40x125xi32, #tpu.memory_space<hbm>> -> memref<40x125xi32, #tpu.memory_space<hbm>>
      %dma_start3A_59 = arith.constant 40 : i32
      %dma_start3A_60 = arith.constant 0 : i32
      %dma_start3A_61 = tpu.memref_slice %arg4[%add3A_34, %dma_start3A_59, %dma_start3A_60] : memref<32x80x125xi32, #tpu.memory_space<hbm>> -> memref<1x40x125xi32, #tpu.memory_space<hbm>>
      %dma_start3A_62 = tpu.memref_squeeze %dma_start3A_61 : memref<1x40x125xi32, #tpu.memory_space<hbm>> -> memref<40x125xi32, #tpu.memory_space<hbm>>
      tpu.enqueue_dma source(%dma_start3A_62 : memref<40x125xi32, #tpu.memory_space<hbm>>) target(%arg7 : memref<40x125xi32, #tpu.memory_space<vmem>>) target_semaphore(%run_scoped3A : memref<!tpu.dma_semaphore, #tpu.memory_space<semaphore_mem>>)
      %dma_wait3A = arith.constant 40 : i32
      %dma_wait3A_63 = arith.constant 0 : i32
      %dma_wait3A_64 = tpu.memref_slice %arg4[%add3A_34, %dma_wait3A, %dma_wait3A_63] : memref<32x80x125xi32, #tpu.memory_space<hbm>> -> memref<1x40x125xi32, #tpu.memory_space<hbm>>
      %dma_wait3A_65 = tpu.memref_squeeze %dma_wait3A_64 : memref<1x40x125xi32, #tpu.memory_space<hbm>> -> memref<40x125xi32, #tpu.memory_space<hbm>>
      %dma_wait3A_66 = arith.constant 40 : i32
      %dma_wait3A_67 = arith.constant 0 : i32
      %dma_wait3A_68 = tpu.memref_slice %arg4[%add3A_34, %dma_wait3A_66, %dma_wait3A_67] : memref<32x80x125xi32, #tpu.memory_space<hbm>> -> memref<1x40x125xi32, #tpu.memory_space<hbm>>
      %dma_wait3A_69 = tpu.memref_squeeze %dma_wait3A_68 : memref<1x40x125xi32, #tpu.memory_space<hbm>> -> memref<40x125xi32, #tpu.memory_space<hbm>>
      tpu.wait_dma2 semaphore(%run_scoped3A : memref<!tpu.dma_semaphore, #tpu.memory_space<semaphore_mem>>) src(%dma_wait3A_69 : memref<40x125xi32, #tpu.memory_space<hbm>>) dst(%arg7 : memref<40x125xi32, #tpu.memory_space<vmem>>)
      tpu.yield
    }) : () -> ()
    %dma_start3A_35 = arith.constant 0 : i32
    %dma_start3A_36 = arith.constant 0 : i32
    %dma_start3A_37 = tpu.memref_slice %arg6[%dma_start3A_35, %dma_start3A_36] : memref<40x125xi32, #tpu.memory_space<vmem>> -> memref<1x125xi32, #tpu.memory_space<vmem>>
    %dma_start3A_38 = tpu.memref_squeeze %dma_start3A_37 : memref<1x125xi32, #tpu.memory_space<vmem>> -> memref<125xi32, #tpu.memory_space<vmem>>
    %dma_start3A_39 = arith.constant 0 : i32
    %dma_start3A_40 = arith.constant 0 : i32
    %dma_start3A_41 = tpu.memref_slice %arg2[%dma_start3A_39, %dma_start3A_40] : memref<10000x128xf32, #tpu.memory_space<hbm>> -> memref<10000x128xf32, #tpu.memory_space<hbm>>
    tpu.enqueue_indirect_dma source(%dma_start3A_41 : memref<10000x128xf32, #tpu.memory_space<hbm>>) target(%arg8 : memref<125x128xf32, #tpu.memory_space<vmem>>) offsets(%dma_start3A_38 : memref<125xi32, #tpu.memory_space<vmem>>) semaphore(%arg10 : memref<!tpu.dma_semaphore, #tpu.memory_space<semaphore_mem>>)
    %dma_start3A_42 = arith.constant 1 : i32
    %dma_start3A_43 = arith.constant 0 : i32
    %dma_start3A_44 = tpu.memref_slice %arg6[%dma_start3A_42, %dma_start3A_43] : memref<40x125xi32, #tpu.memory_space<vmem>> -> memref<1x125xi32, #tpu.memory_space<vmem>>
    %dma_start3A_45 = tpu.memref_squeeze %dma_start3A_44 : memref<1x125xi32, #tpu.memory_space<vmem>> -> memref<125xi32, #tpu.memory_space<vmem>>
    %dma_start3A_46 = arith.constant 0 : i32
    %dma_start3A_47 = arith.constant 0 : i32
    %dma_start3A_48 = tpu.memref_slice %arg2[%dma_start3A_46, %dma_start3A_47] : memref<10000x128xf32, #tpu.memory_space<hbm>> -> memref<10000x128xf32, #tpu.memory_space<hbm>>
    tpu.enqueue_indirect_dma source(%dma_start3A_48 : memref<10000x128xf32, #tpu.memory_space<hbm>>) target(%arg9 : memref<125x128xf32, #tpu.memory_space<vmem>>) offsets(%dma_start3A_45 : memref<125xi32, #tpu.memory_space<vmem>>) semaphore(%arg11 : memref<!tpu.dma_semaphore, #tpu.memory_space<semaphore_mem>>)
    %scan3A_49 = arith.constant 0 : i32
    %scan3A_50 = arith.constant 20 : i32
    %scan3A_51 = arith.addi %scan3A_49, %scan3A_50 : i32
    %scan3A_52 = arith.constant 1 : i32
    scf.for %scan3A_55 = %scan3A_49 to %scan3A_51 step %scan3A_52  : i32 {
      %mul3A_56 = arith.constant 1 : i32
      %mul3A_57 = arith.muli %scan3A_55, %mul3A_56 : i32
      %add3A_58 = arith.constant 0 : i32
      %add3A_59 = arith.addi %add3A_58, %mul3A_57 : i32
      %mul3A_60 = arith.constant 2 : i32
      %mul3A_61 = arith.muli %add3A_59, %mul3A_60 : i32
      %add3A_62 = arith.constant 0 : i32
      %add3A_63 = arith.addi %mul3A_61, %add3A_62 : i32
      %dma_wait3A = arith.constant 0 : i32
      %dma_wait3A_64 = arith.constant 0 : i32
      %dma_wait3A_65 = tpu.memref_slice %arg6[%dma_wait3A, %dma_wait3A_64] : memref<40x125xi32, #tpu.memory_space<vmem>> -> memref<1x125xi32, #tpu.memory_space<vmem>>
      %dma_wait3A_66 = tpu.memref_squeeze %dma_wait3A_65 : memref<1x125xi32, #tpu.memory_space<vmem>> -> memref<125xi32, #tpu.memory_space<vmem>>
      %dma_wait3A_67 = arith.constant 0 : i32
      %dma_wait3A_68 = arith.constant 0 : i32
      %dma_wait3A_69 = tpu.memref_slice %arg2[%dma_wait3A_67, %dma_wait3A_68] : memref<10000x128xf32, #tpu.memory_space<hbm>> -> memref<10000x128xf32, #tpu.memory_space<hbm>>
      tpu.wait_indirect_dma semaphore(%arg10 : memref<!tpu.dma_semaphore, #tpu.memory_space<semaphore_mem>>) src(%dma_wait3A_69 : memref<10000x128xf32, #tpu.memory_space<hbm>>) dst(%arg8 : memref<125x128xf32, #tpu.memory_space<vmem>>)
      "tpu.region"() ({
        %run_scoped3A = tpu.sem_alloc : memref<!tpu.dma_semaphore, #tpu.memory_space<semaphore_mem>>
        %dma_start3A_91 = arith.constant 0 : i32
        %dma_start3A_92 = tpu.memref_slice %arg7[%add3A_63, %dma_start3A_91] : memref<40x125xi32, #tpu.memory_space<vmem>> -> memref<1x125xi32, #tpu.memory_space<vmem>>
        %dma_start3A_93 = tpu.memref_squeeze %dma_start3A_92 : memref<1x125xi32, #tpu.memory_space<vmem>> -> memref<125xi32, #tpu.memory_space<vmem>>
        %dma_start3A_94 = arith.constant 0 : i32
        %dma_start3A_95 = arith.constant 0 : i32
        %dma_start3A_96 = tpu.memref_slice %arg12[%dma_start3A_94, %dma_start3A_95] : memref<10240x128xf32, #tpu.memory_space<vmem_shared>> -> memref<10240x128xf32, #tpu.memory_space<vmem_shared>>
        tpu.enqueue_indirect_dma source(%arg8 : memref<125x128xf32, #tpu.memory_space<vmem>>) target(%dma_start3A_96 : memref<10240x128xf32, #tpu.memory_space<vmem_shared>>) offsets(%dma_start3A_93 : memref<125xi32, #tpu.memory_space<vmem>>) semaphore(%run_scoped3A : memref<!tpu.dma_semaphore, #tpu.memory_space<semaphore_mem>>) {add = true}
        %dma_wait3A_97 = arith.constant 0 : i32
        %dma_wait3A_98 = tpu.memref_slice %arg7[%add3A_63, %dma_wait3A_97] : memref<40x125xi32, #tpu.memory_space<vmem>> -> memref<1x125xi32, #tpu.memory_space<vmem>>
        %dma_wait3A_99 = tpu.memref_squeeze %dma_wait3A_98 : memref<1x125xi32, #tpu.memory_space<vmem>> -> memref<125xi32, #tpu.memory_space<vmem>>
        %dma_wait3A_100 = arith.constant 0 : i32
        %dma_wait3A_101 = arith.constant 0 : i32
        %dma_wait3A_102 = tpu.memref_slice %arg12[%dma_wait3A_100, %dma_wait3A_101] : memref<10240x128xf32, #tpu.memory_space<vmem_shared>> -> memref<10240x128xf32, #tpu.memory_space<vmem_shared>>
        tpu.wait_indirect_dma semaphore(%run_scoped3A : memref<!tpu.dma_semaphore, #tpu.memory_space<semaphore_mem>>) src(%arg8 : memref<125x128xf32, #tpu.memory_space<vmem>>) dst(%dma_wait3A_102 : memref<10240x128xf32, #tpu.memory_space<vmem_shared>>)
        tpu.yield
      }) : () -> ()
      %lt3A_70 = arith.constant 19 : i32
      %lt3A_71 = arith.cmpi slt, %add3A_59, %lt3A_70 : i32
      %convert_element_type3A_72 = arith.extui %lt3A_71 : i1 to i32
      %cond3A_73 = arith.constant 0 : i32
      %cond3A_74 = arith.cmpi ne, %convert_element_type3A_72, %cond3A_73 : i32
      scf.if %cond3A_74 {
        %add3A_91 = arith.constant 2 : i32
        %add3A_92 = arith.addi %add3A_63, %add3A_91 : i32
        %dma_start3A_93 = arith.constant 0 : i32
        %dma_start3A_94 = tpu.memref_slice %arg6[%add3A_92, %dma_start3A_93] : memref<40x125xi32, #tpu.memory_space<vmem>> -> memref<1x125xi32, #tpu.memory_space<vmem>>
        %dma_start3A_95 = tpu.memref_squeeze %dma_start3A_94 : memref<1x125xi32, #tpu.memory_space<vmem>> -> memref<125xi32, #tpu.memory_space<vmem>>
        %dma_start3A_96 = arith.constant 0 : i32
        %dma_start3A_97 = arith.constant 0 : i32
        %dma_start3A_98 = tpu.memref_slice %arg2[%dma_start3A_96, %dma_start3A_97] : memref<10000x128xf32, #tpu.memory_space<hbm>> -> memref<10000x128xf32, #tpu.memory_space<hbm>>
        tpu.enqueue_indirect_dma source(%dma_start3A_98 : memref<10000x128xf32, #tpu.memory_space<hbm>>) target(%arg8 : memref<125x128xf32, #tpu.memory_space<vmem>>) offsets(%dma_start3A_95 : memref<125xi32, #tpu.memory_space<vmem>>) semaphore(%arg10 : memref<!tpu.dma_semaphore, #tpu.memory_space<semaphore_mem>>)
      } else {
      }
      %mul3A_75 = arith.constant 2 : i32
      %mul3A_76 = arith.muli %add3A_59, %mul3A_75 : i32
      %add3A_77 = arith.constant 1 : i32
      %add3A_78 = arith.addi %mul3A_76, %add3A_77 : i32
      %dma_wait3A_79 = arith.constant 0 : i32
      %dma_wait3A_80 = arith.constant 0 : i32
      %dma_wait3A_81 = tpu.memref_slice %arg6[%dma_wait3A_79, %dma_wait3A_80] : memref<40x125xi32, #tpu.memory_space<vmem>> -> memref<1x125xi32, #tpu.memory_space<vmem>>
      %dma_wait3A_82 = tpu.memref_squeeze %dma_wait3A_81 : memref<1x125xi32, #tpu.memory_space<vmem>> -> memref<125xi32, #tpu.memory_space<vmem>>
      %dma_wait3A_83 = arith.constant 0 : i32
      %dma_wait3A_84 = arith.constant 0 : i32
      %dma_wait3A_85 = tpu.memref_slice %arg2[%dma_wait3A_83, %dma_wait3A_84] : memref<10000x128xf32, #tpu.memory_space<hbm>> -> memref<10000x128xf32, #tpu.memory_space<hbm>>
      tpu.wait_indirect_dma semaphore(%arg11 : memref<!tpu.dma_semaphore, #tpu.memory_space<semaphore_mem>>) src(%dma_wait3A_85 : memref<10000x128xf32, #tpu.memory_space<hbm>>) dst(%arg9 : memref<125x128xf32, #tpu.memory_space<vmem>>)
      "tpu.region"() ({
        %run_scoped3A = tpu.sem_alloc : memref<!tpu.dma_semaphore, #tpu.memory_space<semaphore_mem>>
        %dma_start3A_91 = arith.constant 0 : i32
        %dma_start3A_92 = tpu.memref_slice %arg7[%add3A_78, %dma_start3A_91] : memref<40x125xi32, #tpu.memory_space<vmem>> -> memref<1x125xi32, #tpu.memory_space<vmem>>
        %dma_start3A_93 = tpu.memref_squeeze %dma_start3A_92 : memref<1x125xi32, #tpu.memory_space<vmem>> -> memref<125xi32, #tpu.memory_space<vmem>>
        %dma_start3A_94 = arith.constant 0 : i32
        %dma_start3A_95 = arith.constant 0 : i32
        %dma_start3A_96 = tpu.memref_slice %arg12[%dma_start3A_94, %dma_start3A_95] : memref<10240x128xf32, #tpu.memory_space<vmem_shared>> -> memref<10240x128xf32, #tpu.memory_space<vmem_shared>>
        tpu.enqueue_indirect_dma source(%arg9 : memref<125x128xf32, #tpu.memory_space<vmem>>) target(%dma_start3A_96 : memref<10240x128xf32, #tpu.memory_space<vmem_shared>>) offsets(%dma_start3A_93 : memref<125xi32, #tpu.memory_space<vmem>>) semaphore(%run_scoped3A : memref<!tpu.dma_semaphore, #tpu.memory_space<semaphore_mem>>) {add = true}
        %dma_wait3A_97 = arith.constant 0 : i32
        %dma_wait3A_98 = tpu.memref_slice %arg7[%add3A_78, %dma_wait3A_97] : memref<40x125xi32, #tpu.memory_space<vmem>> -> memref<1x125xi32, #tpu.memory_space<vmem>>
        %dma_wait3A_99 = tpu.memref_squeeze %dma_wait3A_98 : memref<1x125xi32, #tpu.memory_space<vmem>> -> memref<125xi32, #tpu.memory_space<vmem>>
        %dma_wait3A_100 = arith.constant 0 : i32
        %dma_wait3A_101 = arith.constant 0 : i32
        %dma_wait3A_102 = tpu.memref_slice %arg12[%dma_wait3A_100, %dma_wait3A_101] : memref<10240x128xf32, #tpu.memory_space<vmem_shared>> -> memref<10240x128xf32, #tpu.memory_space<vmem_shared>>
        tpu.wait_indirect_dma semaphore(%run_scoped3A : memref<!tpu.dma_semaphore, #tpu.memory_space<semaphore_mem>>) src(%arg9 : memref<125x128xf32, #tpu.memory_space<vmem>>) dst(%dma_wait3A_102 : memref<10240x128xf32, #tpu.memory_space<vmem_shared>>)
        tpu.yield
      }) : () -> ()
      %lt3A_86 = arith.constant 19 : i32
      %lt3A_87 = arith.cmpi slt, %add3A_59, %lt3A_86 : i32
      %convert_element_type3A_88 = arith.extui %lt3A_87 : i1 to i32
      %cond3A_89 = arith.constant 0 : i32
      %cond3A_90 = arith.cmpi ne, %convert_element_type3A_88, %cond3A_89 : i32
      scf.if %cond3A_90 {
        %add3A_91 = arith.constant 2 : i32
        %add3A_92 = arith.addi %add3A_78, %add3A_91 : i32
        %dma_start3A_93 = arith.constant 0 : i32
        %dma_start3A_94 = tpu.memref_slice %arg6[%add3A_92, %dma_start3A_93] : memref<40x125xi32, #tpu.memory_space<vmem>> -> memref<1x125xi32, #tpu.memory_space<vmem>>
        %dma_start3A_95 = tpu.memref_squeeze %dma_start3A_94 : memref<1x125xi32, #tpu.memory_space<vmem>> -> memref<125xi32, #tpu.memory_space<vmem>>
        %dma_start3A_96 = arith.constant 0 : i32
        %dma_start3A_97 = arith.constant 0 : i32
        %dma_start3A_98 = tpu.memref_slice %arg2[%dma_start3A_96, %dma_start3A_97] : memref<10000x128xf32, #tpu.memory_space<hbm>> -> memref<10000x128xf32, #tpu.memory_space<hbm>>
        tpu.enqueue_indirect_dma source(%dma_start3A_98 : memref<10000x128xf32, #tpu.memory_space<hbm>>) target(%arg9 : memref<125x128xf32, #tpu.memory_space<vmem>>) offsets(%dma_start3A_95 : memref<125xi32, #tpu.memory_space<vmem>>) semaphore(%arg11 : memref<!tpu.dma_semaphore, #tpu.memory_space<semaphore_mem>>)
      } else {
      }
    }
    %scan3A_53 = arith.constant 20 : i32
    %barrier3A_54 = arith.constant 0 : index
    tpu.barrier barrier_id(%barrier3A_54)
    "tpu.region"() ({
      %run_scoped3A = tpu.sem_alloc : memref<!tpu.dma_semaphore, #tpu.memory_space<semaphore_mem>>
      %dma_start3A_55 = arith.constant 0 : i32
      %dma_start3A_56 = tpu.memref_slice %arg5[%arg0, %mul3A_0, %dma_start3A_55] : memref<2x10240x128xf32, #tpu.memory_space<hbm>> -> memref<1x640x128xf32, #tpu.memory_space<hbm>>
      %dma_start3A_57 = tpu.memref_squeeze %dma_start3A_56 : memref<1x640x128xf32, #tpu.memory_space<hbm>> -> memref<640x128xf32, #tpu.memory_space<hbm>>
      %dma_start3A_58 = arith.constant 0 : i32
      %dma_start3A_59 = tpu.memref_slice %arg12[%mul3A_0, %dma_start3A_58] : memref<10240x128xf32, #tpu.memory_space<vmem_shared>> -> memref<640x128xf32, #tpu.memory_space<vmem_shared>>
      tpu.enqueue_dma source(%dma_start3A_59 : memref<640x128xf32, #tpu.memory_space<vmem_shared>>) target(%dma_start3A_57 : memref<640x128xf32, #tpu.memory_space<hbm>>) target_semaphore(%run_scoped3A : memref<!tpu.dma_semaphore, #tpu.memory_space<semaphore_mem>>)
      %dma_wait3A = arith.constant 0 : i32
      %dma_wait3A_60 = tpu.memref_slice %arg5[%arg0, %mul3A_0, %dma_wait3A] : memref<2x10240x128xf32, #tpu.memory_space<hbm>> -> memref<1x640x128xf32, #tpu.memory_space<hbm>>
      %dma_wait3A_61 = tpu.memref_squeeze %dma_wait3A_60 : memref<1x640x128xf32, #tpu.memory_space<hbm>> -> memref<640x128xf32, #tpu.memory_space<hbm>>
      %dma_wait3A_62 = arith.constant 0 : i32
      %dma_wait3A_63 = tpu.memref_slice %arg12[%mul3A_0, %dma_wait3A_62] : memref<10240x128xf32, #tpu.memory_space<vmem_shared>> -> memref<640x128xf32, #tpu.memory_space<vmem_shared>>
      tpu.wait_dma2 semaphore(%run_scoped3A : memref<!tpu.dma_semaphore, #tpu.memory_space<semaphore_mem>>) src(%dma_wait3A_63 : memref<640x128xf32, #tpu.memory_space<vmem_shared>>) dst(%dma_wait3A_61 : memref<640x128xf32, #tpu.memory_space<hbm>>)
      tpu.yield
    }) : () -> ()
    return
  }
}

#map = affine_map<(d0, d1) -> (0, 0)>
#map1 = affine_map<(d0, d1) -> (0, 0, 0)>
module attributes {stable_mosaic.version = 14 : i64} {
  func.func @_sc_aggregate(%arg0: i32, %arg1: i32, %arg2: memref<10000x128xf32, #tpu.memory_space<hbm>>, %arg3: memref<32x80x125xi32, #tpu.memory_space<hbm>>, %arg4: memref<32x80x125xi32, #tpu.memory_space<hbm>>, %arg5: memref<2x10240x128xf32, #tpu.memory_space<hbm>>, %arg6: memref<40x125xi32, #tpu.memory_space<vmem>>, %arg7: memref<40x125xi32, #tpu.memory_space<vmem>>, %arg8: memref<125x128xf32, #tpu.memory_space<vmem>>, %arg9: memref<125x128xf32, #tpu.memory_space<vmem>>, %arg10: memref<!tpu.dma_semaphore, #tpu.memory_space<semaphore_mem>>, %arg11: memref<!tpu.dma_semaphore, #tpu.memory_space<semaphore_mem>>, %arg12: memref<10240x128xf32, #tpu.memory_space<vmem_shared>>) attributes {dimension_semantics = [#tpu.dimension_semantics<core_parallel>, #tpu.dimension_semantics<subcore_parallel>], iteration_bounds = array<i64: 2, 16>, scalar_prefetch = 0 : i64, scratch_operands = 7 : i64, tpu.core_type = #tpu.core_type<sc_vector_subcore>, window_params = [{transform_indices = #map}, {transform_indices = #map1}, {transform_indices = #map1}, {transform_indices = #map1}]} {
    %mul3A = arith.constant 640 : i32
    %mul3A_0 = arith.muli %arg1, %mul3A : i32
    %lt3A = arith.constant 15 : i32
    %lt3A_1 = arith.cmpi slt, %arg1, %lt3A : i32
    %convert_element_type3A = arith.extui %lt3A_1 : i1 to i32
    %cond3A = arith.constant 0 : i32
    %cond3A_2 = arith.cmpi ne, %convert_element_type3A, %cond3A : i32
    scf.if %cond3A_2 {
      "tpu.region"() ({
        %run_scoped3A = tpu.sem_alloc : memref<!tpu.dma_semaphore, #tpu.memory_space<semaphore_mem>>
        %dma_start3A_55 = arith.constant 0 : i32
        %dma_start3A_56 = tpu.memref_slice %arg12[%mul3A_0, %dma_start3A_55] : memref<10240x128xf32, #tpu.memory_space<vmem_shared>> -> memref<640x128xf32, #tpu.memory_space<vmem_shared>>
        %dma_start3A_57 = arith.constant 0 : i32
        %dma_start3A_58 = tpu.memref_slice %arg2[%mul3A_0, %dma_start3A_57] : memref<10000x128xf32, #tpu.memory_space<hbm>> -> memref<640x128xf32, #tpu.memory_space<hbm>>
        tpu.enqueue_dma source(%dma_start3A_58 : memref<640x128xf32, #tpu.memory_space<hbm>>) target(%dma_start3A_56 : memref<640x128xf32, #tpu.memory_space<vmem_shared>>) target_semaphore(%run_scoped3A : memref<!tpu.dma_semaphore, #tpu.memory_space<semaphore_mem>>)
        %dma_wait3A = arith.constant 0 : i32
        %dma_wait3A_59 = tpu.memref_slice %arg12[%mul3A_0, %dma_wait3A] : memref<10240x128xf32, #tpu.memory_space<vmem_shared>> -> memref<640x128xf32, #tpu.memory_space<vmem_shared>>
        %dma_wait3A_60 = arith.constant 0 : i32
        %dma_wait3A_61 = tpu.memref_slice %arg2[%mul3A_0, %dma_wait3A_60] : memref<10000x128xf32, #tpu.memory_space<hbm>> -> memref<640x128xf32, #tpu.memory_space<hbm>>
        tpu.wait_dma2 semaphore(%run_scoped3A : memref<!tpu.dma_semaphore, #tpu.memory_space<semaphore_mem>>) src(%dma_wait3A_61 : memref<640x128xf32, #tpu.memory_space<hbm>>) dst(%dma_wait3A_59 : memref<640x128xf32, #tpu.memory_space<vmem_shared>>)
        tpu.yield
      }) : () -> ()
    } else {
    }
    %eq3A = arith.constant 15 : i32
    %eq3A_3 = arith.cmpi eq, %arg1, %eq3A : i32
    %convert_element_type3A_4 = arith.extui %eq3A_3 : i1 to i32
    %cond3A_5 = arith.constant 0 : i32
    %cond3A_6 = arith.cmpi ne, %convert_element_type3A_4, %cond3A_5 : i32
    scf.if %cond3A_6 {
      "tpu.region"() ({
        %run_scoped3A = tpu.sem_alloc : memref<!tpu.dma_semaphore, #tpu.memory_space<semaphore_mem>>
        %dma_start3A_55 = arith.constant 0 : i32
        %dma_start3A_56 = tpu.memref_slice %arg12[%mul3A_0, %dma_start3A_55] : memref<10240x128xf32, #tpu.memory_space<vmem_shared>> -> memref<400x128xf32, #tpu.memory_space<vmem_shared>>
        %dma_start3A_57 = arith.constant 0 : i32
        %dma_start3A_58 = tpu.memref_slice %arg2[%mul3A_0, %dma_start3A_57] : memref<10000x128xf32, #tpu.memory_space<hbm>> -> memref<400x128xf32, #tpu.memory_space<hbm>>
        tpu.enqueue_dma source(%dma_start3A_58 : memref<400x128xf32, #tpu.memory_space<hbm>>) target(%dma_start3A_56 : memref<400x128xf32, #tpu.memory_space<vmem_shared>>) target_semaphore(%run_scoped3A : memref<!tpu.dma_semaphore, #tpu.memory_space<semaphore_mem>>)
        %dma_wait3A = arith.constant 0 : i32
        %dma_wait3A_59 = tpu.memref_slice %arg12[%mul3A_0, %dma_wait3A] : memref<10240x128xf32, #tpu.memory_space<vmem_shared>> -> memref<400x128xf32, #tpu.memory_space<vmem_shared>>
        %dma_wait3A_60 = arith.constant 0 : i32
        %dma_wait3A_61 = tpu.memref_slice %arg2[%mul3A_0, %dma_wait3A_60] : memref<10000x128xf32, #tpu.memory_space<hbm>> -> memref<400x128xf32, #tpu.memory_space<hbm>>
        tpu.wait_dma2 semaphore(%run_scoped3A : memref<!tpu.dma_semaphore, #tpu.memory_space<semaphore_mem>>) src(%dma_wait3A_61 : memref<400x128xf32, #tpu.memory_space<hbm>>) dst(%dma_wait3A_59 : memref<400x128xf32, #tpu.memory_space<vmem_shared>>)
        tpu.yield
      }) : () -> ()
    } else {
    }
    %mul3A_7 = arith.constant 16 : i32
    %mul3A_8 = arith.muli %arg0, %mul3A_7 : i32
    %add3A = arith.addi %mul3A_8, %arg1 : i32
    "tpu.region"() ({
      %run_scoped3A = tpu.sem_alloc : memref<!tpu.dma_semaphore, #tpu.memory_space<semaphore_mem>>
      %dma_start3A_55 = arith.constant 0 : i32
      %dma_start3A_56 = arith.constant 0 : i32
      %dma_start3A_57 = tpu.memref_slice %arg3[%add3A, %dma_start3A_55, %dma_start3A_56] : memref<32x80x125xi32, #tpu.memory_space<hbm>> -> memref<1x40x125xi32, #tpu.memory_space<hbm>>
      %dma_start3A_58 = tpu.memref_squeeze %dma_start3A_57 : memref<1x40x125xi32, #tpu.memory_space<hbm>> -> memref<40x125xi32, #tpu.memory_space<hbm>>
      %dma_start3A_59 = arith.constant 0 : i32
      %dma_start3A_60 = arith.constant 0 : i32
      %dma_start3A_61 = tpu.memref_slice %arg3[%add3A, %dma_start3A_59, %dma_start3A_60] : memref<32x80x125xi32, #tpu.memory_space<hbm>> -> memref<1x40x125xi32, #tpu.memory_space<hbm>>
      %dma_start3A_62 = tpu.memref_squeeze %dma_start3A_61 : memref<1x40x125xi32, #tpu.memory_space<hbm>> -> memref<40x125xi32, #tpu.memory_space<hbm>>
      tpu.enqueue_dma source(%dma_start3A_62 : memref<40x125xi32, #tpu.memory_space<hbm>>) target(%arg6 : memref<40x125xi32, #tpu.memory_space<vmem>>) target_semaphore(%run_scoped3A : memref<!tpu.dma_semaphore, #tpu.memory_space<semaphore_mem>>)
      %dma_wait3A = arith.constant 0 : i32
      %dma_wait3A_63 = arith.constant 0 : i32
      %dma_wait3A_64 = tpu.memref_slice %arg3[%add3A, %dma_wait3A, %dma_wait3A_63] : memref<32x80x125xi32, #tpu.memory_space<hbm>> -> memref<1x40x125xi32, #tpu.memory_space<hbm>>
      %dma_wait3A_65 = tpu.memref_squeeze %dma_wait3A_64 : memref<1x40x125xi32, #tpu.memory_space<hbm>> -> memref<40x125xi32, #tpu.memory_space<hbm>>
      %dma_wait3A_66 = arith.constant 0 : i32
      %dma_wait3A_67 = arith.constant 0 : i32
      %dma_wait3A_68 = tpu.memref_slice %arg3[%add3A, %dma_wait3A_66, %dma_wait3A_67] : memref<32x80x125xi32, #tpu.memory_space<hbm>> -> memref<1x40x125xi32, #tpu.memory_space<hbm>>
      %dma_wait3A_69 = tpu.memref_squeeze %dma_wait3A_68 : memref<1x40x125xi32, #tpu.memory_space<hbm>> -> memref<40x125xi32, #tpu.memory_space<hbm>>
      tpu.wait_dma2 semaphore(%run_scoped3A : memref<!tpu.dma_semaphore, #tpu.memory_space<semaphore_mem>>) src(%dma_wait3A_69 : memref<40x125xi32, #tpu.memory_space<hbm>>) dst(%arg6 : memref<40x125xi32, #tpu.memory_space<vmem>>)
      tpu.yield
    }) : () -> ()
    %mul3A_9 = arith.constant 16 : i32
    %mul3A_10 = arith.muli %arg0, %mul3A_9 : i32
    %add3A_11 = arith.addi %mul3A_10, %arg1 : i32
    "tpu.region"() ({
      %run_scoped3A = tpu.sem_alloc : memref<!tpu.dma_semaphore, #tpu.memory_space<semaphore_mem>>
      %dma_start3A_55 = arith.constant 0 : i32
      %dma_start3A_56 = arith.constant 0 : i32
      %dma_start3A_57 = tpu.memref_slice %arg4[%add3A_11, %dma_start3A_55, %dma_start3A_56] : memref<32x80x125xi32, #tpu.memory_space<hbm>> -> memref<1x40x125xi32, #tpu.memory_space<hbm>>
      %dma_start3A_58 = tpu.memref_squeeze %dma_start3A_57 : memref<1x40x125xi32, #tpu.memory_space<hbm>> -> memref<40x125xi32, #tpu.memory_space<hbm>>
      %dma_start3A_59 = arith.constant 0 : i32
      %dma_start3A_60 = arith.constant 0 : i32
      %dma_start3A_61 = tpu.memref_slice %arg4[%add3A_11, %dma_start3A_59, %dma_start3A_60] : memref<32x80x125xi32, #tpu.memory_space<hbm>> -> memref<1x40x125xi32, #tpu.memory_space<hbm>>
      %dma_start3A_62 = tpu.memref_squeeze %dma_start3A_61 : memref<1x40x125xi32, #tpu.memory_space<hbm>> -> memref<40x125xi32, #tpu.memory_space<hbm>>
      tpu.enqueue_dma source(%dma_start3A_62 : memref<40x125xi32, #tpu.memory_space<hbm>>) target(%arg7 : memref<40x125xi32, #tpu.memory_space<vmem>>) target_semaphore(%run_scoped3A : memref<!tpu.dma_semaphore, #tpu.memory_space<semaphore_mem>>)
      %dma_wait3A = arith.constant 0 : i32
      %dma_wait3A_63 = arith.constant 0 : i32
      %dma_wait3A_64 = tpu.memref_slice %arg4[%add3A_11, %dma_wait3A, %dma_wait3A_63] : memref<32x80x125xi32, #tpu.memory_space<hbm>> -> memref<1x40x125xi32, #tpu.memory_space<hbm>>
      %dma_wait3A_65 = tpu.memref_squeeze %dma_wait3A_64 : memref<1x40x125xi32, #tpu.memory_space<hbm>> -> memref<40x125xi32, #tpu.memory_space<hbm>>
      %dma_wait3A_66 = arith.constant 0 : i32
      %dma_wait3A_67 = arith.constant 0 : i32
      %dma_wait3A_68 = tpu.memref_slice %arg4[%add3A_11, %dma_wait3A_66, %dma_wait3A_67] : memref<32x80x125xi32, #tpu.memory_space<hbm>> -> memref<1x40x125xi32, #tpu.memory_space<hbm>>
      %dma_wait3A_69 = tpu.memref_squeeze %dma_wait3A_68 : memref<1x40x125xi32, #tpu.memory_space<hbm>> -> memref<40x125xi32, #tpu.memory_space<hbm>>
      tpu.wait_dma2 semaphore(%run_scoped3A : memref<!tpu.dma_semaphore, #tpu.memory_space<semaphore_mem>>) src(%dma_wait3A_69 : memref<40x125xi32, #tpu.memory_space<hbm>>) dst(%arg7 : memref<40x125xi32, #tpu.memory_space<vmem>>)
      tpu.yield
    }) : () -> ()
    %dma_start3A = arith.constant 0 : i32
    %dma_start3A_12 = arith.constant 0 : i32
    %dma_start3A_13 = tpu.memref_slice %arg6[%dma_start3A, %dma_start3A_12] : memref<40x125xi32, #tpu.memory_space<vmem>> -> memref<1x125xi32, #tpu.memory_space<vmem>>
    %dma_start3A_14 = tpu.memref_squeeze %dma_start3A_13 : memref<1x125xi32, #tpu.memory_space<vmem>> -> memref<125xi32, #tpu.memory_space<vmem>>
    %dma_start3A_15 = arith.constant 0 : i32
    %dma_start3A_16 = arith.constant 0 : i32
    %dma_start3A_17 = tpu.memref_slice %arg2[%dma_start3A_15, %dma_start3A_16] : memref<10000x128xf32, #tpu.memory_space<hbm>> -> memref<10000x128xf32, #tpu.memory_space<hbm>>
    tpu.enqueue_indirect_dma source(%dma_start3A_17 : memref<10000x128xf32, #tpu.memory_space<hbm>>) target(%arg8 : memref<125x128xf32, #tpu.memory_space<vmem>>) offsets(%dma_start3A_14 : memref<125xi32, #tpu.memory_space<vmem>>) semaphore(%arg10 : memref<!tpu.dma_semaphore, #tpu.memory_space<semaphore_mem>>)
    %dma_start3A_18 = arith.constant 1 : i32
    %dma_start3A_19 = arith.constant 0 : i32
    %dma_start3A_20 = tpu.memref_slice %arg6[%dma_start3A_18, %dma_start3A_19] : memref<40x125xi32, #tpu.memory_space<vmem>> -> memref<1x125xi32, #tpu.memory_space<vmem>>
    %dma_start3A_21 = tpu.memref_squeeze %dma_start3A_20 : memref<1x125xi32, #tpu.memory_space<vmem>> -> memref<125xi32, #tpu.memory_space<vmem>>
    %dma_start3A_22 = arith.constant 0 : i32
    %dma_start3A_23 = arith.constant 0 : i32
    %dma_start3A_24 = tpu.memref_slice %arg2[%dma_start3A_22, %dma_start3A_23] : memref<10000x128xf32, #tpu.memory_space<hbm>> -> memref<10000x128xf32, #tpu.memory_space<hbm>>
    tpu.enqueue_indirect_dma source(%dma_start3A_24 : memref<10000x128xf32, #tpu.memory_space<hbm>>) target(%arg9 : memref<125x128xf32, #tpu.memory_space<vmem>>) offsets(%dma_start3A_21 : memref<125xi32, #tpu.memory_space<vmem>>) semaphore(%arg11 : memref<!tpu.dma_semaphore, #tpu.memory_space<semaphore_mem>>)
    %barrier3A = arith.constant 0 : index
    tpu.barrier barrier_id(%barrier3A)
    %scan3A = arith.constant 0 : i32
    %scan3A_25 = arith.constant 20 : i32
    %scan3A_26 = arith.addi %scan3A, %scan3A_25 : i32
    %scan3A_27 = arith.constant 1 : i32
    scf.for %scan3A_55 = %scan3A to %scan3A_26 step %scan3A_27  : i32 {
      %mul3A_56 = arith.constant 1 : i32
      %mul3A_57 = arith.muli %scan3A_55, %mul3A_56 : i32
      %add3A_58 = arith.constant 0 : i32
      %add3A_59 = arith.addi %add3A_58, %mul3A_57 : i32
      %mul3A_60 = arith.constant 2 : i32
      %mul3A_61 = arith.muli %add3A_59, %mul3A_60 : i32
      %add3A_62 = arith.constant 0 : i32
      %add3A_63 = arith.addi %mul3A_61, %add3A_62 : i32
      %dma_wait3A = arith.constant 0 : i32
      %dma_wait3A_64 = arith.constant 0 : i32
      %dma_wait3A_65 = tpu.memref_slice %arg6[%dma_wait3A, %dma_wait3A_64] : memref<40x125xi32, #tpu.memory_space<vmem>> -> memref<1x125xi32, #tpu.memory_space<vmem>>
      %dma_wait3A_66 = tpu.memref_squeeze %dma_wait3A_65 : memref<1x125xi32, #tpu.memory_space<vmem>> -> memref<125xi32, #tpu.memory_space<vmem>>
      %dma_wait3A_67 = arith.constant 0 : i32
      %dma_wait3A_68 = arith.constant 0 : i32
      %dma_wait3A_69 = tpu.memref_slice %arg2[%dma_wait3A_67, %dma_wait3A_68] : memref<10000x128xf32, #tpu.memory_space<hbm>> -> memref<10000x128xf32, #tpu.memory_space<hbm>>
      tpu.wait_indirect_dma semaphore(%arg10 : memref<!tpu.dma_semaphore, #tpu.memory_space<semaphore_mem>>) src(%dma_wait3A_69 : memref<10000x128xf32, #tpu.memory_space<hbm>>) dst(%arg8 : memref<125x128xf32, #tpu.memory_space<vmem>>)
      "tpu.region"() ({
        %run_scoped3A = tpu.sem_alloc : memref<!tpu.dma_semaphore, #tpu.memory_space<semaphore_mem>>
        %dma_start3A_91 = arith.constant 0 : i32
        %dma_start3A_92 = tpu.memref_slice %arg7[%add3A_63, %dma_start3A_91] : memref<40x125xi32, #tpu.memory_space<vmem>> -> memref<1x125xi32, #tpu.memory_space<vmem>>
        %dma_start3A_93 = tpu.memref_squeeze %dma_start3A_92 : memref<1x125xi32, #tpu.memory_space<vmem>> -> memref<125xi32, #tpu.memory_space<vmem>>
        %dma_start3A_94 = arith.constant 0 : i32
        %dma_start3A_95 = arith.constant 0 : i32
        %dma_start3A_96 = tpu.memref_slice %arg12[%dma_start3A_94, %dma_start3A_95] : memref<10240x128xf32, #tpu.memory_space<vmem_shared>> -> memref<10240x128xf32, #tpu.memory_space<vmem_shared>>
        tpu.enqueue_indirect_dma source(%arg8 : memref<125x128xf32, #tpu.memory_space<vmem>>) target(%dma_start3A_96 : memref<10240x128xf32, #tpu.memory_space<vmem_shared>>) offsets(%dma_start3A_93 : memref<125xi32, #tpu.memory_space<vmem>>) semaphore(%run_scoped3A : memref<!tpu.dma_semaphore, #tpu.memory_space<semaphore_mem>>) {add = true}
        %dma_wait3A_97 = arith.constant 0 : i32
        %dma_wait3A_98 = tpu.memref_slice %arg7[%add3A_63, %dma_wait3A_97] : memref<40x125xi32, #tpu.memory_space<vmem>> -> memref<1x125xi32, #tpu.memory_space<vmem>>
        %dma_wait3A_99 = tpu.memref_squeeze %dma_wait3A_98 : memref<1x125xi32, #tpu.memory_space<vmem>> -> memref<125xi32, #tpu.memory_space<vmem>>
        %dma_wait3A_100 = arith.constant 0 : i32
        %dma_wait3A_101 = arith.constant 0 : i32
        %dma_wait3A_102 = tpu.memref_slice %arg12[%dma_wait3A_100, %dma_wait3A_101] : memref<10240x128xf32, #tpu.memory_space<vmem_shared>> -> memref<10240x128xf32, #tpu.memory_space<vmem_shared>>
        tpu.wait_indirect_dma semaphore(%run_scoped3A : memref<!tpu.dma_semaphore, #tpu.memory_space<semaphore_mem>>) src(%arg8 : memref<125x128xf32, #tpu.memory_space<vmem>>) dst(%dma_wait3A_102 : memref<10240x128xf32, #tpu.memory_space<vmem_shared>>)
        tpu.yield
      }) : () -> ()
      %lt3A_70 = arith.constant 19 : i32
      %lt3A_71 = arith.cmpi slt, %add3A_59, %lt3A_70 : i32
      %convert_element_type3A_72 = arith.extui %lt3A_71 : i1 to i32
      %cond3A_73 = arith.constant 0 : i32
      %cond3A_74 = arith.cmpi ne, %convert_element_type3A_72, %cond3A_73 : i32
      scf.if %cond3A_74 {
        %add3A_91 = arith.constant 2 : i32
        %add3A_92 = arith.addi %add3A_63, %add3A_91 : i32
        %dma_start3A_93 = arith.constant 0 : i32
        %dma_start3A_94 = tpu.memref_slice %arg6[%add3A_92, %dma_start3A_93] : memref<40x125xi32, #tpu.memory_space<vmem>> -> memref<1x125xi32, #tpu.memory_space<vmem>>
        %dma_start3A_95 = tpu.memref_squeeze %dma_start3A_94 : memref<1x125xi32, #tpu.memory_space<vmem>> -> memref<125xi32, #tpu.memory_space<vmem>>
        %dma_start3A_96 = arith.constant 0 : i32
        %dma_start3A_97 = arith.constant 0 : i32
        %dma_start3A_98 = tpu.memref_slice %arg2[%dma_start3A_96, %dma_start3A_97] : memref<10000x128xf32, #tpu.memory_space<hbm>> -> memref<10000x128xf32, #tpu.memory_space<hbm>>
        tpu.enqueue_indirect_dma source(%dma_start3A_98 : memref<10000x128xf32, #tpu.memory_space<hbm>>) target(%arg8 : memref<125x128xf32, #tpu.memory_space<vmem>>) offsets(%dma_start3A_95 : memref<125xi32, #tpu.memory_space<vmem>>) semaphore(%arg10 : memref<!tpu.dma_semaphore, #tpu.memory_space<semaphore_mem>>)
      } else {
      }
      %mul3A_75 = arith.constant 2 : i32
      %mul3A_76 = arith.muli %add3A_59, %mul3A_75 : i32
      %add3A_77 = arith.constant 1 : i32
      %add3A_78 = arith.addi %mul3A_76, %add3A_77 : i32
      %dma_wait3A_79 = arith.constant 0 : i32
      %dma_wait3A_80 = arith.constant 0 : i32
      %dma_wait3A_81 = tpu.memref_slice %arg6[%dma_wait3A_79, %dma_wait3A_80] : memref<40x125xi32, #tpu.memory_space<vmem>> -> memref<1x125xi32, #tpu.memory_space<vmem>>
      %dma_wait3A_82 = tpu.memref_squeeze %dma_wait3A_81 : memref<1x125xi32, #tpu.memory_space<vmem>> -> memref<125xi32, #tpu.memory_space<vmem>>
      %dma_wait3A_83 = arith.constant 0 : i32
      %dma_wait3A_84 = arith.constant 0 : i32
      %dma_wait3A_85 = tpu.memref_slice %arg2[%dma_wait3A_83, %dma_wait3A_84] : memref<10000x128xf32, #tpu.memory_space<hbm>> -> memref<10000x128xf32, #tpu.memory_space<hbm>>
      tpu.wait_indirect_dma semaphore(%arg11 : memref<!tpu.dma_semaphore, #tpu.memory_space<semaphore_mem>>) src(%dma_wait3A_85 : memref<10000x128xf32, #tpu.memory_space<hbm>>) dst(%arg9 : memref<125x128xf32, #tpu.memory_space<vmem>>)
      "tpu.region"() ({
        %run_scoped3A = tpu.sem_alloc : memref<!tpu.dma_semaphore, #tpu.memory_space<semaphore_mem>>
        %dma_start3A_91 = arith.constant 0 : i32
        %dma_start3A_92 = tpu.memref_slice %arg7[%add3A_78, %dma_start3A_91] : memref<40x125xi32, #tpu.memory_space<vmem>> -> memref<1x125xi32, #tpu.memory_space<vmem>>
        %dma_start3A_93 = tpu.memref_squeeze %dma_start3A_92 : memref<1x125xi32, #tpu.memory_space<vmem>> -> memref<125xi32, #tpu.memory_space<vmem>>
        %dma_start3A_94 = arith.constant 0 : i32
        %dma_start3A_95 = arith.constant 0 : i32
        %dma_start3A_96 = tpu.memref_slice %arg12[%dma_start3A_94, %dma_start3A_95] : memref<10240x128xf32, #tpu.memory_space<vmem_shared>> -> memref<10240x128xf32, #tpu.memory_space<vmem_shared>>
        tpu.enqueue_indirect_dma source(%arg9 : memref<125x128xf32, #tpu.memory_space<vmem>>) target(%dma_start3A_96 : memref<10240x128xf32, #tpu.memory_space<vmem_shared>>) offsets(%dma_start3A_93 : memref<125xi32, #tpu.memory_space<vmem>>) semaphore(%run_scoped3A : memref<!tpu.dma_semaphore, #tpu.memory_space<semaphore_mem>>) {add = true}
        %dma_wait3A_97 = arith.constant 0 : i32
        %dma_wait3A_98 = tpu.memref_slice %arg7[%add3A_78, %dma_wait3A_97] : memref<40x125xi32, #tpu.memory_space<vmem>> -> memref<1x125xi32, #tpu.memory_space<vmem>>
        %dma_wait3A_99 = tpu.memref_squeeze %dma_wait3A_98 : memref<1x125xi32, #tpu.memory_space<vmem>> -> memref<125xi32, #tpu.memory_space<vmem>>
        %dma_wait3A_100 = arith.constant 0 : i32
        %dma_wait3A_101 = arith.constant 0 : i32
        %dma_wait3A_102 = tpu.memref_slice %arg12[%dma_wait3A_100, %dma_wait3A_101] : memref<10240x128xf32, #tpu.memory_space<vmem_shared>> -> memref<10240x128xf32, #tpu.memory_space<vmem_shared>>
        tpu.wait_indirect_dma semaphore(%run_scoped3A : memref<!tpu.dma_semaphore, #tpu.memory_space<semaphore_mem>>) src(%arg9 : memref<125x128xf32, #tpu.memory_space<vmem>>) dst(%dma_wait3A_102 : memref<10240x128xf32, #tpu.memory_space<vmem_shared>>)
        tpu.yield
      }) : () -> ()
      %lt3A_86 = arith.constant 19 : i32
      %lt3A_87 = arith.cmpi slt, %add3A_59, %lt3A_86 : i32
      %convert_element_type3A_88 = arith.extui %lt3A_87 : i1 to i32
      %cond3A_89 = arith.constant 0 : i32
      %cond3A_90 = arith.cmpi ne, %convert_element_type3A_88, %cond3A_89 : i32
      scf.if %cond3A_90 {
        %add3A_91 = arith.constant 2 : i32
        %add3A_92 = arith.addi %add3A_78, %add3A_91 : i32
        %dma_start3A_93 = arith.constant 0 : i32
        %dma_start3A_94 = tpu.memref_slice %arg6[%add3A_92, %dma_start3A_93] : memref<40x125xi32, #tpu.memory_space<vmem>> -> memref<1x125xi32, #tpu.memory_space<vmem>>
        %dma_start3A_95 = tpu.memref_squeeze %dma_start3A_94 : memref<1x125xi32, #tpu.memory_space<vmem>> -> memref<125xi32, #tpu.memory_space<vmem>>
        %dma_start3A_96 = arith.constant 0 : i32
        %dma_start3A_97 = arith.constant 0 : i32
        %dma_start3A_98 = tpu.memref_slice %arg2[%dma_start3A_96, %dma_start3A_97] : memref<10000x128xf32, #tpu.memory_space<hbm>> -> memref<10000x128xf32, #tpu.memory_space<hbm>>
        tpu.enqueue_indirect_dma source(%dma_start3A_98 : memref<10000x128xf32, #tpu.memory_space<hbm>>) target(%arg9 : memref<125x128xf32, #tpu.memory_space<vmem>>) offsets(%dma_start3A_95 : memref<125xi32, #tpu.memory_space<vmem>>) semaphore(%arg11 : memref<!tpu.dma_semaphore, #tpu.memory_space<semaphore_mem>>)
      } else {
      }
    }
    %scan3A_28 = arith.constant 20 : i32
    %mul3A_29 = arith.constant 16 : i32
    %mul3A_30 = arith.muli %arg0, %mul3A_29 : i32
    %add3A_31 = arith.addi %mul3A_30, %arg1 : i32
    "tpu.region"() ({
      %run_scoped3A = tpu.sem_alloc : memref<!tpu.dma_semaphore, #tpu.memory_space<semaphore_mem>>
      %dma_start3A_55 = arith.constant 40 : i32
      %dma_start3A_56 = arith.constant 0 : i32
      %dma_start3A_57 = tpu.memref_slice %arg3[%add3A_31, %dma_start3A_55, %dma_start3A_56] : memref<32x80x125xi32, #tpu.memory_space<hbm>> -> memref<1x40x125xi32, #tpu.memory_space<hbm>>
      %dma_start3A_58 = tpu.memref_squeeze %dma_start3A_57 : memref<1x40x125xi32, #tpu.memory_space<hbm>> -> memref<40x125xi32, #tpu.memory_space<hbm>>
      %dma_start3A_59 = arith.constant 40 : i32
      %dma_start3A_60 = arith.constant 0 : i32
      %dma_start3A_61 = tpu.memref_slice %arg3[%add3A_31, %dma_start3A_59, %dma_start3A_60] : memref<32x80x125xi32, #tpu.memory_space<hbm>> -> memref<1x40x125xi32, #tpu.memory_space<hbm>>
      %dma_start3A_62 = tpu.memref_squeeze %dma_start3A_61 : memref<1x40x125xi32, #tpu.memory_space<hbm>> -> memref<40x125xi32, #tpu.memory_space<hbm>>
      tpu.enqueue_dma source(%dma_start3A_62 : memref<40x125xi32, #tpu.memory_space<hbm>>) target(%arg6 : memref<40x125xi32, #tpu.memory_space<vmem>>) target_semaphore(%run_scoped3A : memref<!tpu.dma_semaphore, #tpu.memory_space<semaphore_mem>>)
      %dma_wait3A = arith.constant 40 : i32
      %dma_wait3A_63 = arith.constant 0 : i32
      %dma_wait3A_64 = tpu.memref_slice %arg3[%add3A_31, %dma_wait3A, %dma_wait3A_63] : memref<32x80x125xi32, #tpu.memory_space<hbm>> -> memref<1x40x125xi32, #tpu.memory_space<hbm>>
      %dma_wait3A_65 = tpu.memref_squeeze %dma_wait3A_64 : memref<1x40x125xi32, #tpu.memory_space<hbm>> -> memref<40x125xi32, #tpu.memory_space<hbm>>
      %dma_wait3A_66 = arith.constant 40 : i32
      %dma_wait3A_67 = arith.constant 0 : i32
      %dma_wait3A_68 = tpu.memref_slice %arg3[%add3A_31, %dma_wait3A_66, %dma_wait3A_67] : memref<32x80x125xi32, #tpu.memory_space<hbm>> -> memref<1x40x125xi32, #tpu.memory_space<hbm>>
      %dma_wait3A_69 = tpu.memref_squeeze %dma_wait3A_68 : memref<1x40x125xi32, #tpu.memory_space<hbm>> -> memref<40x125xi32, #tpu.memory_space<hbm>>
      tpu.wait_dma2 semaphore(%run_scoped3A : memref<!tpu.dma_semaphore, #tpu.memory_space<semaphore_mem>>) src(%dma_wait3A_69 : memref<40x125xi32, #tpu.memory_space<hbm>>) dst(%arg6 : memref<40x125xi32, #tpu.memory_space<vmem>>)
      tpu.yield
    }) : () -> ()
    %mul3A_32 = arith.constant 16 : i32
    %mul3A_33 = arith.muli %arg0, %mul3A_32 : i32
    %add3A_34 = arith.addi %mul3A_33, %arg1 : i32
    "tpu.region"() ({
      %run_scoped3A = tpu.sem_alloc : memref<!tpu.dma_semaphore, #tpu.memory_space<semaphore_mem>>
      %dma_start3A_55 = arith.constant 40 : i32
      %dma_start3A_56 = arith.constant 0 : i32
      %dma_start3A_57 = tpu.memref_slice %arg4[%add3A_34, %dma_start3A_55, %dma_start3A_56] : memref<32x80x125xi32, #tpu.memory_space<hbm>> -> memref<1x40x125xi32, #tpu.memory_space<hbm>>
      %dma_start3A_58 = tpu.memref_squeeze %dma_start3A_57 : memref<1x40x125xi32, #tpu.memory_space<hbm>> -> memref<40x125xi32, #tpu.memory_space<hbm>>
      %dma_start3A_59 = arith.constant 40 : i32
      %dma_start3A_60 = arith.constant 0 : i32
      %dma_start3A_61 = tpu.memref_slice %arg4[%add3A_34, %dma_start3A_59, %dma_start3A_60] : memref<32x80x125xi32, #tpu.memory_space<hbm>> -> memref<1x40x125xi32, #tpu.memory_space<hbm>>
      %dma_start3A_62 = tpu.memref_squeeze %dma_start3A_61 : memref<1x40x125xi32, #tpu.memory_space<hbm>> -> memref<40x125xi32, #tpu.memory_space<hbm>>
      tpu.enqueue_dma source(%dma_start3A_62 : memref<40x125xi32, #tpu.memory_space<hbm>>) target(%arg7 : memref<40x125xi32, #tpu.memory_space<vmem>>) target_semaphore(%run_scoped3A : memref<!tpu.dma_semaphore, #tpu.memory_space<semaphore_mem>>)
      %dma_wait3A = arith.constant 40 : i32
      %dma_wait3A_63 = arith.constant 0 : i32
      %dma_wait3A_64 = tpu.memref_slice %arg4[%add3A_34, %dma_wait3A, %dma_wait3A_63] : memref<32x80x125xi32, #tpu.memory_space<hbm>> -> memref<1x40x125xi32, #tpu.memory_space<hbm>>
      %dma_wait3A_65 = tpu.memref_squeeze %dma_wait3A_64 : memref<1x40x125xi32, #tpu.memory_space<hbm>> -> memref<40x125xi32, #tpu.memory_space<hbm>>
      %dma_wait3A_66 = arith.constant 40 : i32
      %dma_wait3A_67 = arith.constant 0 : i32
      %dma_wait3A_68 = tpu.memref_slice %arg4[%add3A_34, %dma_wait3A_66, %dma_wait3A_67] : memref<32x80x125xi32, #tpu.memory_space<hbm>> -> memref<1x40x125xi32, #tpu.memory_space<hbm>>
      %dma_wait3A_69 = tpu.memref_squeeze %dma_wait3A_68 : memref<1x40x125xi32, #tpu.memory_space<hbm>> -> memref<40x125xi32, #tpu.memory_space<hbm>>
      tpu.wait_dma2 semaphore(%run_scoped3A : memref<!tpu.dma_semaphore, #tpu.memory_space<semaphore_mem>>) src(%dma_wait3A_69 : memref<40x125xi32, #tpu.memory_space<hbm>>) dst(%arg7 : memref<40x125xi32, #tpu.memory_space<vmem>>)
      tpu.yield
    }) : () -> ()
    %dma_start3A_35 = arith.constant 0 : i32
    %dma_start3A_36 = arith.constant 0 : i32
    %dma_start3A_37 = tpu.memref_slice %arg6[%dma_start3A_35, %dma_start3A_36] : memref<40x125xi32, #tpu.memory_space<vmem>> -> memref<1x125xi32, #tpu.memory_space<vmem>>
    %dma_start3A_38 = tpu.memref_squeeze %dma_start3A_37 : memref<1x125xi32, #tpu.memory_space<vmem>> -> memref<125xi32, #tpu.memory_space<vmem>>
    %dma_start3A_39 = arith.constant 0 : i32
    %dma_start3A_40 = arith.constant 0 : i32
    %dma_start3A_41 = tpu.memref_slice %arg2[%dma_start3A_39, %dma_start3A_40] : memref<10000x128xf32, #tpu.memory_space<hbm>> -> memref<10000x128xf32, #tpu.memory_space<hbm>>
    tpu.enqueue_indirect_dma source(%dma_start3A_41 : memref<10000x128xf32, #tpu.memory_space<hbm>>) target(%arg8 : memref<125x128xf32, #tpu.memory_space<vmem>>) offsets(%dma_start3A_38 : memref<125xi32, #tpu.memory_space<vmem>>) semaphore(%arg10 : memref<!tpu.dma_semaphore, #tpu.memory_space<semaphore_mem>>)
    %dma_start3A_42 = arith.constant 1 : i32
    %dma_start3A_43 = arith.constant 0 : i32
    %dma_start3A_44 = tpu.memref_slice %arg6[%dma_start3A_42, %dma_start3A_43] : memref<40x125xi32, #tpu.memory_space<vmem>> -> memref<1x125xi32, #tpu.memory_space<vmem>>
    %dma_start3A_45 = tpu.memref_squeeze %dma_start3A_44 : memref<1x125xi32, #tpu.memory_space<vmem>> -> memref<125xi32, #tpu.memory_space<vmem>>
    %dma_start3A_46 = arith.constant 0 : i32
    %dma_start3A_47 = arith.constant 0 : i32
    %dma_start3A_48 = tpu.memref_slice %arg2[%dma_start3A_46, %dma_start3A_47] : memref<10000x128xf32, #tpu.memory_space<hbm>> -> memref<10000x128xf32, #tpu.memory_space<hbm>>
    tpu.enqueue_indirect_dma source(%dma_start3A_48 : memref<10000x128xf32, #tpu.memory_space<hbm>>) target(%arg9 : memref<125x128xf32, #tpu.memory_space<vmem>>) offsets(%dma_start3A_45 : memref<125xi32, #tpu.memory_space<vmem>>) semaphore(%arg11 : memref<!tpu.dma_semaphore, #tpu.memory_space<semaphore_mem>>)
    %scan3A_49 = arith.constant 0 : i32
    %scan3A_50 = arith.constant 20 : i32
    %scan3A_51 = arith.addi %scan3A_49, %scan3A_50 : i32
    %scan3A_52 = arith.constant 1 : i32
    scf.for %scan3A_55 = %scan3A_49 to %scan3A_51 step %scan3A_52  : i32 {
      %mul3A_56 = arith.constant 1 : i32
      %mul3A_57 = arith.muli %scan3A_55, %mul3A_56 : i32
      %add3A_58 = arith.constant 0 : i32
      %add3A_59 = arith.addi %add3A_58, %mul3A_57 : i32
      %mul3A_60 = arith.constant 2 : i32
      %mul3A_61 = arith.muli %add3A_59, %mul3A_60 : i32
      %add3A_62 = arith.constant 0 : i32
      %add3A_63 = arith.addi %mul3A_61, %add3A_62 : i32
      %dma_wait3A = arith.constant 0 : i32
      %dma_wait3A_64 = arith.constant 0 : i32
      %dma_wait3A_65 = tpu.memref_slice %arg6[%dma_wait3A, %dma_wait3A_64] : memref<40x125xi32, #tpu.memory_space<vmem>> -> memref<1x125xi32, #tpu.memory_space<vmem>>
      %dma_wait3A_66 = tpu.memref_squeeze %dma_wait3A_65 : memref<1x125xi32, #tpu.memory_space<vmem>> -> memref<125xi32, #tpu.memory_space<vmem>>
      %dma_wait3A_67 = arith.constant 0 : i32
      %dma_wait3A_68 = arith.constant 0 : i32
      %dma_wait3A_69 = tpu.memref_slice %arg2[%dma_wait3A_67, %dma_wait3A_68] : memref<10000x128xf32, #tpu.memory_space<hbm>> -> memref<10000x128xf32, #tpu.memory_space<hbm>>
      tpu.wait_indirect_dma semaphore(%arg10 : memref<!tpu.dma_semaphore, #tpu.memory_space<semaphore_mem>>) src(%dma_wait3A_69 : memref<10000x128xf32, #tpu.memory_space<hbm>>) dst(%arg8 : memref<125x128xf32, #tpu.memory_space<vmem>>)
      "tpu.region"() ({
        %run_scoped3A = tpu.sem_alloc : memref<!tpu.dma_semaphore, #tpu.memory_space<semaphore_mem>>
        %dma_start3A_91 = arith.constant 0 : i32
        %dma_start3A_92 = tpu.memref_slice %arg7[%add3A_63, %dma_start3A_91] : memref<40x125xi32, #tpu.memory_space<vmem>> -> memref<1x125xi32, #tpu.memory_space<vmem>>
        %dma_start3A_93 = tpu.memref_squeeze %dma_start3A_92 : memref<1x125xi32, #tpu.memory_space<vmem>> -> memref<125xi32, #tpu.memory_space<vmem>>
        %dma_start3A_94 = arith.constant 0 : i32
        %dma_start3A_95 = arith.constant 0 : i32
        %dma_start3A_96 = tpu.memref_slice %arg12[%dma_start3A_94, %dma_start3A_95] : memref<10240x128xf32, #tpu.memory_space<vmem_shared>> -> memref<10240x128xf32, #tpu.memory_space<vmem_shared>>
        tpu.enqueue_indirect_dma source(%arg8 : memref<125x128xf32, #tpu.memory_space<vmem>>) target(%dma_start3A_96 : memref<10240x128xf32, #tpu.memory_space<vmem_shared>>) offsets(%dma_start3A_93 : memref<125xi32, #tpu.memory_space<vmem>>) semaphore(%run_scoped3A : memref<!tpu.dma_semaphore, #tpu.memory_space<semaphore_mem>>) {add = true}
        %dma_wait3A_97 = arith.constant 0 : i32
        %dma_wait3A_98 = tpu.memref_slice %arg7[%add3A_63, %dma_wait3A_97] : memref<40x125xi32, #tpu.memory_space<vmem>> -> memref<1x125xi32, #tpu.memory_space<vmem>>
        %dma_wait3A_99 = tpu.memref_squeeze %dma_wait3A_98 : memref<1x125xi32, #tpu.memory_space<vmem>> -> memref<125xi32, #tpu.memory_space<vmem>>
        %dma_wait3A_100 = arith.constant 0 : i32
        %dma_wait3A_101 = arith.constant 0 : i32
        %dma_wait3A_102 = tpu.memref_slice %arg12[%dma_wait3A_100, %dma_wait3A_101] : memref<10240x128xf32, #tpu.memory_space<vmem_shared>> -> memref<10240x128xf32, #tpu.memory_space<vmem_shared>>
        tpu.wait_indirect_dma semaphore(%run_scoped3A : memref<!tpu.dma_semaphore, #tpu.memory_space<semaphore_mem>>) src(%arg8 : memref<125x128xf32, #tpu.memory_space<vmem>>) dst(%dma_wait3A_102 : memref<10240x128xf32, #tpu.memory_space<vmem_shared>>)
        tpu.yield
      }) : () -> ()
      %lt3A_70 = arith.constant 19 : i32
      %lt3A_71 = arith.cmpi slt, %add3A_59, %lt3A_70 : i32
      %convert_element_type3A_72 = arith.extui %lt3A_71 : i1 to i32
      %cond3A_73 = arith.constant 0 : i32
      %cond3A_74 = arith.cmpi ne, %convert_element_type3A_72, %cond3A_73 : i32
      scf.if %cond3A_74 {
        %add3A_91 = arith.constant 2 : i32
        %add3A_92 = arith.addi %add3A_63, %add3A_91 : i32
        %dma_start3A_93 = arith.constant 0 : i32
        %dma_start3A_94 = tpu.memref_slice %arg6[%add3A_92, %dma_start3A_93] : memref<40x125xi32, #tpu.memory_space<vmem>> -> memref<1x125xi32, #tpu.memory_space<vmem>>
        %dma_start3A_95 = tpu.memref_squeeze %dma_start3A_94 : memref<1x125xi32, #tpu.memory_space<vmem>> -> memref<125xi32, #tpu.memory_space<vmem>>
        %dma_start3A_96 = arith.constant 0 : i32
        %dma_start3A_97 = arith.constant 0 : i32
        %dma_start3A_98 = tpu.memref_slice %arg2[%dma_start3A_96, %dma_start3A_97] : memref<10000x128xf32, #tpu.memory_space<hbm>> -> memref<10000x128xf32, #tpu.memory_space<hbm>>
        tpu.enqueue_indirect_dma source(%dma_start3A_98 : memref<10000x128xf32, #tpu.memory_space<hbm>>) target(%arg8 : memref<125x128xf32, #tpu.memory_space<vmem>>) offsets(%dma_start3A_95 : memref<125xi32, #tpu.memory_space<vmem>>) semaphore(%arg10 : memref<!tpu.dma_semaphore, #tpu.memory_space<semaphore_mem>>)
      } else {
      }
      %mul3A_75 = arith.constant 2 : i32
      %mul3A_76 = arith.muli %add3A_59, %mul3A_75 : i32
      %add3A_77 = arith.constant 1 : i32
      %add3A_78 = arith.addi %mul3A_76, %add3A_77 : i32
      %dma_wait3A_79 = arith.constant 0 : i32
      %dma_wait3A_80 = arith.constant 0 : i32
      %dma_wait3A_81 = tpu.memref_slice %arg6[%dma_wait3A_79, %dma_wait3A_80] : memref<40x125xi32, #tpu.memory_space<vmem>> -> memref<1x125xi32, #tpu.memory_space<vmem>>
      %dma_wait3A_82 = tpu.memref_squeeze %dma_wait3A_81 : memref<1x125xi32, #tpu.memory_space<vmem>> -> memref<125xi32, #tpu.memory_space<vmem>>
      %dma_wait3A_83 = arith.constant 0 : i32
      %dma_wait3A_84 = arith.constant 0 : i32
      %dma_wait3A_85 = tpu.memref_slice %arg2[%dma_wait3A_83, %dma_wait3A_84] : memref<10000x128xf32, #tpu.memory_space<hbm>> -> memref<10000x128xf32, #tpu.memory_space<hbm>>
      tpu.wait_indirect_dma semaphore(%arg11 : memref<!tpu.dma_semaphore, #tpu.memory_space<semaphore_mem>>) src(%dma_wait3A_85 : memref<10000x128xf32, #tpu.memory_space<hbm>>) dst(%arg9 : memref<125x128xf32, #tpu.memory_space<vmem>>)
      "tpu.region"() ({
        %run_scoped3A = tpu.sem_alloc : memref<!tpu.dma_semaphore, #tpu.memory_space<semaphore_mem>>
        %dma_start3A_91 = arith.constant 0 : i32
        %dma_start3A_92 = tpu.memref_slice %arg7[%add3A_78, %dma_start3A_91] : memref<40x125xi32, #tpu.memory_space<vmem>> -> memref<1x125xi32, #tpu.memory_space<vmem>>
        %dma_start3A_93 = tpu.memref_squeeze %dma_start3A_92 : memref<1x125xi32, #tpu.memory_space<vmem>> -> memref<125xi32, #tpu.memory_space<vmem>>
        %dma_start3A_94 = arith.constant 0 : i32
        %dma_start3A_95 = arith.constant 0 : i32
        %dma_start3A_96 = tpu.memref_slice %arg12[%dma_start3A_94, %dma_start3A_95] : memref<10240x128xf32, #tpu.memory_space<vmem_shared>> -> memref<10240x128xf32, #tpu.memory_space<vmem_shared>>
        tpu.enqueue_indirect_dma source(%arg9 : memref<125x128xf32, #tpu.memory_space<vmem>>) target(%dma_start3A_96 : memref<10240x128xf32, #tpu.memory_space<vmem_shared>>) offsets(%dma_start3A_93 : memref<125xi32, #tpu.memory_space<vmem>>) semaphore(%run_scoped3A : memref<!tpu.dma_semaphore, #tpu.memory_space<semaphore_mem>>) {add = true}
        %dma_wait3A_97 = arith.constant 0 : i32
        %dma_wait3A_98 = tpu.memref_slice %arg7[%add3A_78, %dma_wait3A_97] : memref<40x125xi32, #tpu.memory_space<vmem>> -> memref<1x125xi32, #tpu.memory_space<vmem>>
        %dma_wait3A_99 = tpu.memref_squeeze %dma_wait3A_98 : memref<1x125xi32, #tpu.memory_space<vmem>> -> memref<125xi32, #tpu.memory_space<vmem>>
        %dma_wait3A_100 = arith.constant 0 : i32
        %dma_wait3A_101 = arith.constant 0 : i32
        %dma_wait3A_102 = tpu.memref_slice %arg12[%dma_wait3A_100, %dma_wait3A_101] : memref<10240x128xf32, #tpu.memory_space<vmem_shared>> -> memref<10240x128xf32, #tpu.memory_space<vmem_shared>>
        tpu.wait_indirect_dma semaphore(%run_scoped3A : memref<!tpu.dma_semaphore, #tpu.memory_space<semaphore_mem>>) src(%arg9 : memref<125x128xf32, #tpu.memory_space<vmem>>) dst(%dma_wait3A_102 : memref<10240x128xf32, #tpu.memory_space<vmem_shared>>)
        tpu.yield
      }) : () -> ()
      %lt3A_86 = arith.constant 19 : i32
      %lt3A_87 = arith.cmpi slt, %add3A_59, %lt3A_86 : i32
      %convert_element_type3A_88 = arith.extui %lt3A_87 : i1 to i32
      %cond3A_89 = arith.constant 0 : i32
      %cond3A_90 = arith.cmpi ne, %convert_element_type3A_88, %cond3A_89 : i32
      scf.if %cond3A_90 {
        %add3A_91 = arith.constant 2 : i32
        %add3A_92 = arith.addi %add3A_78, %add3A_91 : i32
        %dma_start3A_93 = arith.constant 0 : i32
        %dma_start3A_94 = tpu.memref_slice %arg6[%add3A_92, %dma_start3A_93] : memref<40x125xi32, #tpu.memory_space<vmem>> -> memref<1x125xi32, #tpu.memory_space<vmem>>
        %dma_start3A_95 = tpu.memref_squeeze %dma_start3A_94 : memref<1x125xi32, #tpu.memory_space<vmem>> -> memref<125xi32, #tpu.memory_space<vmem>>
        %dma_start3A_96 = arith.constant 0 : i32
        %dma_start3A_97 = arith.constant 0 : i32
        %dma_start3A_98 = tpu.memref_slice %arg2[%dma_start3A_96, %dma_start3A_97] : memref<10000x128xf32, #tpu.memory_space<hbm>> -> memref<10000x128xf32, #tpu.memory_space<hbm>>
        tpu.enqueue_indirect_dma source(%dma_start3A_98 : memref<10000x128xf32, #tpu.memory_space<hbm>>) target(%arg9 : memref<125x128xf32, #tpu.memory_space<vmem>>) offsets(%dma_start3A_95 : memref<125xi32, #tpu.memory_space<vmem>>) semaphore(%arg11 : memref<!tpu.dma_semaphore, #tpu.memory_space<semaphore_mem>>)
      } else {
      }
    }
    %scan3A_53 = arith.constant 20 : i32
    %barrier3A_54 = arith.constant 0 : index
    tpu.barrier barrier_id(%barrier3A_54)
    "tpu.region"() ({
      %run_scoped3A = tpu.sem_alloc : memref<!tpu.dma_semaphore, #tpu.memory_space<semaphore_mem>>
      %dma_start3A_55 = arith.constant 0 : i32
      %dma_start3A_56 = tpu.memref_slice %arg5[%arg0, %mul3A_0, %dma_start3A_55] : memref<2x10240x128xf32, #tpu.memory_space<hbm>> -> memref<1x640x128xf32, #tpu.memory_space<hbm>>
      %dma_start3A_57 = tpu.memref_squeeze %dma_start3A_56 : memref<1x640x128xf32, #tpu.memory_space<hbm>> -> memref<640x128xf32, #tpu.memory_space<hbm>>
      %dma_start3A_58 = arith.constant 0 : i32
      %dma_start3A_59 = tpu.memref_slice %arg12[%mul3A_0, %dma_start3A_58] : memref<10240x128xf32, #tpu.memory_space<vmem_shared>> -> memref<640x128xf32, #tpu.memory_space<vmem_shared>>
      tpu.enqueue_dma source(%dma_start3A_59 : memref<640x128xf32, #tpu.memory_space<vmem_shared>>) target(%dma_start3A_57 : memref<640x128xf32, #tpu.memory_space<hbm>>) target_semaphore(%run_scoped3A : memref<!tpu.dma_semaphore, #tpu.memory_space<semaphore_mem>>)
      %dma_wait3A = arith.constant 0 : i32
      %dma_wait3A_60 = tpu.memref_slice %arg5[%arg0, %mul3A_0, %dma_wait3A] : memref<2x10240x128xf32, #tpu.memory_space<hbm>> -> memref<1x640x128xf32, #tpu.memory_space<hbm>>
      %dma_wait3A_61 = tpu.memref_squeeze %dma_wait3A_60 : memref<1x640x128xf32, #tpu.memory_space<hbm>> -> memref<640x128xf32, #tpu.memory_space<hbm>>
      %dma_wait3A_62 = arith.constant 0 : i32
      %dma_wait3A_63 = tpu.memref_slice %arg12[%mul3A_0, %dma_wait3A_62] : memref<10240x128xf32, #tpu.memory_space<vmem_shared>> -> memref<640x128xf32, #tpu.memory_space<vmem_shared>>
      tpu.wait_dma2 semaphore(%run_scoped3A : memref<!tpu.dma_semaphore, #tpu.memory_space<semaphore_mem>>) src(%dma_wait3A_63 : memref<640x128xf32, #tpu.memory_space<vmem_shared>>) dst(%dma_wait3A_61 : memref<640x128xf32, #tpu.memory_space<hbm>>)
      tpu.yield
    }) : () -> ()
    return
  }
}

module attributes {stable_mosaic.version = 14 : i64} {
  func.func @_tc_phase1_body(%arg0: i32, %arg1: memref<2x2000x1xf32, #tpu.memory_space<vmem>>, %arg2: memref<2000x128xf32, #tpu.memory_space<vmem>>, %arg3: memref<128x128xf32, #tpu.memory_space<vmem>>, %arg4: memref<2000x1xf32, #tpu.memory_space<vmem>>, %arg5: memref<2000x128xf32, #tpu.memory_space<vmem>>) attributes {dimension_semantics = [#tpu.dimension_semantics<arbitrary>], iteration_bounds = array<i64: 5>, scalar_prefetch = 0 : i64, scratch_operands = 0 : i64, tpu.core_type = #tpu.core_type<tc>, window_params = [{transform_indices = @transform_0, window_bounds = array<i64: 2, 2000, 1>}, {transform_indices = @transform_1, window_bounds = array<i64: 2000, 128>}, {pipeline_mode = #tpu.pipeline_mode<synchronous>, transform_indices = @transform_2, window_bounds = array<i64: 128, 128>}, {transform_indices = @transform_3, window_bounds = array<i64: 2000, 1>}, {transform_indices = @transform_4, window_bounds = array<i64: 2000, 128>}]} {
    %get3A = arith.constant 0 : index
    %get3A_0 = arith.constant 0 : index
    %get3A_1 = arith.constant 0 : index
    %get3A_2 = vector.load %arg1[%get3A, %get3A_0, %get3A_1] : memref<2x2000x1xf32, #tpu.memory_space<vmem>>, vector<1x2000x1xf32>
    %get3A_3 = vector.shape_cast %get3A_2 : vector<1x2000x1xf32> to vector<2000x1xf32>
    %get3A_4 = arith.constant 1 : index
    %get3A_5 = arith.constant 0 : index
    %get3A_6 = arith.constant 0 : index
    %get3A_7 = vector.load %arg1[%get3A_4, %get3A_5, %get3A_6] : memref<2x2000x1xf32, #tpu.memory_space<vmem>>, vector<1x2000x1xf32>
    %get3A_8 = vector.shape_cast %get3A_7 : vector<1x2000x1xf32> to vector<2000x1xf32>
    %add3A = arith.addf %get3A_3, %get3A_8 : vector<2000x1xf32>
    %add3A_9 = arith.constant 1.000000e+00 : f32
    %add3A_10 = vector.broadcast %add3A_9 : f32 to vector<2000x1xf32>
    %add3A_11 = arith.addf %add3A, %add3A_10 : vector<2000x1xf32>
    %rsqrt3A = math.rsqrt %add3A_11 : vector<2000x1xf32>
    %swap3A = arith.constant 0 : index
    %swap3A_12 = arith.constant 0 : index
    %swap3A_13 = vector.load %arg4[%swap3A, %swap3A_12] : memref<2000x1xf32, #tpu.memory_space<vmem>>, vector<2000x1xf32>
    tpu.vector_store %arg4[%swap3A, %swap3A_12], %rsqrt3A {strides = array<i32>} : memref<2000x1xf32, #tpu.memory_space<vmem>>, vector<2000x1xf32>,
    %get3A_14 = arith.constant 0 : index
    %get3A_15 = arith.constant 0 : index
    %get3A_16 = vector.load %arg2[%get3A_14, %get3A_15] : memref<2000x128xf32, #tpu.memory_space<vmem>>, vector<2000x128xf32>
    %get3A_17 = arith.constant 0 : index
    %get3A_18 = arith.constant 0 : index
    %get3A_19 = vector.load %arg3[%get3A_17, %get3A_18] : memref<128x128xf32, #tpu.memory_space<vmem>>, vector<128x128xf32>
    %dot_general3A = arith.constant dense<0.000000e+00> : vector<2000x128xf32>
    %dot_general3A_20 = tpu.matmul %get3A_16, %get3A_19, %dot_general3A {dimension_numbers = #tpu.dot_dimension_numbers<[1], [0], [0], [1], [0, 0, 1, 1], [], []>, transpose_lhs_hint = false} : vector<2000x128xf32>, vector<128x128xf32>, vector<2000x128xf32> -> vector<2000x128xf32>
    %mul3A = vector.broadcast %rsqrt3A : vector<2000x1xf32> to vector<2000x128xf32>
    %mul3A_21 = arith.mulf %mul3A, %dot_general3A_20 : vector<2000x128xf32>
    %swap3A_22 = arith.constant 0 : index
    %swap3A_23 = arith.constant 0 : index
    %swap3A_24 = vector.load %arg5[%swap3A_22, %swap3A_23] : memref<2000x128xf32, #tpu.memory_space<vmem>>, vector<2000x128xf32>
    tpu.vector_store %arg5[%swap3A_22, %swap3A_23], %mul3A_21 {strides = array<i32>} : memref<2000x128xf32, #tpu.memory_space<vmem>>, vector<2000x128xf32>,
    return
  }
  func.func @transform_0(%arg0: i32) -> (i32, i32, i32) {
    %c0_i32 = arith.constant 0 : i32
    %c0_i32_0 = arith.constant 0 : i32
    %c0_i32_1 = arith.constant 0 : i32
    return %c0_i32, %arg0, %c0_i32_0 : i32, i32, i32
  }
  func.func @transform_1(%arg0: i32) -> (i32, i32) {
    %c0_i32 = arith.constant 0 : i32
    %c0_i32_0 = arith.constant 0 : i32
    return %arg0, %c0_i32 : i32, i32
  }
  func.func @transform_2(%arg0: i32) -> (i32, i32) {
    %c0_i32 = arith.constant 0 : i32
    %c0_i32_0 = arith.constant 0 : i32
    %c0_i32_1 = arith.constant 0 : i32
    return %c0_i32, %c0_i32_0 : i32, i32
  }
  func.func @transform_3(%arg0: i32) -> (i32, i32) {
    %c0_i32 = arith.constant 0 : i32
    %c0_i32_0 = arith.constant 0 : i32
    return %arg0, %c0_i32 : i32, i32
  }
  func.func @transform_4(%arg0: i32) -> (i32, i32) {
    %c0_i32 = arith.constant 0 : i32
    %c0_i32_0 = arith.constant 0 : i32
    return %arg0, %c0_i32 : i32, i32
  }
}

module attributes {stable_mosaic.version = 14 : i64} {
  func.func @_tc_phase2_body(%arg0: i32, %arg1: memref<2x2000x128xf32, #tpu.memory_space<vmem>>, %arg2: memref<2000x128xf32, #tpu.memory_space<vmem>>, %arg3: memref<2000x1xf32, #tpu.memory_space<vmem>>, %arg4: memref<1x128xf32, #tpu.memory_space<vmem>>, %arg5: memref<128x128xf32, #tpu.memory_space<vmem>>, %arg6: memref<2000x128xf32, #tpu.memory_space<vmem>>) attributes {dimension_semantics = [#tpu.dimension_semantics<arbitrary>], iteration_bounds = array<i64: 5>, scalar_prefetch = 0 : i64, scratch_operands = 0 : i64, tpu.core_type = #tpu.core_type<tc>, window_params = [{transform_indices = @transform_0, window_bounds = array<i64: 2, 2000, 128>}, {transform_indices = @transform_1, window_bounds = array<i64: 2000, 128>}, {transform_indices = @transform_2, window_bounds = array<i64: 2000, 1>}, {pipeline_mode = #tpu.pipeline_mode<synchronous>, transform_indices = @transform_3, window_bounds = array<i64: 1, 128>}, {pipeline_mode = #tpu.pipeline_mode<synchronous>, transform_indices = @transform_4, window_bounds = array<i64: 128, 128>}, {transform_indices = @transform_5, window_bounds = array<i64: 2000, 128>}]} {
    %get3A = arith.constant 0 : index
    %get3A_0 = arith.constant 0 : index
    %get3A_1 = arith.constant 0 : index
    %get3A_2 = vector.load %arg1[%get3A, %get3A_0, %get3A_1] : memref<2x2000x128xf32, #tpu.memory_space<vmem>>, vector<1x2000x128xf32>
    %get3A_3 = vector.shape_cast %get3A_2 : vector<1x2000x128xf32> to vector<2000x128xf32>
    %get3A_4 = arith.constant 1 : index
    %get3A_5 = arith.constant 0 : index
    %get3A_6 = arith.constant 0 : index
    %get3A_7 = vector.load %arg1[%get3A_4, %get3A_5, %get3A_6] : memref<2x2000x128xf32, #tpu.memory_space<vmem>>, vector<1x2000x128xf32>
    %get3A_8 = vector.shape_cast %get3A_7 : vector<1x2000x128xf32> to vector<2000x128xf32>
    %add3A = arith.addf %get3A_3, %get3A_8 : vector<2000x128xf32>
    %get3A_9 = arith.constant 0 : index
    %get3A_10 = arith.constant 0 : index
    %get3A_11 = vector.load %arg2[%get3A_9, %get3A_10] : memref<2000x128xf32, #tpu.memory_space<vmem>>, vector<2000x128xf32>
    %sub3A = arith.subf %add3A, %get3A_11 : vector<2000x128xf32>
    %get3A_12 = arith.constant 0 : index
    %get3A_13 = arith.constant 0 : index
    %get3A_14 = vector.load %arg3[%get3A_12, %get3A_13] : memref<2000x1xf32, #tpu.memory_space<vmem>>, vector<2000x1xf32>
    %mul3A = vector.broadcast %get3A_14 : vector<2000x1xf32> to vector<2000x128xf32>
    %mul3A_15 = arith.mulf %mul3A, %sub3A : vector<2000x128xf32>
    %get3A_16 = arith.constant 0 : index
    %get3A_17 = arith.constant 0 : index
    %get3A_18 = vector.load %arg4[%get3A_16, %get3A_17] : memref<1x128xf32, #tpu.memory_space<vmem>>, vector<1x128xf32>
    %add3A_19 = vector.broadcast %get3A_18 : vector<1x128xf32> to vector<2000x128xf32>
    %add3A_20 = arith.addf %mul3A_15, %add3A_19 : vector<2000x128xf32>
    %max3A = arith.constant 0.000000e+00 : f32
    %max3A_21 = vector.broadcast %max3A : f32 to vector<2000x128xf32>
    %max3A_22 = arith.maximumf %add3A_20, %max3A_21 : vector<2000x128xf32>
    %get3A_23 = arith.constant 0 : index
    %get3A_24 = arith.constant 0 : index
    %get3A_25 = vector.load %arg3[%get3A_23, %get3A_24] : memref<2000x1xf32, #tpu.memory_space<vmem>>, vector<2000x1xf32>
    %get3A_26 = arith.constant 0 : index
    %get3A_27 = arith.constant 0 : index
    %get3A_28 = vector.load %arg5[%get3A_26, %get3A_27] : memref<128x128xf32, #tpu.memory_space<vmem>>, vector<128x128xf32>
    %dot_general3A = arith.constant dense<0.000000e+00> : vector<2000x128xf32>
    %dot_general3A_29 = tpu.matmul %max3A_22, %get3A_28, %dot_general3A {dimension_numbers = #tpu.dot_dimension_numbers<[1], [0], [0], [1], [0, 0, 1, 1], [], []>, transpose_lhs_hint = false} : vector<2000x128xf32>, vector<128x128xf32>, vector<2000x128xf32> -> vector<2000x128xf32>
    %mul3A_30 = vector.broadcast %get3A_25 : vector<2000x1xf32> to vector<2000x128xf32>
    %mul3A_31 = arith.mulf %mul3A_30, %dot_general3A_29 : vector<2000x128xf32>
    %swap3A = arith.constant 0 : index
    %swap3A_32 = arith.constant 0 : index
    %swap3A_33 = vector.load %arg6[%swap3A, %swap3A_32] : memref<2000x128xf32, #tpu.memory_space<vmem>>, vector<2000x128xf32>
    tpu.vector_store %arg6[%swap3A, %swap3A_32], %mul3A_31 {strides = array<i32>} : memref<2000x128xf32, #tpu.memory_space<vmem>>, vector<2000x128xf32>,
    return
  }
  func.func @transform_0(%arg0: i32) -> (i32, i32, i32) {
    %c0_i32 = arith.constant 0 : i32
    %c0_i32_0 = arith.constant 0 : i32
    %c0_i32_1 = arith.constant 0 : i32
    return %c0_i32, %arg0, %c0_i32_0 : i32, i32, i32
  }
  func.func @transform_1(%arg0: i32) -> (i32, i32) {
    %c0_i32 = arith.constant 0 : i32
    %c0_i32_0 = arith.constant 0 : i32
    return %arg0, %c0_i32 : i32, i32
  }
  func.func @transform_2(%arg0: i32) -> (i32, i32) {
    %c0_i32 = arith.constant 0 : i32
    %c0_i32_0 = arith.constant 0 : i32
    return %arg0, %c0_i32 : i32, i32
  }
  func.func @transform_3(%arg0: i32) -> (i32, i32) {
    %c0_i32 = arith.constant 0 : i32
    %c0_i32_0 = arith.constant 0 : i32
    %c0_i32_1 = arith.constant 0 : i32
    return %c0_i32, %c0_i32_0 : i32, i32
  }
  func.func @transform_4(%arg0: i32) -> (i32, i32) {
    %c0_i32 = arith.constant 0 : i32
    %c0_i32_0 = arith.constant 0 : i32
    %c0_i32_1 = arith.constant 0 : i32
    return %c0_i32, %c0_i32_0 : i32, i32
  }
  func.func @transform_5(%arg0: i32) -> (i32, i32) {
    %c0_i32 = arith.constant 0 : i32
    %c0_i32_0 = arith.constant 0 : i32
    return %arg0, %c0_i32 : i32, i32
  }
}

module attributes {stable_mosaic.version = 14 : i64} {
  func.func @_tc_phase3_body(%arg0: i32, %arg1: memref<2x2000x128xf32, #tpu.memory_space<vmem>>, %arg2: memref<2000x128xf32, #tpu.memory_space<vmem>>, %arg3: memref<2000x1xf32, #tpu.memory_space<vmem>>, %arg4: memref<1x128xf32, #tpu.memory_space<vmem>>, %arg5: memref<2000x128xf32, #tpu.memory_space<vmem>>) attributes {dimension_semantics = [#tpu.dimension_semantics<arbitrary>], iteration_bounds = array<i64: 5>, scalar_prefetch = 0 : i64, scratch_operands = 0 : i64, tpu.core_type = #tpu.core_type<tc>, window_params = [{transform_indices = @transform_0, window_bounds = array<i64: 2, 2000, 128>}, {transform_indices = @transform_1, window_bounds = array<i64: 2000, 128>}, {transform_indices = @transform_2, window_bounds = array<i64: 2000, 1>}, {pipeline_mode = #tpu.pipeline_mode<synchronous>, transform_indices = @transform_3, window_bounds = array<i64: 1, 128>}, {transform_indices = @transform_4, window_bounds = array<i64: 2000, 128>}]} {
    %get3A = arith.constant 0 : index
    %get3A_0 = arith.constant 0 : index
    %get3A_1 = arith.constant 0 : index
    %get3A_2 = vector.load %arg1[%get3A, %get3A_0, %get3A_1] : memref<2x2000x128xf32, #tpu.memory_space<vmem>>, vector<1x2000x128xf32>
    %get3A_3 = vector.shape_cast %get3A_2 : vector<1x2000x128xf32> to vector<2000x128xf32>
    %get3A_4 = arith.constant 1 : index
    %get3A_5 = arith.constant 0 : index
    %get3A_6 = arith.constant 0 : index
    %get3A_7 = vector.load %arg1[%get3A_4, %get3A_5, %get3A_6] : memref<2x2000x128xf32, #tpu.memory_space<vmem>>, vector<1x2000x128xf32>
    %get3A_8 = vector.shape_cast %get3A_7 : vector<1x2000x128xf32> to vector<2000x128xf32>
    %add3A = arith.addf %get3A_3, %get3A_8 : vector<2000x128xf32>
    %get3A_9 = arith.constant 0 : index
    %get3A_10 = arith.constant 0 : index
    %get3A_11 = vector.load %arg2[%get3A_9, %get3A_10] : memref<2000x128xf32, #tpu.memory_space<vmem>>, vector<2000x128xf32>
    %sub3A = arith.subf %add3A, %get3A_11 : vector<2000x128xf32>
    %get3A_12 = arith.constant 0 : index
    %get3A_13 = arith.constant 0 : index
    %get3A_14 = vector.load %arg3[%get3A_12, %get3A_13] : memref<2000x1xf32, #tpu.memory_space<vmem>>, vector<2000x1xf32>
    %mul3A = vector.broadcast %get3A_14 : vector<2000x1xf32> to vector<2000x128xf32>
    %mul3A_15 = arith.mulf %mul3A, %sub3A : vector<2000x128xf32>
    %get3A_16 = arith.constant 0 : index
    %get3A_17 = arith.constant 0 : index
    %get3A_18 = vector.load %arg4[%get3A_16, %get3A_17] : memref<1x128xf32, #tpu.memory_space<vmem>>, vector<1x128xf32>
    %add3A_19 = vector.broadcast %get3A_18 : vector<1x128xf32> to vector<2000x128xf32>
    %add3A_20 = arith.addf %mul3A_15, %add3A_19 : vector<2000x128xf32>
    %swap3A = arith.constant 0 : index
    %swap3A_21 = arith.constant 0 : index
    %swap3A_22 = vector.load %arg5[%swap3A, %swap3A_21] : memref<2000x128xf32, #tpu.memory_space<vmem>>, vector<2000x128xf32>
    tpu.vector_store %arg5[%swap3A, %swap3A_21], %add3A_20 {strides = array<i32>} : memref<2000x128xf32, #tpu.memory_space<vmem>>, vector<2000x128xf32>,
    return
  }
  func.func @transform_0(%arg0: i32) -> (i32, i32, i32) {
    %c0_i32 = arith.constant 0 : i32
    %c0_i32_0 = arith.constant 0 : i32
    %c0_i32_1 = arith.constant 0 : i32
    return %c0_i32, %arg0, %c0_i32_0 : i32, i32, i32
  }
  func.func @transform_1(%arg0: i32) -> (i32, i32) {
    %c0_i32 = arith.constant 0 : i32
    %c0_i32_0 = arith.constant 0 : i32
    return %arg0, %c0_i32 : i32, i32
  }
  func.func @transform_2(%arg0: i32) -> (i32, i32) {
    %c0_i32 = arith.constant 0 : i32
    %c0_i32_0 = arith.constant 0 : i32
    return %arg0, %c0_i32 : i32, i32
  }
  func.func @transform_3(%arg0: i32) -> (i32, i32) {
    %c0_i32 = arith.constant 0 : i32
    %c0_i32_0 = arith.constant 0 : i32
    %c0_i32_1 = arith.constant 0 : i32
    return %c0_i32, %c0_i32_0 : i32, i32
  }
  func.func @transform_4(%arg0: i32) -> (i32, i32) {
    %c0_i32 = arith.constant 0 : i32
    %c0_i32_0 = arith.constant 0 : i32
    return %arg0, %c0_i32 : i32, i32
  }
}

</mosaic_0001>

<sc_bundles>
// kernel: kernel.11.cloned.1.call-start
scs
__scs_entry_jumppad:
0x0: {  	(pc) =	sbr.rel $0x88, $3  }
0x1: {  	(tag) =	ssettag $0x0;
	lr =	simm.s32 $0x1  }
0x2: {  	[smem:$0x3F9B] =	sst lr;
	_ =	strace $0xD0000000  }
0x3: {  	_ = 	snop  }
0x4: {  	_ = 	snop  }
0x5: {  	_ = 	snop  }
0x6: {  	_ = 	snop  }
0x7: {  	_ = 	snop  }
__scs_overlays_trampoline_lowered:
0x8: {  	[smem:$0x3FAA] =	sst s0  }
0x9: {  	[smem:$0x3FAB] =	sst s1  }
0xa: {  	[smem:$0x3FAC] =	sst s2  }
0xb: {  	[smem:$0x3FAD] =	sst s3  }
0xc: {  	[smem:$0x3FAE] =	sst s4  }
0xd: {  	[smem:$0x3FAF] =	sst s5  }
0xe: {  	[smem:$0x3FB0] =	sst s6  }
0xf: {  	[smem:$0x3FB1] =	sst s7  }
0x10: {  	[smem:$0x3FB2] =	sst s8  }
0x11: {  	[smem:$0x3FB3] =	sst s9;
	s0 =	simm.s32 @!p0 $0x0  }
0x12: {  	s1 =	sld [smem:$0x3F99];
	s0 =	simm.s32 @p0 $0x1  }
0x13: {  	[smem:$0x3FB4] =	sst s0;
	s0 =	simm.s32 @!p1 $0x0  }
0x14: {  	s2 =	sld [smem:$0x3F98];
	s0 =	simm.s32 @p1 $0x1  }
0x15: {  	[smem:$0x3FB5] =	sst s0;
	s0 =	simm.s32 @!p2 $0x0  }
0x16: {  	s3 =	sld [smem:$0x3FDB];
	s0 =	simm.s32 @p2 $0x1  }
0x17: {  	s4 =	simm.s32 $0x1BF5;
	[smem:$0x3FB7] =	sst s0  }
0x18: {  	s0 =	sld [smem:$0x3F9A];
	_ =	swait.ge [sflag:s4], $0x0  }
0x19: {  	s7 =	sld [smem:$0x3F9B]  }
0x1a: {  	s8 =	sadd.s32 $0xFFFFE003, lr  }
0x1b: {  	s9 =	sadd.s32 $0xFFFFFEF7, lr;
	s5 =	simm.s32 $0xFFFFFFFF;
	p2 =	slt.u32 s8, $0xFFFFF086  }
0x1c: {  	p1 =	slt.u32 s9, $0xF7A;
	s5 =	simm.s32 @!p2 $0x0  }
0x1d: {  	s5 =	simm.s32 @p1 $0x1;
	p0 =	seq.s32 s7, s2  }
0x1e: {  	s7 =	smul.u32 @!p0 $0xF7A, s2;
	p2 =	seq.s32 @!p0 s5, $0x0  }
0x1f: {  	s9 =	smul.u32 $0xF7A, s1;
	s8 =	simm.s32 @!p0 $0x1BF5;
	p2 =	por !p2, p0  }
0x20: {  	[sflag:s8] =	ssyncset.s32 @!p0 $0xFFFFF086;
	s6 =	sadd.s32 @!p0 s3, s7;
	s7 =	simm.s32 @!p0 $0x108  }
0x21: {  	s3 =	sadd.s32 s3, s9;
	s6 =	sadd.s32 @!p0 $0x88, s6;
	s7 =	simm.s32 @p2 $0x1082  }
0x22: {  	[simem:s7], [sflag:s8] =	dma.local @!p0 [hbm:s6], $0xF7A  }
0x23: {  	s9 =	sor.u32 $0xD0000000, s2;
	s6 =	simm.s32 $0x108;
	_ =	swait.ge @!p0 [sflag:s8], $0x0  }
0x24: {  	s3 =	sadd.s32 $0x88, s3;
	s6 =	simm.s32 @!p1 $0x1082;
	[sflag:s4] =	ssyncset.s32 $0xFFFFF086  }
0x25: {  	[simem:s6], [sflag:s4] =	dma.local [hbm:s3], $0xF7A  }
0x26: {  	[smem:$0x3F9B] =	sst s1;
	(tag) =	ssettag s2;
	_ =	strace s9  }
0x27: {  	s1 =	sld [smem:$0x3FAB]  }
0x28: {  	s2 =	sld [smem:$0x3FAC]  }
0x29: {  	s4 =	sld [smem:$0x3FAE]  }
0x2a: {  	p0 =	seq.s32 s5, $0x0;
	s5 =	sld [smem:$0x3FAF]  }
0x2b: {  	s6 =	sld [smem:$0x3FB0]  }
0x2c: {  	s7 =	sld [smem:$0x3FB1]  }
0x2d: {  	s3 =	simm.s32 $0x108;
	s8 =	sld [smem:$0x3FB2]  }
0x2e: {  	s3 =	simm.s32 @!p0 $0x1082;
	s9 =	sld [smem:$0x3FB3]  }
0x2f: {  	lr =	sadd.s32 s0, s3;
	s0 =	sld [smem:$0x3FAA]  }
0x30: {  	s3 =	sld [smem:$0x3FAD]  }
0x31: {  	[smem:$0x3FB6] =	sst s10  }
0x32: {  	s10 =	sld [smem:$0x3FB4];
	_ =	sdelay $0x3  }
0x33: {  	p0 =	seq.s32 s10, $0x1;
	s10 =	sld [smem:$0x3FB6];
	_ =	sdelay $0x3  }
0x34: {  	[smem:$0x3FB6] =	sst s10  }
0x35: {  	s10 =	sld [smem:$0x3FB5];
	_ =	sdelay $0x3  }
0x36: {  	p1 =	seq.s32 s10, $0x1;
	s10 =	sld [smem:$0x3FB6];
	_ =	sdelay $0x3  }
0x37: {  	[smem:$0x3FB6] =	sst s10  }
0x38: {  	s10 =	sld [smem:$0x3FB7]  }
0x39: {  	_ = 	snop;
	(pc) =	sbr.ind lr, $3  }
0x3a: {  	_ = 	snop  }
0x3b: {  	_ = 	snop  }
0x3c: {  	p2 =	seq.s32 s10, $0x1;
	s10 =	sld [smem:$0x3FB6]  }
0x3d: {  	_ =	shalt  }
0x3e: {  	_ =	shalt  }
0x3f: {  	_ =	shalt  }
0x40: {  	_ =	shalt  }
0x41: {  	_ =	shalt  }
0x42: {  	_ =	shalt  }
0x43: {  	_ =	shalt  }
0x44: {  	_ =	shalt  }
0x45: {  	_ =	shalt  }
0x46: {  	_ =	shalt  }
0x47: {  	_ =	shalt  }
0x48: {  	_ =	shalt  }
0x49: {  	_ =	shalt  }
0x4a: {  	_ =	shalt  }
0x4b: {  	_ =	shalt  }
0x4c: {  	_ =	shalt  }
0x4d: {  	_ =	shalt  }
0x4e: {  	_ =	shalt  }
0x4f: {  	_ =	shalt  }
0x50: {  	_ =	shalt  }
0x51: {  	_ =	shalt  }
0x52: {  	_ =	shalt  }
0x53: {  	_ =	shalt  }
0x54: {  	_ =	shalt  }
0x55: {  	_ =	shalt  }
0x56: {  	_ =	shalt  }
0x57: {  	_ =	shalt  }
0x58: {  	_ =	shalt  }
0x59: {  	_ =	shalt  }
0x5a: {  	_ =	shalt  }
0x5b: {  	_ =	shalt  }
0x5c: {  	_ =	shalt  }
0x5d: {  	_ =	shalt  }
0x5e: {  	_ =	shalt  }
0x5f: {  	_ =	shalt  }
0x60: {  	_ =	shalt  }
0x61: {  	_ =	shalt  }
0x62: {  	_ =	shalt  }
0x63: {  	_ =	shalt  }
0x64: {  	_ =	shalt  }
0x65: {  	_ =	shalt  }
0x66: {  	_ =	shalt  }
0x67: {  	_ =	shalt  }
0x68: {  	_ =	shalt  }
0x69: {  	_ =	shalt  }
0x6a: {  	_ =	shalt  }
0x6b: {  	_ =	shalt  }
0x6c: {  	_ =	shalt  }
0x6d: {  	_ =	shalt  }
0x6e: {  	_ =	shalt  }
0x6f: {  	_ =	shalt  }
0x70: {  	_ =	shalt  }
0x71: {  	_ =	shalt  }
0x72: {  	_ =	shalt  }
0x73: {  	_ =	shalt  }
0x74: {  	_ =	shalt  }
0x75: {  	_ =	shalt  }
0x76: {  	_ =	shalt  }
0x77: {  	_ =	shalt  }
0x78: {  	_ =	shalt  }
0x79: {  	_ =	shalt  }
0x7a: {  	_ =	shalt  }
0x7b: {  	_ =	shalt  }
0x7c: {  	_ =	shalt  }
0x7d: {  	_ =	shalt  }
0x7e: {  	_ =	shalt  }
0x7f: {  	_ =	shalt  }
0x80: {  	_ =	shalt  }
0x81: {  	_ =	shalt  }
0x82: {  	_ =	shalt  }
0x83: {  	_ =	shalt  }
0x84: {  	_ =	shalt  }
0x85: {  	_ =	shalt  }
0x86: {  	_ =	shalt  }
0x87: {  	_ =	shalt  }
.Lfunc_end0:
.L_simem_size_0:
called_computation.1_lowered:
.L_overlay_start_0:
0x88: {  	s2 =	sld [smem:$0x3FD9]  }
0x89: {  	s3 =	sld [smem:$0x3FFE];
	_ =	sdelay $0x1  }
0x8a: {  	s1 =	srdreg.scid  }
0x8b: {  	s0 =	sand.u32 $0x1, s1  }
0x8c: {  	s17 =	sshll.u32 s0, $0xA;
	s2 =	sadd.s32 s3, s2  }
0x8d: {  	s2 =	sadd.s32 s2, s17  }
0x8e: {  	[smem:$0x3FC2] =	sst s2  }
0x8f: {  	_ = 	snop  }
0x90: {  	s2 =	sld [smem:$0x3FD0];
	(tm) =	ssettm $0x1  }
0x91: {  	s18 =	sld [smem:$0x3FFB];
	_ =	sdelay $0x3  }
0x92: {  	_ =	strace s18  }
0x93: {  	s3 =	sld [smem:$0x3FFC];
	_ =	sdelay $0x3  }
0x94: {  	_ =	strace s3  }
0x95: {  	s3 =	sld [smem:$0x3FFD];
	_ =	sdelay $0x3  }
0x96: {  	_ =	strace s3  }
0x97: {  	_ =	strace $0x8FFFFFFF  }
0x98: {  	s19 =	sld [smem:$0x3FDB];
	_ =	sdelay $0x1  }
0x99: {  	s4 =	simm.s32 $_scs_section_size  }
0x9a: {  	s5 =	simm.s32 $_size__tile_overlayer_lowered;
	s6 =	simm.s32 $_tile_overlayer_lowered  }
0x9b: {  	s22 =	simm.s32 $0x1BFF;
	s21 =	sshll.u32 s6, $0x1;
	s3 =	sadd.s32 s4, s19  }
0x9c: {  	s7 =	simm.s32 $0x0;
	s20 =	sshll.u32 s5, $0x1;
	s5 =	sadd.s32 s21, s3  }
0x9d: {  	[timem:s7], [sflag:s22] =	dma.local [hbm:s5], s20  }
0x9e: {  	_ =	swait.ge [sflag:s22], s20  }
0x9f: {  	s4 =	ssub.s32 $0x0, s20;
	[sflag:s22] =	ssyncset.done $0x0  }
0xa0: {  	[sflag:s22] =	ssyncadd.s32 s4;
	_ =	sdelay $0x1  }
0xa1: {  	s23 =	simm.s32 $0x1B8B  }
0xa2: {  	_ =	swait.ge [sflag:s23], $0x1  }
0xa3: {  	[sflag:s23] =	ssyncset.done $0x0  }
0xa4: {  	s25 =	simm.s32 $0x1B8E;
	s24 =	sld [smem:$0x3FFE];
	[sflag:s23] =	ssyncadd.s32 $0xFFFFFFFF  }
0xa5: {  	s26 =	simm.s32 $execute0_lowered;
	[smem:$0x3FD2] =	sst s25  }
0xa6: {  	s5 =	sshll.u32 s26, $0x1;
	_ =	strace $0x80000049;
	[dreg:$0x1] =	wrdreg $0xFFFFFFFF  }
0xa7: {  	s28 =	simm.s32 $_size_execute0_lowered;
	s3 =	sadd.s32 s3, s5;
	[dreg:$0x0] =	wrdreg $0x0  }
0xa8: {  	s5 =	sshll.u32 s28, $0x1;
	[dreg:$0x2] =	wrdreg s3  }
0xa9: {  	[dreg:$0x3] =	wrdreg s5  }
0xaa: {  	[dreg:$0x4] =	wrdreg $0xC0  }
0xab: {  	_ =	task [dreg:s7], $0x5FFFF  }
0xac: {  	[dreg:$0x1] =	wrdreg $0xFFFFFFFF  }
0xad: {  	[dreg:$0x0] =	wrdreg $0x60  }
0xae: {  	[dreg:$0x2] =	wrdreg s2  }
0xaf: {  	[dreg:$0x3] =	wrdreg s24  }
0xb0: {  	[dreg:$0x4] =	wrdreg $0xA8000  }
0xb1: {  	[dreg:$0x5] =	wrdreg $0x9  }
0xb2: {  	_ =	task.clear_ibuf [dreg:s7], $0x6FFFF;
	_ =	strace $0x90000049  }
0xb3: {  	s29 =	simm.s32 $0x9;
	_ =	strace $0x8000004B  }
0xb4: {  	_ =	swait.ge [sflag:s29], $0x1  }
0xb5: {  	[sflag:s29] =	ssyncadd.s32 $0xFFFFFFFF  }
0xb6: {  	_ =	strace $0x9000004B  }
0xb7: {  	_ =	sfence  }
0xb8: {  	s30 =	sld [smem:$0x0];
	_ =	sdelay $0x2  }
0xb9: {  	s31 =	sshll.u32 s1, $0xD;
	s1 =	sshrl.u32 s1, $0x2  }
0xba: {  	s3 =	sand.u32 $0x4000, s31;
	s1 =	sadd.s32 s1, s30  }
0xbb: {  	s0 =	sor.u32 s3, s0;
	s1 =	sshll.u32 s1, $0x11  }
0xbc: {  	s0 =	sor.u32 s1, s0  }
0xbd: {  	s0 =	sadd.s32 $0x8F2B, s0  }
0xbe: {  	[sflag:s0] =	ssyncadd.remote.s32 $0x1  }
0xbf: {  	_ =	sfence.sel $0xFFFF  }
0xc0: {  	[dreg:$0x0] =	wrdreg $0xFFFFFFFF;
	(pc) =	sbr.abs _section_cstart, $3  }
0xc1: {  	[dreg:$0x1] =	wrdreg $0xFFFFFFFF  }
0xc2: {  	_ =	task.clear_ibuf [dreg:s7], $0x2FFFF;
	_ =	strace $0x9FFFFFFF  }
0xc3: {  	(tm) =	ssettm $0x7FFFFFFF  }
tec
execute0_lowered:
.L_overlay_start_1:
0x0: {  	(tag) =	ssettag $0x1  }
0x1: {  	s1 =	rddreg [dreg:$0x0]  }
0x2: {  	s5 =	rddreg [dreg:$0x1]  }
0x3: {  	s2 =	rddreg [dreg:$0x2]  }
0x4: {  	s3 =	srdreg.scid;
	s0 =	rddreg [dreg:$0x3];
	s4 =	simm.s32 $0x0  }
0x5: {  	s17 =	simm.s32 $0x3;
	s18 =	simm.s32 $0x1400;
	s19 =	simm.s32 $0x7D  }
0x6: {  	s20 =	simm.s32 $0x2800;
	s21 =	simm.s32 $0x80;
	s22 =	simm.s32 $0x6800  }
0x7: {  	s23 =	simm.s32 $0x1;
	s24 =	simm.s32 $0x2;
	s25 =	simm.s32 $0x2700  }
0x8: {  	s26 =	simm.s32 $0x2780;
	s6 =	sand.u32 $0x1, s3;
	s3 =	stileid.u32  }
0x9: {  	s28 =	simm.s32 $0x0;
	[smem:$0x7FF] =	sst s4;
	s7 =	smul.u32 $0x140000, s6  }
0xa: {  	s10 =	sadd.s32 $0xCE00, s5;
	s11 =	sadd.s32 $0x2600, s5;
	s8 =	smul.u32 $0x14000, s3  }
0xb: {  	s15 =	sadd.s32 $0x12C000, s2;
	_ =	strace $0x8000004A;
	s30 =	smul.u32 $0x50000, s3  }
0xc: {  	s9 =	sshll.u32 s6, $0x4;
	s6 =	ssub.s32 $0x2, s6;
	s12 =	smul.u32 $0x2800, s3  }
0xd: {  	p0 =	seq.s32 s3, $0xF;
	s9 =	sor.u32 s3, s9;
	s13 =	sshrl.u32 s6, $0x1  }
0xe: {  	s16 =	sshll.u32 @!p0 s3, $0x6;
	s7 =	sadd.s32 s8, s7;
	s8 =	sshrl.u32 s30, $0x2  }
0xf: {  	s9 =	smul.u32 $0x2800, s9;
	s13 =	ssub.s32 s6, s13;
	s7 =	sshrl.u32 s7, $0x3  }
0x10: {  	s6 =	sadd.s32 s1, s12;
	s13 =	smax.u32 s13, $0x1;
	s14 =	sadd.s32 s7, s5  }
0x11: {  	s5 =	sadd.s32 s8, s2;
	s9 =	sshrl.u32 s9, $0x3;
	s7 =	sadd.s32 $0x25800, s1  }
0x12: {  	s8 =	sadd.s32 s10, s9;
	s31 =	sadd.s32 $0x280, s9;
	s9 =	sadd.s32 s11, s9  }
0x13: {  	s12 =	sadd.s32 $0x16E00, s14;
	s14 =	sshrl.u32 @p0 s15, $0x3;
	s15 =	sor.u32 @!p0 $0x1C03, s16  }
0x14: {  	s16 =	sshrl.u32 @!p0 s5, $0x3;
	s10 =	sadd.s32 s10, s31;
	s11 =	sadd.s32 s11, s31  }
.LBB2_1:
0x15: {  	s29 =	simm.s32 @p0 $0x1FC3  }
0x16: {  	[spmem:s14], [sflag:s29] =	dma.local @p0 [hbm:s7], $0x1900  }
0x17: {  	s29 =	simm.s32 @p0 $0x3  }
0x18: {  	_ =	swait.ge @p0 [sflag:s29], $0x1900  }
0x19: {  	[sflag:s29] =	ssyncset.done @p0 $0x0  }
0x1a: {  	[sflag:s29] =	ssyncadd.s32 @p0 $0xFFFFE700;
	s29 =	simm.s32 @!p0 $0x3  }
0x1b: {  	[spmem:s16], [sflag:s15] =	dma.local @!p0 [hbm:s6], $0x2800  }
0x1c: {  	_ =	swait.ge @!p0 [sflag:s29], $0x2800  }
0x1d: {  	[sflag:s29] =	ssyncset.done @!p0 $0x0  }
0x1e: {  	[sflag:s29] =	ssyncadd.s32 @!p0 $0xFFFFD800  }
0x1f: {  	[tilespmem:s4], [sflag:$0x3] =	stream.linear.gather [hbm4b:s8+s4], $0x1400, $0x38;
	[tilespmem:$0x1E800] =	vst v63  }
0x20: {  	_ =	swait.ge [sflag:s17], $0x1400  }
0x21: {  	[sflag:s17] =	ssyncset.done $0x0  }
0x22: {  	[sflag:s17] =	ssyncadd.s32 $0xFFFFEC00  }
0x23: {  	[tilespmem:s18], [sflag:$0x3] =	stream.linear.gather [hbm4b:s9+s4], $0x1400, $0x38;
	[tilespmem:$0x1E800] =	vst v63  }
0x24: {  	_ =	swait.ge [sflag:s17], $0x1400  }
0x25: {  	[sflag:s17] =	ssyncset.done $0x0  }
0x26: {  	[sflag:s17] =	ssyncadd.s32 $0xFFFFEC00  }
0x27: {  	[tilespmem:s20], [sflag:$0x1] =	stream.indirect.gather [hbm4b:s1+s19], $0x80, s4, s19, $0xb8;
	[tilespmem:$0x1E800] =	vst v63  }
0x28: {  	_ = 	snop  }
0x29: {  	[tilespmem:s22], [sflag:$0x2] =	stream.indirect.gather [hbm4b:s1+s19], $0x80, s21, s19, $0xb8;
	[tilespmem:$0x1E800] =	vst v63  }
0x2a: {  	[bflag:$0x0] =	sbarrier.arrive $0xFFFF  }
0x2b: {  	_ =	swait.ge [sflag:s23], $0x3E80  }
0x2c: {  	[sflag:s23] =	ssyncset.done $0x0  }
0x2d: {  	s29 =	simm.s32 $0x1400;
	[sflag:s23] =	ssyncadd.s32 $0xFFFFC180  }
0x2e: {  	[spmem:s2] =	stream.indirect.scatter.add.f32 [tilespmem:s20], [sflag:$0x3], $0x80, s29, s19, $0xb8;
	[tilespmem:$0x1E800] =	vst v63  }
0x2f: {  	_ =	swait.ge [sflag:s17], $0x3E80  }
0x30: {  	[sflag:s17] =	ssyncset.done $0x0  }
0x31: {  	s29 =	simm.s32 $0x100;
	[sflag:s17] =	ssyncadd.s32 $0xFFFFC180  }
0x32: {  	[tilespmem:s20], [sflag:$0x1] =	stream.indirect.gather [hbm4b:s1+s19], $0x80, s29, s19, $0xb8;
	[tilespmem:$0x1E800] =	vst v63  }
0x33: {  	_ =	swait.ge [sflag:s24], $0x3E80  }
0x34: {  	[sflag:s24] =	ssyncset.done $0x0  }
0x35: {  	s29 =	simm.s32 $0x1480;
	[sflag:s24] =	ssyncadd.s32 $0xFFFFC180  }
0x36: {  	[spmem:s2] =	stream.indirect.scatter.add.f32 [tilespmem:s22], [sflag:$0x3], $0x80, s29, s19, $0xb8;
	[tilespmem:$0x1E800] =	vst v63  }
0x37: {  	_ =	swait.ge [sflag:s17], $0x3E80  }
0x38: {  	[sflag:s17] =	ssyncset.done $0x0  }
0x39: {  	s30 =	simm.s32 $0x180;
	s29 =	simm.s32 $0x400;
	[sflag:s17] =	ssyncadd.s32 $0xFFFFC180  }
.LBB2_2:
0x3a: {  	[tilespmem:s22], [sflag:$0x2] =	stream.indirect.gather [hbm4b:s1+s19], $0x80, s30, s19, $0xb8;
	[tilespmem:$0x1E800] =	vst v63  }
0x3b: {  	s30 =	smov.u32 s29  }
0x3c: {  	p1 =	sne.s32 s29, $0x4800;
	s29 =	sadd.s32 $0x400, s29;
	_ =	swait.ge [sflag:s23], $0x3E80  }
0x3d: {  	s30 =	sshra.s32 s30, $0x2;
	[sflag:s23] =	ssyncset.done $0x0  }
0x3e: {  	s31 =	sadd.s32 $0x1400, s30;
	[sflag:s23] =	ssyncadd.s32 $0xFFFFC180  }
0x3f: {  	[spmem:s2] =	stream.indirect.scatter.add.f32 [tilespmem:s20], [sflag:$0x3], $0x80, s31, s19, $0xb8;
	[tilespmem:$0x1E800] =	vst v63  }
0x40: {  	_ =	swait.ge [sflag:s17], $0x3E80  }
0x41: {  	[sflag:s17] =	ssyncset.done $0x0  }
0x42: {  	s31 =	sadd.s32 $0x100, s30;
	[sflag:s17] =	ssyncadd.s32 $0xFFFFC180  }
0x43: {  	[tilespmem:s20], [sflag:$0x1] =	stream.indirect.gather [hbm4b:s1+s19], $0x80, s31, s19, $0xb8;
	[tilespmem:$0x1E800] =	vst v63  }
0x44: {  	_ =	swait.ge [sflag:s24], $0x3E80  }
0x45: {  	[sflag:s24] =	ssyncset.done $0x0  }
.Ltmp0:
0x46: {  	s31 =	sadd.s32 $0x1480, s30;
	[sflag:s24] =	ssyncadd.s32 $0xFFFFC180;
	(pc) =	sbr.rel @p1 .LBB2_2-.Ltmp0, $4  }
0x47: {  	[spmem:s2] =	stream.indirect.scatter.add.f32 [tilespmem:s22], [sflag:$0x3], $0x80, s31, s19, $0xb8;
	[tilespmem:$0x1E800] =	vst v63  }
0x48: {  	_ =	swait.ge [sflag:s17], $0x3E80  }
0x49: {  	[sflag:s17] =	ssyncset.done $0x0  }
0x4a: {  	s30 =	sadd.s32 $0x180, s30;
	[sflag:s17] =	ssyncadd.s32 $0xFFFFC180  }
0x4b: {  	[tilespmem:s22], [sflag:$0x2] =	stream.indirect.gather [hbm4b:s1+s19], $0x80, s30, s19, $0xb8;
	[tilespmem:$0x1E800] =	vst v63  }
0x4c: {  	_ =	swait.ge [sflag:s23], $0x3E80  }
0x4d: {  	[sflag:s23] =	ssyncset.done $0x0  }
0x4e: {  	[sflag:s23] =	ssyncadd.s32 $0xFFFFC180  }
0x4f: {  	[spmem:s2] =	stream.indirect.scatter.add.f32 [tilespmem:s20], [sflag:$0x3], $0x80, s25, s19, $0xb8;
	[tilespmem:$0x1E800] =	vst v63  }
0x50: {  	_ =	swait.ge [sflag:s17], $0x3E80  }
0x51: {  	[sflag:s17] =	ssyncset.done $0x0  }
0x52: {  	[sflag:s17] =	ssyncadd.s32 $0xFFFFC180  }
0x53: {  	_ =	swait.ge [sflag:s24], $0x3E80  }
0x54: {  	[sflag:s24] =	ssyncset.done $0x0  }
0x55: {  	[sflag:s24] =	ssyncadd.s32 $0xFFFFC180  }
0x56: {  	[spmem:s2] =	stream.indirect.scatter.add.f32 [tilespmem:s22], [sflag:$0x3], $0x80, s26, s19, $0xb8;
	[tilespmem:$0x1E800] =	vst v63  }
0x57: {  	_ =	swait.ge [sflag:s17], $0x3E80  }
0x58: {  	[sflag:s17] =	ssyncset.done $0x0  }
0x59: {  	s29 =	simm.s32 $0x0;
	[sflag:s17] =	ssyncadd.s32 $0xFFFFC180  }
0x5a: {  	[tilespmem:s29], [sflag:$0x3] =	stream.linear.gather [hbm4b:s10+s29], $0x1400, $0x38;
	[tilespmem:$0x1E800] =	vst v63  }
0x5b: {  	_ =	swait.ge [sflag:s17], $0x1400  }
0x5c: {  	[sflag:s17] =	ssyncset.done $0x0  }
0x5d: {  	[sflag:s17] =	ssyncadd.s32 $0xFFFFEC00  }
0x5e: {  	[tilespmem:s18], [sflag:$0x3] =	stream.linear.gather [hbm4b:s11+s29], $0x1400, $0x38;
	[tilespmem:$0x1E800] =	vst v63  }
0x5f: {  	_ =	swait.ge [sflag:s17], $0x1400  }
0x60: {  	[sflag:s17] =	ssyncset.done $0x0  }
0x61: {  	[sflag:s17] =	ssyncadd.s32 $0xFFFFEC00  }
0x62: {  	[tilespmem:s20], [sflag:$0x1] =	stream.indirect.gather [hbm4b:s1+s19], $0x80, s29, s19, $0xb8;
	[tilespmem:$0x1E800] =	vst v63  }
0x63: {  	_ = 	snop  }
0x64: {  	[tilespmem:s22], [sflag:$0x2] =	stream.indirect.gather [hbm4b:s1+s19], $0x80, s21, s19, $0xb8;
	[tilespmem:$0x1E800] =	vst v63  }
0x65: {  	_ =	swait.ge [sflag:s23], $0x3E80  }
0x66: {  	[sflag:s23] =	ssyncset.done $0x0  }
0x67: {  	s29 =	simm.s32 $0x1400;
	[sflag:s23] =	ssyncadd.s32 $0xFFFFC180  }
0x68: {  	[spmem:s2] =	stream.indirect.scatter.add.f32 [tilespmem:s20], [sflag:$0x3], $0x80, s29, s19, $0xb8;
	[tilespmem:$0x1E800] =	vst v63  }
0x69: {  	_ =	swait.ge [sflag:s17], $0x3E80  }
0x6a: {  	[sflag:s17] =	ssyncset.done $0x0  }
0x6b: {  	s29 =	simm.s32 $0x100;
	[sflag:s17] =	ssyncadd.s32 $0xFFFFC180  }
0x6c: {  	[tilespmem:s20], [sflag:$0x1] =	stream.indirect.gather [hbm4b:s1+s19], $0x80, s29, s19, $0xb8;
	[tilespmem:$0x1E800] =	vst v63  }
0x6d: {  	_ =	swait.ge [sflag:s24], $0x3E80  }
0x6e: {  	[sflag:s24] =	ssyncset.done $0x0  }
0x6f: {  	s29 =	simm.s32 $0x1480;
	[sflag:s24] =	ssyncadd.s32 $0xFFFFC180  }
0x70: {  	[spmem:s2] =	stream.indirect.scatter.add.f32 [tilespmem:s22], [sflag:$0x3], $0x80, s29, s19, $0xb8;
	[tilespmem:$0x1E800] =	vst v63  }
0x71: {  	_ =	swait.ge [sflag:s17], $0x3E80  }
0x72: {  	[sflag:s17] =	ssyncset.done $0x0  }
0x73: {  	s30 =	simm.s32 $0x180;
	s29 =	simm.s32 $0x400;
	[sflag:s17] =	ssyncadd.s32 $0xFFFFC180  }
.LBB2_4:
0x74: {  	[tilespmem:s22], [sflag:$0x2] =	stream.indirect.gather [hbm4b:s1+s19], $0x80, s30, s19, $0xb8;
	[tilespmem:$0x1E800] =	vst v63  }
0x75: {  	s30 =	smov.u32 s29  }
0x76: {  	p1 =	sne.s32 s29, $0x4800;
	s29 =	sadd.s32 $0x400, s29;
	_ =	swait.ge [sflag:s23], $0x3E80  }
0x77: {  	s30 =	sshra.s32 s30, $0x2;
	[sflag:s23] =	ssyncset.done $0x0  }
0x78: {  	s31 =	sadd.s32 $0x1400, s30;
	[sflag:s23] =	ssyncadd.s32 $0xFFFFC180  }
0x79: {  	[spmem:s2] =	stream.indirect.scatter.add.f32 [tilespmem:s20], [sflag:$0x3], $0x80, s31, s19, $0xb8;
	[tilespmem:$0x1E800] =	vst v63  }
0x7a: {  	_ =	swait.ge [sflag:s17], $0x3E80  }
0x7b: {  	[sflag:s17] =	ssyncset.done $0x0  }
0x7c: {  	s31 =	sadd.s32 $0x100, s30;
	[sflag:s17] =	ssyncadd.s32 $0xFFFFC180  }
0x7d: {  	[tilespmem:s20], [sflag:$0x1] =	stream.indirect.gather [hbm4b:s1+s19], $0x80, s31, s19, $0xb8;
	[tilespmem:$0x1E800] =	vst v63  }
0x7e: {  	_ =	swait.ge [sflag:s24], $0x3E80  }
0x7f: {  	[sflag:s24] =	ssyncset.done $0x0  }
.Ltmp1:
0x80: {  	s31 =	sadd.s32 $0x1480, s30;
	[sflag:s24] =	ssyncadd.s32 $0xFFFFC180;
	(pc) =	sbr.rel @p1 .LBB2_4-.Ltmp1, $4  }
0x81: {  	[spmem:s2] =	stream.indirect.scatter.add.f32 [tilespmem:s22], [sflag:$0x3], $0x80, s31, s19, $0xb8;
	[tilespmem:$0x1E800] =	vst v63  }
0x82: {  	_ =	swait.ge [sflag:s17], $0x3E80  }
0x83: {  	[sflag:s17] =	ssyncset.done $0x0  }
0x84: {  	s30 =	sadd.s32 $0x180, s30;
	[sflag:s17] =	ssyncadd.s32 $0xFFFFC180  }
0x85: {  	[tilespmem:s22], [sflag:$0x2] =	stream.indirect.gather [hbm4b:s1+s19], $0x80, s30, s19, $0xb8;
	[tilespmem:$0x1E800] =	vst v63  }
0x86: {  	_ =	swait.ge [sflag:s23], $0x3E80  }
0x87: {  	[sflag:s23] =	ssyncset.done $0x0  }
0x88: {  	[sflag:s23] =	ssyncadd.s32 $0xFFFFC180  }
0x89: {  	[spmem:s2] =	stream.indirect.scatter.add.f32 [tilespmem:s20], [sflag:$0x3], $0x80, s25, s19, $0xb8;
	[tilespmem:$0x1E800] =	vst v63  }
0x8a: {  	_ =	swait.ge [sflag:s17], $0x3E80  }
0x8b: {  	[sflag:s17] =	ssyncset.done $0x0  }
0x8c: {  	[sflag:s17] =	ssyncadd.s32 $0xFFFFC180  }
0x8d: {  	_ =	swait.ge [sflag:s24], $0x3E80  }
0x8e: {  	[sflag:s24] =	ssyncset.done $0x0  }
0x8f: {  	[sflag:s24] =	ssyncadd.s32 $0xFFFFC180  }
0x90: {  	[spmem:s2] =	stream.indirect.scatter.add.f32 [tilespmem:s22], [sflag:$0x3], $0x80, s26, s19, $0xb8;
	[tilespmem:$0x1E800] =	vst v63  }
0x91: {  	_ =	swait.ge [sflag:s17], $0x3E80  }
0x92: {  	s29 =	sshll.u32 s3, $0x6;
	s28 =	sadd.s32 $0x1, s28;
	[sflag:s17] =	ssyncset.done $0x0  }
0x93: {  	s31 =	sshrl.u32 s5, $0x3;
	p1 =	sne.s32 s28, s13;
	[sflag:s17] =	ssyncadd.s32 $0xFFFFC180  }
.Ltmp2:
0x94: {  	s29 =	sor.u32 $0x1C03, s29;
	[bflag:$0x0] =	sbarrier.arrive $0xFFFF;
	(pc) =	sbr.rel @p1 .LBB2_1-.Ltmp2, $4  }
0x95: {  	[hbm:s12], [sflag:s29] =	dma.local [spmem:s31], $0x2800  }
0x96: {  	_ =	swait.ge [sflag:s17], $0x2800  }
0x97: {  	[sflag:s17] =	ssyncset.done $0x0  }
0x98: {  	[sflag:s17] =	ssyncadd.s32 $0xFFFFD800  }
0x99: {  	_ =	sfence.sel $0x180000  }
0x9a: {  	[bflag:$0x0] =	sbarrier.arrive $0xFFFF  }
0x9b: {  	p0 =	sne.s32 s3, $0x0;
	_ =	strace $0x9000004A  }
0x9c: {  	s0 =	sadd.s32 @!p0 $0x100000, s0;
	[bflag:$0x2] =	sbarrier.arrive $0xFFFF  }
0x9d: {  	[sflag:s0] =	ssyncadd.tile.s32 @!p0 $0x1;
	_ =	shalt  }
.Lfunc_end2:
_tile_overlayer_lowered:
.L_overlay_start_2:
0x9e: {  	(tag) =	ssettag $0x2  }
0x9f: {  	s0 =	rddreg [dreg:$0x0];
	s2 =	stileid.u32  }
0xa0: {  	s1 =	rddreg [dreg:$0x1];
	p0 =	sne.s32 s2, $0x0  }
0xa1: {  	s3 =	rddreg [dreg:$0x2];
	[bflag:$0x3] =	sbarrier.arrive $0xFFFF;
	s2 =	simm.s32 @!p0 $0x1C03  }
0xa2: {  	[timem:s3], [sflag:s2] =	dma.local @!p0 [hbm:s0], s1  }
0xa3: {  	s0 =	simm.s32 @!p0 $0x3  }
0xa4: {  	_ =	swait.ge @!p0 [sflag:s0], s1  }
0xa5: {  	s1 =	ssub.s32 @!p0 $0x0, s1;
	[sflag:s0] =	ssyncset.done @!p0 $0x0  }
0xa6: {  	[sflag:s0] =	ssyncadd.s32 @!p0 s1  }
0xa7: {  	[bflag:$0x3] =	sbarrier.arrive $0xFFFF  }
0xa8: {  	_ =	shalt  }

// kernel: kernel.14.cloned.1.call-start
scs
__scs_entry_jumppad:
0x0: {  	(pc) =	sbr.rel $0x88, $3  }
0x1: {  	(tag) =	ssettag $0x0;
	lr =	simm.s32 $0x1  }
0x2: {  	[smem:$0x3F9B] =	sst lr;
	_ =	strace $0xD0000000  }
0x3: {  	_ = 	snop  }
0x4: {  	_ = 	snop  }
0x5: {  	_ = 	snop  }
0x6: {  	_ = 	snop  }
0x7: {  	_ = 	snop  }
__scs_overlays_trampoline_lowered:
0x8: {  	[smem:$0x3FAA] =	sst s0  }
0x9: {  	[smem:$0x3FAB] =	sst s1  }
0xa: {  	[smem:$0x3FAC] =	sst s2  }
0xb: {  	[smem:$0x3FAD] =	sst s3  }
0xc: {  	[smem:$0x3FAE] =	sst s4  }
0xd: {  	[smem:$0x3FAF] =	sst s5  }
0xe: {  	[smem:$0x3FB0] =	sst s6  }
0xf: {  	[smem:$0x3FB1] =	sst s7  }
0x10: {  	[smem:$0x3FB2] =	sst s8  }
0x11: {  	[smem:$0x3FB3] =	sst s9;
	s0 =	simm.s32 @!p0 $0x0  }
0x12: {  	s1 =	sld [smem:$0x3F99];
	s0 =	simm.s32 @p0 $0x1  }
0x13: {  	[smem:$0x3FB4] =	sst s0;
	s0 =	simm.s32 @!p1 $0x0  }
0x14: {  	s2 =	sld [smem:$0x3F98];
	s0 =	simm.s32 @p1 $0x1  }
0x15: {  	[smem:$0x3FB5] =	sst s0;
	s0 =	simm.s32 @!p2 $0x0  }
0x16: {  	s3 =	sld [smem:$0x3FDB];
	s0 =	simm.s32 @p2 $0x1  }
0x17: {  	s4 =	simm.s32 $0x1BF5;
	[smem:$0x3FB7] =	sst s0  }
0x18: {  	s0 =	sld [smem:$0x3F9A];
	_ =	swait.ge [sflag:s4], $0x0  }
0x19: {  	s7 =	sld [smem:$0x3F9B]  }
0x1a: {  	s8 =	sadd.s32 $0xFFFFE003, lr  }
0x1b: {  	s9 =	sadd.s32 $0xFFFFFEF7, lr;
	s5 =	simm.s32 $0xFFFFFFFF;
	p2 =	slt.u32 s8, $0xFFFFF086  }
0x1c: {  	p1 =	slt.u32 s9, $0xF7A;
	s5 =	simm.s32 @!p2 $0x0  }
0x1d: {  	s5 =	simm.s32 @p1 $0x1;
	p0 =	seq.s32 s7, s2  }
0x1e: {  	s7 =	smul.u32 @!p0 $0xF7A, s2;
	p2 =	seq.s32 @!p0 s5, $0x0  }
0x1f: {  	s9 =	smul.u32 $0xF7A, s1;
	s8 =	simm.s32 @!p0 $0x1BF5;
	p2 =	por !p2, p0  }
0x20: {  	[sflag:s8] =	ssyncset.s32 @!p0 $0xFFFFF086;
	s6 =	sadd.s32 @!p0 s3, s7;
	s7 =	simm.s32 @!p0 $0x108  }
0x21: {  	s3 =	sadd.s32 s3, s9;
	s6 =	sadd.s32 @!p0 $0x88, s6;
	s7 =	simm.s32 @p2 $0x1082  }
0x22: {  	[simem:s7], [sflag:s8] =	dma.local @!p0 [hbm:s6], $0xF7A  }
0x23: {  	s9 =	sor.u32 $0xD0000000, s2;
	s6 =	simm.s32 $0x108;
	_ =	swait.ge @!p0 [sflag:s8], $0x0  }
0x24: {  	s3 =	sadd.s32 $0x88, s3;
	s6 =	simm.s32 @!p1 $0x1082;
	[sflag:s4] =	ssyncset.s32 $0xFFFFF086  }
0x25: {  	[simem:s6], [sflag:s4] =	dma.local [hbm:s3], $0xF7A  }
0x26: {  	[smem:$0x3F9B] =	sst s1;
	(tag) =	ssettag s2;
	_ =	strace s9  }
0x27: {  	s1 =	sld [smem:$0x3FAB]  }
0x28: {  	s2 =	sld [smem:$0x3FAC]  }
0x29: {  	s4 =	sld [smem:$0x3FAE]  }
0x2a: {  	p0 =	seq.s32 s5, $0x0;
	s5 =	sld [smem:$0x3FAF]  }
0x2b: {  	s6 =	sld [smem:$0x3FB0]  }
0x2c: {  	s7 =	sld [smem:$0x3FB1]  }
0x2d: {  	s3 =	simm.s32 $0x108;
	s8 =	sld [smem:$0x3FB2]  }
0x2e: {  	s3 =	simm.s32 @!p0 $0x1082;
	s9 =	sld [smem:$0x3FB3]  }
0x2f: {  	lr =	sadd.s32 s0, s3;
	s0 =	sld [smem:$0x3FAA]  }
0x30: {  	s3 =	sld [smem:$0x3FAD]  }
0x31: {  	[smem:$0x3FB6] =	sst s10  }
0x32: {  	s10 =	sld [smem:$0x3FB4];
	_ =	sdelay $0x3  }
0x33: {  	p0 =	seq.s32 s10, $0x1;
	s10 =	sld [smem:$0x3FB6];
	_ =	sdelay $0x3  }
0x34: {  	[smem:$0x3FB6] =	sst s10  }
0x35: {  	s10 =	sld [smem:$0x3FB5];
	_ =	sdelay $0x3  }
0x36: {  	p1 =	seq.s32 s10, $0x1;
	s10 =	sld [smem:$0x3FB6];
	_ =	sdelay $0x3  }
0x37: {  	[smem:$0x3FB6] =	sst s10  }
0x38: {  	s10 =	sld [smem:$0x3FB7]  }
0x39: {  	_ = 	snop;
	(pc) =	sbr.ind lr, $3  }
0x3a: {  	_ = 	snop  }
0x3b: {  	_ = 	snop  }
0x3c: {  	p2 =	seq.s32 s10, $0x1;
	s10 =	sld [smem:$0x3FB6]  }
0x3d: {  	_ =	shalt  }
0x3e: {  	_ =	shalt  }
0x3f: {  	_ =	shalt  }
0x40: {  	_ =	shalt  }
0x41: {  	_ =	shalt  }
0x42: {  	_ =	shalt  }
0x43: {  	_ =	shalt  }
0x44: {  	_ =	shalt  }
0x45: {  	_ =	shalt  }
0x46: {  	_ =	shalt  }
0x47: {  	_ =	shalt  }
0x48: {  	_ =	shalt  }
0x49: {  	_ =	shalt  }
0x4a: {  	_ =	shalt  }
0x4b: {  	_ =	shalt  }
0x4c: {  	_ =	shalt  }
0x4d: {  	_ =	shalt  }
0x4e: {  	_ =	shalt  }
0x4f: {  	_ =	shalt  }
0x50: {  	_ =	shalt  }
0x51: {  	_ =	shalt  }
0x52: {  	_ =	shalt  }
0x53: {  	_ =	shalt  }
0x54: {  	_ =	shalt  }
0x55: {  	_ =	shalt  }
0x56: {  	_ =	shalt  }
0x57: {  	_ =	shalt  }
0x58: {  	_ =	shalt  }
0x59: {  	_ =	shalt  }
0x5a: {  	_ =	shalt  }
0x5b: {  	_ =	shalt  }
0x5c: {  	_ =	shalt  }
0x5d: {  	_ =	shalt  }
0x5e: {  	_ =	shalt  }
0x5f: {  	_ =	shalt  }
0x60: {  	_ =	shalt  }
0x61: {  	_ =	shalt  }
0x62: {  	_ =	shalt  }
0x63: {  	_ =	shalt  }
0x64: {  	_ =	shalt  }
0x65: {  	_ =	shalt  }
0x66: {  	_ =	shalt  }
0x67: {  	_ =	shalt  }
0x68: {  	_ =	shalt  }
0x69: {  	_ =	shalt  }
0x6a: {  	_ =	shalt  }
0x6b: {  	_ =	shalt  }
0x6c: {  	_ =	shalt  }
0x6d: {  	_ =	shalt  }
0x6e: {  	_ =	shalt  }
0x6f: {  	_ =	shalt  }
0x70: {  	_ =	shalt  }
0x71: {  	_ =	shalt  }
0x72: {  	_ =	shalt  }
0x73: {  	_ =	shalt  }
0x74: {  	_ =	shalt  }
0x75: {  	_ =	shalt  }
0x76: {  	_ =	shalt  }
0x77: {  	_ =	shalt  }
0x78: {  	_ =	shalt  }
0x79: {  	_ =	shalt  }
0x7a: {  	_ =	shalt  }
0x7b: {  	_ =	shalt  }
0x7c: {  	_ =	shalt  }
0x7d: {  	_ =	shalt  }
0x7e: {  	_ =	shalt  }
0x7f: {  	_ =	shalt  }
0x80: {  	_ =	shalt  }
0x81: {  	_ =	shalt  }
0x82: {  	_ =	shalt  }
0x83: {  	_ =	shalt  }
0x84: {  	_ =	shalt  }
0x85: {  	_ =	shalt  }
0x86: {  	_ =	shalt  }
0x87: {  	_ =	shalt  }
.Lfunc_end0:
.L_simem_size_0:
called_computation.2_lowered:
.L_overlay_start_0:
0x88: {  	s2 =	sld [smem:$0x3FD9]  }
0x89: {  	s3 =	sld [smem:$0x3FFE];
	_ =	sdelay $0x1  }
0x8a: {  	s1 =	srdreg.scid  }
0x8b: {  	s0 =	sand.u32 $0x1, s1  }
0x8c: {  	s17 =	sshll.u32 s0, $0xA;
	s2 =	sadd.s32 s3, s2  }
0x8d: {  	s2 =	sadd.s32 s2, s17  }
0x8e: {  	[smem:$0x3FC2] =	sst s2  }
0x8f: {  	_ = 	snop  }
0x90: {  	s2 =	sld [smem:$0x3FD0];
	(tm) =	ssettm $0x1  }
0x91: {  	s18 =	sld [smem:$0x3FFB];
	_ =	sdelay $0x3  }
0x92: {  	_ =	strace s18  }
0x93: {  	s3 =	sld [smem:$0x3FFC];
	_ =	sdelay $0x3  }
0x94: {  	_ =	strace s3  }
0x95: {  	s3 =	sld [smem:$0x3FFD];
	_ =	sdelay $0x3  }
0x96: {  	_ =	strace s3  }
0x97: {  	_ =	strace $0x8FFFFFFF  }
0x98: {  	s19 =	sld [smem:$0x3FDB];
	_ =	sdelay $0x1  }
0x99: {  	s4 =	simm.s32 $_scs_section_size  }
0x9a: {  	s5 =	simm.s32 $_size__tile_overlayer_lowered;
	s6 =	simm.s32 $_tile_overlayer_lowered  }
0x9b: {  	s22 =	simm.s32 $0x1BFF;
	s21 =	sshll.u32 s6, $0x1;
	s3 =	sadd.s32 s4, s19  }
0x9c: {  	s7 =	simm.s32 $0x0;
	s20 =	sshll.u32 s5, $0x1;
	s5 =	sadd.s32 s21, s3  }
0x9d: {  	[timem:s7], [sflag:s22] =	dma.local [hbm:s5], s20  }
0x9e: {  	_ =	swait.ge [sflag:s22], s20  }
0x9f: {  	s4 =	ssub.s32 $0x0, s20;
	[sflag:s22] =	ssyncset.done $0x0  }
0xa0: {  	[sflag:s22] =	ssyncadd.s32 s4;
	_ =	sdelay $0x1  }
0xa1: {  	s23 =	simm.s32 $0x1B8B  }
0xa2: {  	_ =	swait.ge [sflag:s23], $0x1  }
0xa3: {  	[sflag:s23] =	ssyncset.done $0x0  }
0xa4: {  	s25 =	simm.s32 $0x1B8E;
	s24 =	sld [smem:$0x3FFE];
	[sflag:s23] =	ssyncadd.s32 $0xFFFFFFFF  }
0xa5: {  	s26 =	simm.s32 $execute0_lowered;
	[smem:$0x3FD2] =	sst s25  }
0xa6: {  	s5 =	sshll.u32 s26, $0x1;
	_ =	strace $0x8000004C;
	[dreg:$0x1] =	wrdreg $0xFFFFFFFF  }
0xa7: {  	s28 =	simm.s32 $_size_execute0_lowered;
	s3 =	sadd.s32 s3, s5;
	[dreg:$0x0] =	wrdreg $0x0  }
0xa8: {  	s5 =	sshll.u32 s28, $0x1;
	[dreg:$0x2] =	wrdreg s3  }
0xa9: {  	[dreg:$0x3] =	wrdreg s5  }
0xaa: {  	[dreg:$0x4] =	wrdreg $0xC0  }
0xab: {  	_ =	task [dreg:s7], $0x5FFFF  }
0xac: {  	[dreg:$0x1] =	wrdreg $0xFFFFFFFF  }
0xad: {  	[dreg:$0x0] =	wrdreg $0x60  }
0xae: {  	[dreg:$0x2] =	wrdreg s2  }
0xaf: {  	[dreg:$0x3] =	wrdreg s24  }
0xb0: {  	[dreg:$0x4] =	wrdreg $0xA8000  }
0xb1: {  	[dreg:$0x5] =	wrdreg $0x9  }
0xb2: {  	_ =	task.clear_ibuf [dreg:s7], $0x6FFFF;
	_ =	strace $0x9000004C  }
0xb3: {  	s29 =	simm.s32 $0x9;
	_ =	strace $0x8000004E  }
0xb4: {  	_ =	swait.ge [sflag:s29], $0x1  }
0xb5: {  	[sflag:s29] =	ssyncadd.s32 $0xFFFFFFFF  }
0xb6: {  	_ =	strace $0x9000004E  }
0xb7: {  	_ =	sfence  }
0xb8: {  	s30 =	sld [smem:$0x0];
	_ =	sdelay $0x2  }
0xb9: {  	s31 =	sshll.u32 s1, $0xD;
	s1 =	sshrl.u32 s1, $0x2  }
0xba: {  	s3 =	sand.u32 $0x4000, s31;
	s1 =	sadd.s32 s1, s30  }
0xbb: {  	s0 =	sor.u32 s3, s0;
	s1 =	sshll.u32 s1, $0x11  }
0xbc: {  	s0 =	sor.u32 s1, s0  }
0xbd: {  	s0 =	sadd.s32 $0x8F2B, s0  }
0xbe: {  	[sflag:s0] =	ssyncadd.remote.s32 $0x1  }
0xbf: {  	_ =	sfence.sel $0xFFFF  }
0xc0: {  	[dreg:$0x0] =	wrdreg $0xFFFFFFFF;
	(pc) =	sbr.abs _section_cstart, $3  }
0xc1: {  	[dreg:$0x1] =	wrdreg $0xFFFFFFFF  }
0xc2: {  	_ =	task.clear_ibuf [dreg:s7], $0x2FFFF;
	_ =	strace $0x9FFFFFFF  }
0xc3: {  	(tm) =	ssettm $0x7FFFFFFF  }
tec
execute0_lowered:
.L_overlay_start_1:
0x0: {  	(tag) =	ssettag $0x1  }
0x1: {  	s1 =	rddreg [dreg:$0x0]  }
0x2: {  	s5 =	rddreg [dreg:$0x1]  }
0x3: {  	s2 =	rddreg [dreg:$0x2]  }
0x4: {  	s3 =	srdreg.scid;
	s0 =	rddreg [dreg:$0x3];
	s4 =	simm.s32 $0x0  }
0x5: {  	s17 =	simm.s32 $0x3;
	s18 =	simm.s32 $0x1400;
	s19 =	simm.s32 $0x7D  }
0x6: {  	s20 =	simm.s32 $0x2800;
	s21 =	simm.s32 $0x80;
	s22 =	simm.s32 $0x6800  }
0x7: {  	s23 =	simm.s32 $0x1;
	s24 =	simm.s32 $0x2;
	s25 =	simm.s32 $0x2700  }
0x8: {  	s26 =	simm.s32 $0x2780;
	s6 =	sand.u32 $0x1, s3;
	s3 =	stileid.u32  }
0x9: {  	s28 =	simm.s32 $0x0;
	[smem:$0x7FF] =	sst s4;
	s7 =	smul.u32 $0x140000, s6  }
0xa: {  	s10 =	sadd.s32 $0xCE00, s5;
	s11 =	sadd.s32 $0x2600, s5;
	s8 =	smul.u32 $0x14000, s3  }
0xb: {  	s15 =	sadd.s32 $0x12C000, s2;
	_ =	strace $0x8000004D;
	s30 =	smul.u32 $0x50000, s3  }
0xc: {  	s9 =	sshll.u32 s6, $0x4;
	s6 =	ssub.s32 $0x2, s6;
	s12 =	smul.u32 $0x2800, s3  }
0xd: {  	p0 =	seq.s32 s3, $0xF;
	s9 =	sor.u32 s3, s9;
	s13 =	sshrl.u32 s6, $0x1  }
0xe: {  	s16 =	sshll.u32 @!p0 s3, $0x6;
	s7 =	sadd.s32 s8, s7;
	s8 =	sshrl.u32 s30, $0x2  }
0xf: {  	s9 =	smul.u32 $0x2800, s9;
	s13 =	ssub.s32 s6, s13;
	s7 =	sshrl.u32 s7, $0x3  }
0x10: {  	s6 =	sadd.s32 s1, s12;
	s13 =	smax.u32 s13, $0x1;
	s14 =	sadd.s32 s7, s5  }
0x11: {  	s5 =	sadd.s32 s8, s2;
	s9 =	sshrl.u32 s9, $0x3;
	s7 =	sadd.s32 $0x25800, s1  }
0x12: {  	s8 =	sadd.s32 s10, s9;
	s31 =	sadd.s32 $0x280, s9;
	s9 =	sadd.s32 s11, s9  }
0x13: {  	s12 =	sadd.s32 $0x16E00, s14;
	s14 =	sshrl.u32 @p0 s15, $0x3;
	s15 =	sor.u32 @!p0 $0x1C03, s16  }
0x14: {  	s16 =	sshrl.u32 @!p0 s5, $0x3;
	s10 =	sadd.s32 s10, s31;
	s11 =	sadd.s32 s11, s31  }
.LBB2_1:
0x15: {  	s29 =	simm.s32 @p0 $0x1FC3  }
0x16: {  	[spmem:s14], [sflag:s29] =	dma.local @p0 [hbm:s7], $0x1900  }
0x17: {  	s29 =	simm.s32 @p0 $0x3  }
0x18: {  	_ =	swait.ge @p0 [sflag:s29], $0x1900  }
0x19: {  	[sflag:s29] =	ssyncset.done @p0 $0x0  }
0x1a: {  	[sflag:s29] =	ssyncadd.s32 @p0 $0xFFFFE700;
	s29 =	simm.s32 @!p0 $0x3  }
0x1b: {  	[spmem:s16], [sflag:s15] =	dma.local @!p0 [hbm:s6], $0x2800  }
0x1c: {  	_ =	swait.ge @!p0 [sflag:s29], $0x2800  }
0x1d: {  	[sflag:s29] =	ssyncset.done @!p0 $0x0  }
0x1e: {  	[sflag:s29] =	ssyncadd.s32 @!p0 $0xFFFFD800  }
0x1f: {  	[tilespmem:s4], [sflag:$0x3] =	stream.linear.gather [hbm4b:s8+s4], $0x1400, $0x38;
	[tilespmem:$0x1E800] =	vst v63  }
0x20: {  	_ =	swait.ge [sflag:s17], $0x1400  }
0x21: {  	[sflag:s17] =	ssyncset.done $0x0  }
0x22: {  	[sflag:s17] =	ssyncadd.s32 $0xFFFFEC00  }
0x23: {  	[tilespmem:s18], [sflag:$0x3] =	stream.linear.gather [hbm4b:s9+s4], $0x1400, $0x38;
	[tilespmem:$0x1E800] =	vst v63  }
0x24: {  	_ =	swait.ge [sflag:s17], $0x1400  }
0x25: {  	[sflag:s17] =	ssyncset.done $0x0  }
0x26: {  	[sflag:s17] =	ssyncadd.s32 $0xFFFFEC00  }
0x27: {  	[tilespmem:s20], [sflag:$0x1] =	stream.indirect.gather [hbm4b:s1+s19], $0x80, s4, s19, $0xb8;
	[tilespmem:$0x1E800] =	vst v63  }
0x28: {  	_ = 	snop  }
0x29: {  	[tilespmem:s22], [sflag:$0x2] =	stream.indirect.gather [hbm4b:s1+s19], $0x80, s21, s19, $0xb8;
	[tilespmem:$0x1E800] =	vst v63  }
0x2a: {  	[bflag:$0x0] =	sbarrier.arrive $0xFFFF  }
0x2b: {  	_ =	swait.ge [sflag:s23], $0x3E80  }
0x2c: {  	[sflag:s23] =	ssyncset.done $0x0  }
0x2d: {  	s29 =	simm.s32 $0x1400;
	[sflag:s23] =	ssyncadd.s32 $0xFFFFC180  }
0x2e: {  	[spmem:s2] =	stream.indirect.scatter.add.f32 [tilespmem:s20], [sflag:$0x3], $0x80, s29, s19, $0xb8;
	[tilespmem:$0x1E800] =	vst v63  }
0x2f: {  	_ =	swait.ge [sflag:s17], $0x3E80  }
0x30: {  	[sflag:s17] =	ssyncset.done $0x0  }
0x31: {  	s29 =	simm.s32 $0x100;
	[sflag:s17] =	ssyncadd.s32 $0xFFFFC180  }
0x32: {  	[tilespmem:s20], [sflag:$0x1] =	stream.indirect.gather [hbm4b:s1+s19], $0x80, s29, s19, $0xb8;
	[tilespmem:$0x1E800] =	vst v63  }
0x33: {  	_ =	swait.ge [sflag:s24], $0x3E80  }
0x34: {  	[sflag:s24] =	ssyncset.done $0x0  }
0x35: {  	s29 =	simm.s32 $0x1480;
	[sflag:s24] =	ssyncadd.s32 $0xFFFFC180  }
0x36: {  	[spmem:s2] =	stream.indirect.scatter.add.f32 [tilespmem:s22], [sflag:$0x3], $0x80, s29, s19, $0xb8;
	[tilespmem:$0x1E800] =	vst v63  }
0x37: {  	_ =	swait.ge [sflag:s17], $0x3E80  }
0x38: {  	[sflag:s17] =	ssyncset.done $0x0  }
0x39: {  	s30 =	simm.s32 $0x180;
	s29 =	simm.s32 $0x400;
	[sflag:s17] =	ssyncadd.s32 $0xFFFFC180  }
.LBB2_2:
0x3a: {  	[tilespmem:s22], [sflag:$0x2] =	stream.indirect.gather [hbm4b:s1+s19], $0x80, s30, s19, $0xb8;
	[tilespmem:$0x1E800] =	vst v63  }
0x3b: {  	s30 =	smov.u32 s29  }
0x3c: {  	p1 =	sne.s32 s29, $0x4800;
	s29 =	sadd.s32 $0x400, s29;
	_ =	swait.ge [sflag:s23], $0x3E80  }
0x3d: {  	s30 =	sshra.s32 s30, $0x2;
	[sflag:s23] =	ssyncset.done $0x0  }
0x3e: {  	s31 =	sadd.s32 $0x1400, s30;
	[sflag:s23] =	ssyncadd.s32 $0xFFFFC180  }
0x3f: {  	[spmem:s2] =	stream.indirect.scatter.add.f32 [tilespmem:s20], [sflag:$0x3], $0x80, s31, s19, $0xb8;
	[tilespmem:$0x1E800] =	vst v63  }
0x40: {  	_ =	swait.ge [sflag:s17], $0x3E80  }
0x41: {  	[sflag:s17] =	ssyncset.done $0x0  }
0x42: {  	s31 =	sadd.s32 $0x100, s30;
	[sflag:s17] =	ssyncadd.s32 $0xFFFFC180  }
0x43: {  	[tilespmem:s20], [sflag:$0x1] =	stream.indirect.gather [hbm4b:s1+s19], $0x80, s31, s19, $0xb8;
	[tilespmem:$0x1E800] =	vst v63  }
0x44: {  	_ =	swait.ge [sflag:s24], $0x3E80  }
0x45: {  	[sflag:s24] =	ssyncset.done $0x0  }
.Ltmp0:
0x46: {  	s31 =	sadd.s32 $0x1480, s30;
	[sflag:s24] =	ssyncadd.s32 $0xFFFFC180;
	(pc) =	sbr.rel @p1 .LBB2_2-.Ltmp0, $4  }
0x47: {  	[spmem:s2] =	stream.indirect.scatter.add.f32 [tilespmem:s22], [sflag:$0x3], $0x80, s31, s19, $0xb8;
	[tilespmem:$0x1E800] =	vst v63  }
0x48: {  	_ =	swait.ge [sflag:s17], $0x3E80  }
0x49: {  	[sflag:s17] =	ssyncset.done $0x0  }
0x4a: {  	s30 =	sadd.s32 $0x180, s30;
	[sflag:s17] =	ssyncadd.s32 $0xFFFFC180  }
0x4b: {  	[tilespmem:s22], [sflag:$0x2] =	stream.indirect.gather [hbm4b:s1+s19], $0x80, s30, s19, $0xb8;
	[tilespmem:$0x1E800] =	vst v63  }
0x4c: {  	_ =	swait.ge [sflag:s23], $0x3E80  }
0x4d: {  	[sflag:s23] =	ssyncset.done $0x0  }
0x4e: {  	[sflag:s23] =	ssyncadd.s32 $0xFFFFC180  }
0x4f: {  	[spmem:s2] =	stream.indirect.scatter.add.f32 [tilespmem:s20], [sflag:$0x3], $0x80, s25, s19, $0xb8;
	[tilespmem:$0x1E800] =	vst v63  }
0x50: {  	_ =	swait.ge [sflag:s17], $0x3E80  }
0x51: {  	[sflag:s17] =	ssyncset.done $0x0  }
0x52: {  	[sflag:s17] =	ssyncadd.s32 $0xFFFFC180  }
0x53: {  	_ =	swait.ge [sflag:s24], $0x3E80  }
0x54: {  	[sflag:s24] =	ssyncset.done $0x0  }
0x55: {  	[sflag:s24] =	ssyncadd.s32 $0xFFFFC180  }
0x56: {  	[spmem:s2] =	stream.indirect.scatter.add.f32 [tilespmem:s22], [sflag:$0x3], $0x80, s26, s19, $0xb8;
	[tilespmem:$0x1E800] =	vst v63  }
0x57: {  	_ =	swait.ge [sflag:s17], $0x3E80  }
0x58: {  	[sflag:s17] =	ssyncset.done $0x0  }
0x59: {  	s29 =	simm.s32 $0x0;
	[sflag:s17] =	ssyncadd.s32 $0xFFFFC180  }
0x5a: {  	[tilespmem:s29], [sflag:$0x3] =	stream.linear.gather [hbm4b:s10+s29], $0x1400, $0x38;
	[tilespmem:$0x1E800] =	vst v63  }
0x5b: {  	_ =	swait.ge [sflag:s17], $0x1400  }
0x5c: {  	[sflag:s17] =	ssyncset.done $0x0  }
0x5d: {  	[sflag:s17] =	ssyncadd.s32 $0xFFFFEC00  }
0x5e: {  	[tilespmem:s18], [sflag:$0x3] =	stream.linear.gather [hbm4b:s11+s29], $0x1400, $0x38;
	[tilespmem:$0x1E800] =	vst v63  }
0x5f: {  	_ =	swait.ge [sflag:s17], $0x1400  }
0x60: {  	[sflag:s17] =	ssyncset.done $0x0  }
0x61: {  	[sflag:s17] =	ssyncadd.s32 $0xFFFFEC00  }
0x62: {  	[tilespmem:s20], [sflag:$0x1] =	stream.indirect.gather [hbm4b:s1+s19], $0x80, s29, s19, $0xb8;
	[tilespmem:$0x1E800] =	vst v63  }
0x63: {  	_ = 	snop  }
0x64: {  	[tilespmem:s22], [sflag:$0x2] =	stream.indirect.gather [hbm4b:s1+s19], $0x80, s21, s19, $0xb8;
	[tilespmem:$0x1E800] =	vst v63  }
0x65: {  	_ =	swait.ge [sflag:s23], $0x3E80  }
0x66: {  	[sflag:s23] =	ssyncset.done $0x0  }
0x67: {  	s29 =	simm.s32 $0x1400;
	[sflag:s23] =	ssyncadd.s32 $0xFFFFC180  }
0x68: {  	[spmem:s2] =	stream.indirect.scatter.add.f32 [tilespmem:s20], [sflag:$0x3], $0x80, s29, s19, $0xb8;
	[tilespmem:$0x1E800] =	vst v63  }
0x69: {  	_ =	swait.ge [sflag:s17], $0x3E80  }
0x6a: {  	[sflag:s17] =	ssyncset.done $0x0  }
0x6b: {  	s29 =	simm.s32 $0x100;
	[sflag:s17] =	ssyncadd.s32 $0xFFFFC180  }
0x6c: {  	[tilespmem:s20], [sflag:$0x1] =	stream.indirect.gather [hbm4b:s1+s19], $0x80, s29, s19, $0xb8;
	[tilespmem:$0x1E800] =	vst v63  }
0x6d: {  	_ =	swait.ge [sflag:s24], $0x3E80  }
0x6e: {  	[sflag:s24] =	ssyncset.done $0x0  }
0x6f: {  	s29 =	simm.s32 $0x1480;
	[sflag:s24] =	ssyncadd.s32 $0xFFFFC180  }
0x70: {  	[spmem:s2] =	stream.indirect.scatter.add.f32 [tilespmem:s22], [sflag:$0x3], $0x80, s29, s19, $0xb8;
	[tilespmem:$0x1E800] =	vst v63  }
0x71: {  	_ =	swait.ge [sflag:s17], $0x3E80  }
0x72: {  	[sflag:s17] =	ssyncset.done $0x0  }
0x73: {  	s30 =	simm.s32 $0x180;
	s29 =	simm.s32 $0x400;
	[sflag:s17] =	ssyncadd.s32 $0xFFFFC180  }
.LBB2_4:
0x74: {  	[tilespmem:s22], [sflag:$0x2] =	stream.indirect.gather [hbm4b:s1+s19], $0x80, s30, s19, $0xb8;
	[tilespmem:$0x1E800] =	vst v63  }
0x75: {  	s30 =	smov.u32 s29  }
0x76: {  	p1 =	sne.s32 s29, $0x4800;
	s29 =	sadd.s32 $0x400, s29;
	_ =	swait.ge [sflag:s23], $0x3E80  }
0x77: {  	s30 =	sshra.s32 s30, $0x2;
	[sflag:s23] =	ssyncset.done $0x0  }
0x78: {  	s31 =	sadd.s32 $0x1400, s30;
	[sflag:s23] =	ssyncadd.s32 $0xFFFFC180  }
0x79: {  	[spmem:s2] =	stream.indirect.scatter.add.f32 [tilespmem:s20], [sflag:$0x3], $0x80, s31, s19, $0xb8;
	[tilespmem:$0x1E800] =	vst v63  }
0x7a: {  	_ =	swait.ge [sflag:s17], $0x3E80  }
0x7b: {  	[sflag:s17] =	ssyncset.done $0x0  }
0x7c: {  	s31 =	sadd.s32 $0x100, s30;
	[sflag:s17] =	ssyncadd.s32 $0xFFFFC180  }
0x7d: {  	[tilespmem:s20], [sflag:$0x1] =	stream.indirect.gather [hbm4b:s1+s19], $0x80, s31, s19, $0xb8;
	[tilespmem:$0x1E800] =	vst v63  }
0x7e: {  	_ =	swait.ge [sflag:s24], $0x3E80  }
0x7f: {  	[sflag:s24] =	ssyncset.done $0x0  }
.Ltmp1:
0x80: {  	s31 =	sadd.s32 $0x1480, s30;
	[sflag:s24] =	ssyncadd.s32 $0xFFFFC180;
	(pc) =	sbr.rel @p1 .LBB2_4-.Ltmp1, $4  }
0x81: {  	[spmem:s2] =	stream.indirect.scatter.add.f32 [tilespmem:s22], [sflag:$0x3], $0x80, s31, s19, $0xb8;
	[tilespmem:$0x1E800] =	vst v63  }
0x82: {  	_ =	swait.ge [sflag:s17], $0x3E80  }
0x83: {  	[sflag:s17] =	ssyncset.done $0x0  }
0x84: {  	s30 =	sadd.s32 $0x180, s30;
	[sflag:s17] =	ssyncadd.s32 $0xFFFFC180  }
0x85: {  	[tilespmem:s22], [sflag:$0x2] =	stream.indirect.gather [hbm4b:s1+s19], $0x80, s30, s19, $0xb8;
	[tilespmem:$0x1E800] =	vst v63  }
0x86: {  	_ =	swait.ge [sflag:s23], $0x3E80  }
0x87: {  	[sflag:s23] =	ssyncset.done $0x0  }
0x88: {  	[sflag:s23] =	ssyncadd.s32 $0xFFFFC180  }
0x89: {  	[spmem:s2] =	stream.indirect.scatter.add.f32 [tilespmem:s20], [sflag:$0x3], $0x80, s25, s19, $0xb8;
	[tilespmem:$0x1E800] =	vst v63  }
0x8a: {  	_ =	swait.ge [sflag:s17], $0x3E80  }
0x8b: {  	[sflag:s17] =	ssyncset.done $0x0  }
0x8c: {  	[sflag:s17] =	ssyncadd.s32 $0xFFFFC180  }
0x8d: {  	_ =	swait.ge [sflag:s24], $0x3E80  }
0x8e: {  	[sflag:s24] =	ssyncset.done $0x0  }
0x8f: {  	[sflag:s24] =	ssyncadd.s32 $0xFFFFC180  }
0x90: {  	[spmem:s2] =	stream.indirect.scatter.add.f32 [tilespmem:s22], [sflag:$0x3], $0x80, s26, s19, $0xb8;
	[tilespmem:$0x1E800] =	vst v63  }
0x91: {  	_ =	swait.ge [sflag:s17], $0x3E80  }
0x92: {  	s29 =	sshll.u32 s3, $0x6;
	s28 =	sadd.s32 $0x1, s28;
	[sflag:s17] =	ssyncset.done $0x0  }
0x93: {  	s31 =	sshrl.u32 s5, $0x3;
	p1 =	sne.s32 s28, s13;
	[sflag:s17] =	ssyncadd.s32 $0xFFFFC180  }
.Ltmp2:
0x94: {  	s29 =	sor.u32 $0x1C03, s29;
	[bflag:$0x0] =	sbarrier.arrive $0xFFFF;
	(pc) =	sbr.rel @p1 .LBB2_1-.Ltmp2, $4  }
0x95: {  	[hbm:s12], [sflag:s29] =	dma.local [spmem:s31], $0x2800  }
0x96: {  	_ =	swait.ge [sflag:s17], $0x2800  }
0x97: {  	[sflag:s17] =	ssyncset.done $0x0  }
0x98: {  	[sflag:s17] =	ssyncadd.s32 $0xFFFFD800  }
0x99: {  	_ =	sfence.sel $0x180000  }
0x9a: {  	[bflag:$0x0] =	sbarrier.arrive $0xFFFF  }
0x9b: {  	p0 =	sne.s32 s3, $0x0;
	_ =	strace $0x9000004D  }
0x9c: {  	s0 =	sadd.s32 @!p0 $0x100000, s0;
	[bflag:$0x2] =	sbarrier.arrive $0xFFFF  }
0x9d: {  	[sflag:s0] =	ssyncadd.tile.s32 @!p0 $0x1;
	_ =	shalt  }
.Lfunc_end2:
_tile_overlayer_lowered:
.L_overlay_start_2:
0x9e: {  	(tag) =	ssettag $0x2  }
0x9f: {  	s0 =	rddreg [dreg:$0x0];
	s2 =	stileid.u32  }
0xa0: {  	s1 =	rddreg [dreg:$0x1];
	p0 =	sne.s32 s2, $0x0  }
0xa1: {  	s3 =	rddreg [dreg:$0x2];
	[bflag:$0x3] =	sbarrier.arrive $0xFFFF;
	s2 =	simm.s32 @!p0 $0x1C03  }
0xa2: {  	[timem:s3], [sflag:s2] =	dma.local @!p0 [hbm:s0], s1  }
0xa3: {  	s0 =	simm.s32 @!p0 $0x3  }
0xa4: {  	_ =	swait.ge @!p0 [sflag:s0], s1  }
0xa5: {  	s1 =	ssub.s32 @!p0 $0x0, s1;
	[sflag:s0] =	ssyncset.done @!p0 $0x0  }
0xa6: {  	[sflag:s0] =	ssyncadd.s32 @!p0 s1  }
0xa7: {  	[bflag:$0x3] =	sbarrier.arrive $0xFFFF  }
0xa8: {  	_ =	shalt  }

// kernel: kernel.8.cloned.1.call-start
scs
__scs_entry_jumppad:
0x0: {  	(pc) =	sbr.rel $0x88, $3  }
0x1: {  	(tag) =	ssettag $0x0;
	lr =	simm.s32 $0x1  }
0x2: {  	[smem:$0x3F9B] =	sst lr;
	_ =	strace $0xD0000000  }
0x3: {  	_ = 	snop  }
0x4: {  	_ = 	snop  }
0x5: {  	_ = 	snop  }
0x6: {  	_ = 	snop  }
0x7: {  	_ = 	snop  }
__scs_overlays_trampoline_lowered:
0x8: {  	[smem:$0x3FAA] =	sst s0  }
0x9: {  	[smem:$0x3FAB] =	sst s1  }
0xa: {  	[smem:$0x3FAC] =	sst s2  }
0xb: {  	[smem:$0x3FAD] =	sst s3  }
0xc: {  	[smem:$0x3FAE] =	sst s4  }
0xd: {  	[smem:$0x3FAF] =	sst s5  }
0xe: {  	[smem:$0x3FB0] =	sst s6  }
0xf: {  	[smem:$0x3FB1] =	sst s7  }
0x10: {  	[smem:$0x3FB2] =	sst s8  }
0x11: {  	[smem:$0x3FB3] =	sst s9;
	s0 =	simm.s32 @!p0 $0x0  }
0x12: {  	s1 =	sld [smem:$0x3F99];
	s0 =	simm.s32 @p0 $0x1  }
0x13: {  	[smem:$0x3FB4] =	sst s0;
	s0 =	simm.s32 @!p1 $0x0  }
0x14: {  	s2 =	sld [smem:$0x3F98];
	s0 =	simm.s32 @p1 $0x1  }
0x15: {  	[smem:$0x3FB5] =	sst s0;
	s0 =	simm.s32 @!p2 $0x0  }
0x16: {  	s3 =	sld [smem:$0x3FDB];
	s0 =	simm.s32 @p2 $0x1  }
0x17: {  	s4 =	simm.s32 $0x1BF5;
	[smem:$0x3FB7] =	sst s0  }
0x18: {  	s0 =	sld [smem:$0x3F9A];
	_ =	swait.ge [sflag:s4], $0x0  }
0x19: {  	s7 =	sld [smem:$0x3F9B]  }
0x1a: {  	s8 =	sadd.s32 $0xFFFFE003, lr  }
0x1b: {  	s9 =	sadd.s32 $0xFFFFFEF7, lr;
	s5 =	simm.s32 $0xFFFFFFFF;
	p2 =	slt.u32 s8, $0xFFFFF086  }
0x1c: {  	p1 =	slt.u32 s9, $0xF7A;
	s5 =	simm.s32 @!p2 $0x0  }
0x1d: {  	s5 =	simm.s32 @p1 $0x1;
	p0 =	seq.s32 s7, s2  }
0x1e: {  	s7 =	smul.u32 @!p0 $0xF7A, s2;
	p2 =	seq.s32 @!p0 s5, $0x0  }
0x1f: {  	s9 =	smul.u32 $0xF7A, s1;
	s8 =	simm.s32 @!p0 $0x1BF5;
	p2 =	por !p2, p0  }
0x20: {  	[sflag:s8] =	ssyncset.s32 @!p0 $0xFFFFF086;
	s6 =	sadd.s32 @!p0 s3, s7;
	s7 =	simm.s32 @!p0 $0x108  }
0x21: {  	s3 =	sadd.s32 s3, s9;
	s6 =	sadd.s32 @!p0 $0x88, s6;
	s7 =	simm.s32 @p2 $0x1082  }
0x22: {  	[simem:s7], [sflag:s8] =	dma.local @!p0 [hbm:s6], $0xF7A  }
0x23: {  	s9 =	sor.u32 $0xD0000000, s2;
	s6 =	simm.s32 $0x108;
	_ =	swait.ge @!p0 [sflag:s8], $0x0  }
0x24: {  	s3 =	sadd.s32 $0x88, s3;
	s6 =	simm.s32 @!p1 $0x1082;
	[sflag:s4] =	ssyncset.s32 $0xFFFFF086  }
0x25: {  	[simem:s6], [sflag:s4] =	dma.local [hbm:s3], $0xF7A  }
0x26: {  	[smem:$0x3F9B] =	sst s1;
	(tag) =	ssettag s2;
	_ =	strace s9  }
0x27: {  	s1 =	sld [smem:$0x3FAB]  }
0x28: {  	s2 =	sld [smem:$0x3FAC]  }
0x29: {  	s4 =	sld [smem:$0x3FAE]  }
0x2a: {  	p0 =	seq.s32 s5, $0x0;
	s5 =	sld [smem:$0x3FAF]  }
0x2b: {  	s6 =	sld [smem:$0x3FB0]  }
0x2c: {  	s7 =	sld [smem:$0x3FB1]  }
0x2d: {  	s3 =	simm.s32 $0x108;
	s8 =	sld [smem:$0x3FB2]  }
0x2e: {  	s3 =	simm.s32 @!p0 $0x1082;
	s9 =	sld [smem:$0x3FB3]  }
0x2f: {  	lr =	sadd.s32 s0, s3;
	s0 =	sld [smem:$0x3FAA]  }
0x30: {  	s3 =	sld [smem:$0x3FAD]  }
0x31: {  	[smem:$0x3FB6] =	sst s10  }
0x32: {  	s10 =	sld [smem:$0x3FB4];
	_ =	sdelay $0x3  }
0x33: {  	p0 =	seq.s32 s10, $0x1;
	s10 =	sld [smem:$0x3FB6];
	_ =	sdelay $0x3  }
0x34: {  	[smem:$0x3FB6] =	sst s10  }
0x35: {  	s10 =	sld [smem:$0x3FB5];
	_ =	sdelay $0x3  }
0x36: {  	p1 =	seq.s32 s10, $0x1;
	s10 =	sld [smem:$0x3FB6];
	_ =	sdelay $0x3  }
0x37: {  	[smem:$0x3FB6] =	sst s10  }
0x38: {  	s10 =	sld [smem:$0x3FB7]  }
0x39: {  	_ = 	snop;
	(pc) =	sbr.ind lr, $3  }
0x3a: {  	_ = 	snop  }
0x3b: {  	_ = 	snop  }
0x3c: {  	p2 =	seq.s32 s10, $0x1;
	s10 =	sld [smem:$0x3FB6]  }
0x3d: {  	_ =	shalt  }
0x3e: {  	_ =	shalt  }
0x3f: {  	_ =	shalt  }
0x40: {  	_ =	shalt  }
0x41: {  	_ =	shalt  }
0x42: {  	_ =	shalt  }
0x43: {  	_ =	shalt  }
0x44: {  	_ =	shalt  }
0x45: {  	_ =	shalt  }
0x46: {  	_ =	shalt  }
0x47: {  	_ =	shalt  }
0x48: {  	_ =	shalt  }
0x49: {  	_ =	shalt  }
0x4a: {  	_ =	shalt  }
0x4b: {  	_ =	shalt  }
0x4c: {  	_ =	shalt  }
0x4d: {  	_ =	shalt  }
0x4e: {  	_ =	shalt  }
0x4f: {  	_ =	shalt  }
0x50: {  	_ =	shalt  }
0x51: {  	_ =	shalt  }
0x52: {  	_ =	shalt  }
0x53: {  	_ =	shalt  }
0x54: {  	_ =	shalt  }
0x55: {  	_ =	shalt  }
0x56: {  	_ =	shalt  }
0x57: {  	_ =	shalt  }
0x58: {  	_ =	shalt  }
0x59: {  	_ =	shalt  }
0x5a: {  	_ =	shalt  }
0x5b: {  	_ =	shalt  }
0x5c: {  	_ =	shalt  }
0x5d: {  	_ =	shalt  }
0x5e: {  	_ =	shalt  }
0x5f: {  	_ =	shalt  }
0x60: {  	_ =	shalt  }
0x61: {  	_ =	shalt  }
0x62: {  	_ =	shalt  }
0x63: {  	_ =	shalt  }
0x64: {  	_ =	shalt  }
0x65: {  	_ =	shalt  }
0x66: {  	_ =	shalt  }
0x67: {  	_ =	shalt  }
0x68: {  	_ =	shalt  }
0x69: {  	_ =	shalt  }
0x6a: {  	_ =	shalt  }
0x6b: {  	_ =	shalt  }
0x6c: {  	_ =	shalt  }
0x6d: {  	_ =	shalt  }
0x6e: {  	_ =	shalt  }
0x6f: {  	_ =	shalt  }
0x70: {  	_ =	shalt  }
0x71: {  	_ =	shalt  }
0x72: {  	_ =	shalt  }
0x73: {  	_ =	shalt  }
0x74: {  	_ =	shalt  }
0x75: {  	_ =	shalt  }
0x76: {  	_ =	shalt  }
0x77: {  	_ =	shalt  }
0x78: {  	_ =	shalt  }
0x79: {  	_ =	shalt  }
0x7a: {  	_ =	shalt  }
0x7b: {  	_ =	shalt  }
0x7c: {  	_ =	shalt  }
0x7d: {  	_ =	shalt  }
0x7e: {  	_ =	shalt  }
0x7f: {  	_ =	shalt  }
0x80: {  	_ =	shalt  }
0x81: {  	_ =	shalt  }
0x82: {  	_ =	shalt  }
0x83: {  	_ =	shalt  }
0x84: {  	_ =	shalt  }
0x85: {  	_ =	shalt  }
0x86: {  	_ =	shalt  }
0x87: {  	_ =	shalt  }
.Lfunc_end0:
.L_simem_size_0:
called_computation_lowered:
.L_overlay_start_0:
0x88: {  	s2 =	sld [smem:$0x3FD9]  }
0x89: {  	s3 =	sld [smem:$0x3FFE];
	_ =	sdelay $0x1  }
0x8a: {  	s1 =	srdreg.scid  }
0x8b: {  	s0 =	sand.u32 $0x1, s1  }
0x8c: {  	s17 =	sshll.u32 s0, $0xA;
	s2 =	sadd.s32 s3, s2  }
0x8d: {  	s2 =	sadd.s32 s2, s17  }
0x8e: {  	[smem:$0x3FC2] =	sst s2  }
0x8f: {  	_ = 	snop  }
0x90: {  	s2 =	sld [smem:$0x3FD0];
	(tm) =	ssettm $0x1  }
0x91: {  	s18 =	sld [smem:$0x3FFB];
	_ =	sdelay $0x3  }
0x92: {  	_ =	strace s18  }
0x93: {  	s3 =	sld [smem:$0x3FFC];
	_ =	sdelay $0x3  }
0x94: {  	_ =	strace s3  }
0x95: {  	s3 =	sld [smem:$0x3FFD];
	_ =	sdelay $0x3  }
0x96: {  	_ =	strace s3  }
0x97: {  	_ =	strace $0x8FFFFFFF  }
0x98: {  	s19 =	sld [smem:$0x3FDB];
	_ =	sdelay $0x1  }
0x99: {  	s4 =	simm.s32 $_scs_section_size  }
0x9a: {  	s5 =	simm.s32 $_size__tile_overlayer_lowered;
	s6 =	simm.s32 $_tile_overlayer_lowered  }
0x9b: {  	s22 =	simm.s32 $0x1BFF;
	s21 =	sshll.u32 s6, $0x1;
	s3 =	sadd.s32 s4, s19  }
0x9c: {  	s7 =	simm.s32 $0x0;
	s20 =	sshll.u32 s5, $0x1;
	s5 =	sadd.s32 s21, s3  }
0x9d: {  	[timem:s7], [sflag:s22] =	dma.local [hbm:s5], s20  }
0x9e: {  	_ =	swait.ge [sflag:s22], s20  }
0x9f: {  	s4 =	ssub.s32 $0x0, s20;
	[sflag:s22] =	ssyncset.done $0x0  }
0xa0: {  	[sflag:s22] =	ssyncadd.s32 s4;
	_ =	sdelay $0x1  }
0xa1: {  	s23 =	simm.s32 $0x1B8B  }
0xa2: {  	_ =	swait.ge [sflag:s23], $0x1  }
0xa3: {  	[sflag:s23] =	ssyncset.done $0x0  }
0xa4: {  	s25 =	simm.s32 $0x1B8E;
	s24 =	sld [smem:$0x3FFE];
	[sflag:s23] =	ssyncadd.s32 $0xFFFFFFFF  }
0xa5: {  	s26 =	simm.s32 $execute0_lowered;
	[smem:$0x3FD2] =	sst s25  }
0xa6: {  	s5 =	sshll.u32 s26, $0x1;
	_ =	strace $0x80000046;
	[dreg:$0x1] =	wrdreg $0xFFFFFFFF  }
0xa7: {  	s28 =	simm.s32 $_size_execute0_lowered;
	s3 =	sadd.s32 s3, s5;
	[dreg:$0x0] =	wrdreg $0x0  }
0xa8: {  	s5 =	sshll.u32 s28, $0x1;
	[dreg:$0x2] =	wrdreg s3  }
0xa9: {  	[dreg:$0x3] =	wrdreg s5  }
0xaa: {  	[dreg:$0x4] =	wrdreg $0xC0  }
0xab: {  	_ =	task [dreg:s7], $0x5FFFF  }
0xac: {  	[dreg:$0x1] =	wrdreg $0xFFFFFFFF  }
0xad: {  	[dreg:$0x0] =	wrdreg $0x60  }
0xae: {  	[dreg:$0x2] =	wrdreg s24  }
0xaf: {  	[dreg:$0x3] =	wrdreg s2  }
0xb0: {  	[dreg:$0x4] =	wrdreg $0x28800  }
0xb1: {  	[dreg:$0x5] =	wrdreg $0x9  }
0xb2: {  	_ =	task.clear_ibuf [dreg:s7], $0x6FFFF;
	_ =	strace $0x90000046  }
0xb3: {  	s29 =	simm.s32 $0x9;
	_ =	strace $0x80000048  }
0xb4: {  	_ =	swait.ge [sflag:s29], $0x1  }
0xb5: {  	[sflag:s29] =	ssyncadd.s32 $0xFFFFFFFF  }
0xb6: {  	_ =	strace $0x90000048  }
0xb7: {  	_ =	sfence  }
0xb8: {  	s30 =	sld [smem:$0x0];
	_ =	sdelay $0x2  }
0xb9: {  	s31 =	sshll.u32 s1, $0xD;
	s1 =	sshrl.u32 s1, $0x2  }
0xba: {  	s3 =	sand.u32 $0x4000, s31;
	s1 =	sadd.s32 s1, s30  }
0xbb: {  	s0 =	sor.u32 s3, s0;
	s1 =	sshll.u32 s1, $0x11  }
0xbc: {  	s0 =	sor.u32 s1, s0  }
0xbd: {  	s0 =	sadd.s32 $0x8F2B, s0  }
0xbe: {  	[sflag:s0] =	ssyncadd.remote.s32 $0x1  }
0xbf: {  	_ =	sfence.sel $0xFFFF  }
0xc0: {  	[dreg:$0x0] =	wrdreg $0xFFFFFFFF;
	(pc) =	sbr.abs _section_cstart, $3  }
0xc1: {  	[dreg:$0x1] =	wrdreg $0xFFFFFFFF  }
0xc2: {  	_ =	task.clear_ibuf [dreg:s7], $0x2FFFF;
	_ =	strace $0x9FFFFFFF  }
0xc3: {  	(tm) =	ssettm $0x7FFFFFFF  }
tec
execute0_lowered:
.L_overlay_start_1:
0x0: {  	(tag) =	ssettag $0x1  }
0x1: {  	s4 =	rddreg [dreg:$0x0]  }
0x2: {  	s8 =	rddreg [dreg:$0x1]  }
0x3: {  	s0 =	srdreg.scid;
	s2 =	rddreg [dreg:$0x2]  }
0x4: {  	s3 =	simm.s32 $0x0;
	s13 =	simm.s32 $0x7D;
	s14 =	simm.s32 $0x1  }
0x5: {  	s15 =	simm.s32 $0x20;
	s16 =	simm.s32 $0x10;
	s17 =	simm.s32 $0x0  }
0x6: {  	s5 =	sand.u32 $0x1, s0;
	s0 =	stileid.u32;
	[smem:$0x7FF] =	sst s3  }
0x7: {  	s1 =	sshll.u32 s5, $0x4;
	s7 =	smul.u32 $0x280, s0;
	s10 =	ssub.s32 $0x2, s5  }
0x8: {  	s11 =	smul.u32 $0x500, s0;
	s5 =	sshll.u32 s5, $0x7;
	s1 =	sor.u32 s0, s1  }
0x9: {  	s31 =	sshll.u32 s0, $0x6;
	s12 =	sshrl.u32 s10, $0x1;
	s6 =	smul.u32 $0x500, s1  }
0xa: {  	s1 =	rddreg [dreg:$0x3];
	_ =	strace $0x80000047;
	s28 =	sshrl.u32 s7, $0x3  }
0xb: {  	s10 =	ssub.s32 s10, s12;
	s29 =	sadd.s32 s7, s2;
	s30 =	sor.u32 s5, s11  }
0xc: {  	s12 =	simm.s32 $0x2800;
	s11 =	sshrl.u32 s30, $0x3;
	s9 =	sadd.s32 s6, s4  }
0xd: {  	s6 =	sadd.s32 s28, s4;
	s4 =	sadd.s32 $0xC600, s4;
	s8 =	sadd.s32 s8, s11  }
0xe: {  	s11 =	simm.s32 $0x2;
	s5 =	sadd.s32 $0xC800, s6;
	s6 =	sor.u32 $0x1C02, s31  }
0xf: {  	s7 =	sadd.s32 $0x2600, s9;
	s9 =	smax.u32 s10, $0x1;
	s10 =	sshrl.u32 s29, $0x3  }
.LBB2_1:
0x10: {  	[spmem:s10], [sflag:s6] =	dma.local [hbm:s5], $0x50  }
0x11: {  	_ =	swait.ge [sflag:s11], $0x50  }
0x12: {  	[sflag:s11] =	ssyncset.done $0x0  }
0x13: {  	[sflag:s11] =	ssyncadd.s32 $0xFFFFFFB0  }
0x14: {  	[tilespmem:s12], [sflag:$0x2] =	stream.linear.gather [hbm4b:s4+s3], $0x80, $0x38;
	[tilespmem:$0x2B00] =	vst v63  }
0x15: {  	_ =	swait.ge [sflag:s11], $0x80  }
0x16: {  	[sflag:s11] =	ssyncset.done $0x0  }
0x17: {  	[sflag:s11] =	ssyncadd.s32 $0xFFFFFF80  }
0x18: {  	[tilespmem:s3], [sflag:$0x2] =	stream.linear.gather [hbm4b:s7+s3], $0x2800, $0x38;
	[tilespmem:$0x2B00] =	vst v63  }
0x19: {  	_ =	swait.ge [sflag:s11], $0x2800  }
0x1a: {  	[sflag:s11] =	ssyncset.done $0x0  }
0x1b: {  	[sflag:s11] =	ssyncadd.s32 $0xFFFFD800  }
0x1c: {  	s18 =	simm.s32 $0x0;
	[bflag:$0x0] =	sbarrier.arrive $0xFFFF  }
0x1d: {  	[spmem:s2] =	stream.indirect.scatter.add.f32 [tilespmem:s12], [sflag:$0x1], $0x1, s18, s13, $0xb8;
	[tilespmem:$0x2B00] =	vst v63  }
0x1e: {  	s29 =	simm.s32 $0x80  }
0x1f: {  	[spmem:s2] =	stream.indirect.scatter.add.f32 [tilespmem:s12], [sflag:$0x1], $0x1, s29, s13, $0xb8;
	[tilespmem:$0x2B00] =	vst v63  }
0x20: {  	s30 =	simm.s32 $0x100  }
0x21: {  	[spmem:s2] =	stream.indirect.scatter.add.f32 [tilespmem:s12], [sflag:$0x1], $0x1, s30, s13, $0xb8;
	[tilespmem:$0x2B00] =	vst v63  }
0x22: {  	s31 =	simm.s32 $0x180  }
0x23: {  	[spmem:s2] =	stream.indirect.scatter.add.f32 [tilespmem:s12], [sflag:$0x1], $0x1, s31, s13, $0xb8;
	[tilespmem:$0x2B00] =	vst v63  }
0x24: {  	s19 =	simm.s32 $0x200  }
0x25: {  	[spmem:s2] =	stream.indirect.scatter.add.f32 [tilespmem:s12], [sflag:$0x1], $0x1, s19, s13, $0xb8;
	[tilespmem:$0x2B00] =	vst v63  }
0x26: {  	s20 =	simm.s32 $0x280  }
0x27: {  	[spmem:s2] =	stream.indirect.scatter.add.f32 [tilespmem:s12], [sflag:$0x1], $0x1, s20, s13, $0xb8;
	[tilespmem:$0x2B00] =	vst v63  }
0x28: {  	s21 =	simm.s32 $0x300  }
0x29: {  	[spmem:s2] =	stream.indirect.scatter.add.f32 [tilespmem:s12], [sflag:$0x1], $0x1, s21, s13, $0xb8;
	[tilespmem:$0x2B00] =	vst v63  }
0x2a: {  	s22 =	simm.s32 $0x380  }
0x2b: {  	[spmem:s2] =	stream.indirect.scatter.add.f32 [tilespmem:s12], [sflag:$0x1], $0x1, s22, s13, $0xb8;
	[tilespmem:$0x2B00] =	vst v63  }
0x2c: {  	s23 =	simm.s32 $0x400  }
0x2d: {  	[spmem:s2] =	stream.indirect.scatter.add.f32 [tilespmem:s12], [sflag:$0x1], $0x1, s23, s13, $0xb8;
	[tilespmem:$0x2B00] =	vst v63  }
0x2e: {  	s24 =	simm.s32 $0x480  }
0x2f: {  	[spmem:s2] =	stream.indirect.scatter.add.f32 [tilespmem:s12], [sflag:$0x1], $0x1, s24, s13, $0xb8;
	[tilespmem:$0x2B00] =	vst v63  }
0x30: {  	s25 =	simm.s32 $0x500  }
0x31: {  	[spmem:s2] =	stream.indirect.scatter.add.f32 [tilespmem:s12], [sflag:$0x1], $0x1, s25, s13, $0xb8;
	[tilespmem:$0x2B00] =	vst v63  }
0x32: {  	s26 =	simm.s32 $0x580  }
0x33: {  	[spmem:s2] =	stream.indirect.scatter.add.f32 [tilespmem:s12], [sflag:$0x1], $0x1, s26, s13, $0xb8;
	[tilespmem:$0x2B00] =	vst v63  }
0x34: {  	s28 =	simm.s32 $0x600  }
0x35: {  	[spmem:s2] =	stream.indirect.scatter.add.f32 [tilespmem:s12], [sflag:$0x1], $0x1, s28, s13, $0xb8;
	[tilespmem:$0x2B00] =	vst v63  }
0x36: {  	s29 =	simm.s32 $0x680  }
0x37: {  	[spmem:s2] =	stream.indirect.scatter.add.f32 [tilespmem:s12], [sflag:$0x1], $0x1, s29, s13, $0xb8;
	[tilespmem:$0x2B00] =	vst v63  }
0x38: {  	s30 =	simm.s32 $0x700  }
0x39: {  	[spmem:s2] =	stream.indirect.scatter.add.f32 [tilespmem:s12], [sflag:$0x1], $0x1, s30, s13, $0xb8;
	[tilespmem:$0x2B00] =	vst v63  }
0x3a: {  	s31 =	simm.s32 $0x780  }
0x3b: {  	[spmem:s2] =	stream.indirect.scatter.add.f32 [tilespmem:s12], [sflag:$0x1], $0x1, s31, s13, $0xb8;
	[tilespmem:$0x2B00] =	vst v63  }
0x3c: {  	_ =	swait.ge [sflag:s14], $0x7D  }
0x3d: {  	[sflag:s14] =	ssyncset.done $0x0  }
0x3e: {  	[sflag:s14] =	ssyncadd.s32 $0xFFFFFF83  }
0x3f: {  	_ =	swait.ge [sflag:s14], $0x7D  }
0x40: {  	[sflag:s14] =	ssyncset.done $0x0  }
0x41: {  	[sflag:s14] =	ssyncadd.s32 $0xFFFFFF83  }
0x42: {  	_ =	swait.ge [sflag:s14], $0x7D  }
0x43: {  	[sflag:s14] =	ssyncset.done $0x0  }
0x44: {  	[sflag:s14] =	ssyncadd.s32 $0xFFFFFF83  }
0x45: {  	_ =	swait.ge [sflag:s14], $0x7D  }
0x46: {  	[sflag:s14] =	ssyncset.done $0x0  }
0x47: {  	[sflag:s14] =	ssyncadd.s32 $0xFFFFFF83  }
0x48: {  	_ =	swait.ge [sflag:s14], $0x7D  }
0x49: {  	[sflag:s14] =	ssyncset.done $0x0  }
0x4a: {  	[sflag:s14] =	ssyncadd.s32 $0xFFFFFF83  }
0x4b: {  	_ =	swait.ge [sflag:s14], $0x7D  }
0x4c: {  	[sflag:s14] =	ssyncset.done $0x0  }
0x4d: {  	[sflag:s14] =	ssyncadd.s32 $0xFFFFFF83  }
0x4e: {  	_ =	swait.ge [sflag:s14], $0x7D  }
0x4f: {  	[sflag:s14] =	ssyncset.done $0x0  }
0x50: {  	[sflag:s14] =	ssyncadd.s32 $0xFFFFFF83  }
0x51: {  	_ =	swait.ge [sflag:s14], $0x7D  }
0x52: {  	[sflag:s14] =	ssyncset.done $0x0  }
0x53: {  	[sflag:s14] =	ssyncadd.s32 $0xFFFFFF83  }
0x54: {  	_ =	swait.ge [sflag:s14], $0x7D  }
0x55: {  	[sflag:s14] =	ssyncset.done $0x0  }
0x56: {  	[sflag:s14] =	ssyncadd.s32 $0xFFFFFF83  }
0x57: {  	_ =	swait.ge [sflag:s14], $0x7D  }
0x58: {  	[sflag:s14] =	ssyncset.done $0x0  }
0x59: {  	[sflag:s14] =	ssyncadd.s32 $0xFFFFFF83  }
0x5a: {  	_ =	swait.ge [sflag:s14], $0x7D  }
0x5b: {  	[sflag:s14] =	ssyncset.done $0x0  }
0x5c: {  	[sflag:s14] =	ssyncadd.s32 $0xFFFFFF83  }
0x5d: {  	_ =	swait.ge [sflag:s14], $0x7D  }
0x5e: {  	[sflag:s14] =	ssyncset.done $0x0  }
0x5f: {  	[sflag:s14] =	ssyncadd.s32 $0xFFFFFF83  }
0x60: {  	_ =	swait.ge [sflag:s14], $0x7D  }
0x61: {  	[sflag:s14] =	ssyncset.done $0x0  }
0x62: {  	[sflag:s14] =	ssyncadd.s32 $0xFFFFFF83  }
0x63: {  	_ =	swait.ge [sflag:s14], $0x7D  }
0x64: {  	[sflag:s14] =	ssyncset.done $0x0  }
0x65: {  	[sflag:s14] =	ssyncadd.s32 $0xFFFFFF83  }
0x66: {  	_ =	swait.ge [sflag:s14], $0x7D  }
0x67: {  	[sflag:s14] =	ssyncset.done $0x0  }
0x68: {  	[sflag:s14] =	ssyncadd.s32 $0xFFFFFF83  }
0x69: {  	_ =	swait.ge [sflag:s14], $0x7D  }
0x6a: {  	s18 =	simm.s32 $0x2000;
	s21 =	simm.s32 $0x4000;
	[sflag:s14] =	ssyncset.done $0x0  }
.LBB2_2:
0x6b: {  	s20 =	sshra.s32 s18, $0x2  }
0x6c: {  	[sflag:s14] =	ssyncadd.s32 $0xFFFFFF83;
	s18 =	smov.u32 s21;
	s19 =	sadd.s32 $0x2000, s21  }
0x6d: {  	[spmem:s2] =	stream.indirect.scatter.add.f32 [tilespmem:s12], [sflag:$0x1], $0x1, s20, s13, $0xb8;
	[tilespmem:$0x2B00] =	vst v63  }
0x6e: {  	p0 =	sne.s32 s21, $0x8000;
	s21 =	sadd.s32 $0x80, s20  }
0x6f: {  	[spmem:s2] =	stream.indirect.scatter.add.f32 [tilespmem:s12], [sflag:$0x1], $0x1, s21, s13, $0xb8;
	[tilespmem:$0x2B00] =	vst v63  }
0x70: {  	s21 =	sadd.s32 $0x100, s20  }
0x71: {  	[spmem:s2] =	stream.indirect.scatter.add.f32 [tilespmem:s12], [sflag:$0x1], $0x1, s21, s13, $0xb8;
	[tilespmem:$0x2B00] =	vst v63  }
0x72: {  	s21 =	sadd.s32 $0x180, s20  }
0x73: {  	[spmem:s2] =	stream.indirect.scatter.add.f32 [tilespmem:s12], [sflag:$0x1], $0x1, s21, s13, $0xb8;
	[tilespmem:$0x2B00] =	vst v63  }
0x74: {  	s21 =	sadd.s32 $0x200, s20  }
0x75: {  	[spmem:s2] =	stream.indirect.scatter.add.f32 [tilespmem:s12], [sflag:$0x1], $0x1, s21, s13, $0xb8;
	[tilespmem:$0x2B00] =	vst v63  }
0x76: {  	s21 =	sadd.s32 $0x280, s20  }
0x77: {  	[spmem:s2] =	stream.indirect.scatter.add.f32 [tilespmem:s12], [sflag:$0x1], $0x1, s21, s13, $0xb8;
	[tilespmem:$0x2B00] =	vst v63  }
0x78: {  	s21 =	sadd.s32 $0x300, s20  }
0x79: {  	[spmem:s2] =	stream.indirect.scatter.add.f32 [tilespmem:s12], [sflag:$0x1], $0x1, s21, s13, $0xb8;
	[tilespmem:$0x2B00] =	vst v63  }
0x7a: {  	s21 =	sadd.s32 $0x380, s20  }
0x7b: {  	[spmem:s2] =	stream.indirect.scatter.add.f32 [tilespmem:s12], [sflag:$0x1], $0x1, s21, s13, $0xb8;
	[tilespmem:$0x2B00] =	vst v63  }
0x7c: {  	s21 =	sadd.s32 $0x400, s20  }
0x7d: {  	[spmem:s2] =	stream.indirect.scatter.add.f32 [tilespmem:s12], [sflag:$0x1], $0x1, s21, s13, $0xb8;
	[tilespmem:$0x2B00] =	vst v63  }
0x7e: {  	s21 =	sadd.s32 $0x480, s20  }
0x7f: {  	[spmem:s2] =	stream.indirect.scatter.add.f32 [tilespmem:s12], [sflag:$0x1], $0x1, s21, s13, $0xb8;
	[tilespmem:$0x2B00] =	vst v63  }
0x80: {  	s21 =	sadd.s32 $0x500, s20  }
0x81: {  	[spmem:s2] =	stream.indirect.scatter.add.f32 [tilespmem:s12], [sflag:$0x1], $0x1, s21, s13, $0xb8;
	[tilespmem:$0x2B00] =	vst v63  }
0x82: {  	s21 =	sadd.s32 $0x580, s20  }
0x83: {  	[spmem:s2] =	stream.indirect.scatter.add.f32 [tilespmem:s12], [sflag:$0x1], $0x1, s21, s13, $0xb8;
	[tilespmem:$0x2B00] =	vst v63  }
0x84: {  	s21 =	sadd.s32 $0x600, s20  }
0x85: {  	[spmem:s2] =	stream.indirect.scatter.add.f32 [tilespmem:s12], [sflag:$0x1], $0x1, s21, s13, $0xb8;
	[tilespmem:$0x2B00] =	vst v63  }
0x86: {  	s21 =	sadd.s32 $0x680, s20  }
0x87: {  	[spmem:s2] =	stream.indirect.scatter.add.f32 [tilespmem:s12], [sflag:$0x1], $0x1, s21, s13, $0xb8;
	[tilespmem:$0x2B00] =	vst v63  }
0x88: {  	s21 =	sadd.s32 $0x700, s20  }
0x89: {  	[spmem:s2] =	stream.indirect.scatter.add.f32 [tilespmem:s12], [sflag:$0x1], $0x1, s21, s13, $0xb8;
	[tilespmem:$0x2B00] =	vst v63  }
0x8a: {  	s20 =	sadd.s32 $0x780, s20  }
0x8b: {  	[spmem:s2] =	stream.indirect.scatter.add.f32 [tilespmem:s12], [sflag:$0x1], $0x1, s20, s13, $0xb8;
	[tilespmem:$0x2B00] =	vst v63  }
0x8c: {  	_ =	swait.ge [sflag:s14], $0x7D  }
0x8d: {  	[sflag:s14] =	ssyncset.done $0x0  }
0x8e: {  	[sflag:s14] =	ssyncadd.s32 $0xFFFFFF83  }
0x8f: {  	_ =	swait.ge [sflag:s14], $0x7D  }
0x90: {  	[sflag:s14] =	ssyncset.done $0x0  }
0x91: {  	[sflag:s14] =	ssyncadd.s32 $0xFFFFFF83  }
0x92: {  	_ =	swait.ge [sflag:s14], $0x7D  }
0x93: {  	[sflag:s14] =	ssyncset.done $0x0  }
0x94: {  	[sflag:s14] =	ssyncadd.s32 $0xFFFFFF83  }
0x95: {  	_ =	swait.ge [sflag:s14], $0x7D  }
0x96: {  	[sflag:s14] =	ssyncset.done $0x0  }
0x97: {  	[sflag:s14] =	ssyncadd.s32 $0xFFFFFF83  }
0x98: {  	_ =	swait.ge [sflag:s14], $0x7D  }
0x99: {  	[sflag:s14] =	ssyncset.done $0x0  }
0x9a: {  	[sflag:s14] =	ssyncadd.s32 $0xFFFFFF83  }
0x9b: {  	_ =	swait.ge [sflag:s14], $0x7D  }
0x9c: {  	[sflag:s14] =	ssyncset.done $0x0  }
0x9d: {  	[sflag:s14] =	ssyncadd.s32 $0xFFFFFF83  }
0x9e: {  	_ =	swait.ge [sflag:s14], $0x7D  }
0x9f: {  	[sflag:s14] =	ssyncset.done $0x0  }
0xa0: {  	[sflag:s14] =	ssyncadd.s32 $0xFFFFFF83  }
0xa1: {  	_ =	swait.ge [sflag:s14], $0x7D  }
0xa2: {  	[sflag:s14] =	ssyncset.done $0x0  }
0xa3: {  	[sflag:s14] =	ssyncadd.s32 $0xFFFFFF83  }
0xa4: {  	_ =	swait.ge [sflag:s14], $0x7D  }
0xa5: {  	[sflag:s14] =	ssyncset.done $0x0  }
0xa6: {  	[sflag:s14] =	ssyncadd.s32 $0xFFFFFF83  }
0xa7: {  	_ =	swait.ge [sflag:s14], $0x7D  }
0xa8: {  	[sflag:s14] =	ssyncset.done $0x0  }
0xa9: {  	[sflag:s14] =	ssyncadd.s32 $0xFFFFFF83  }
0xaa: {  	_ =	swait.ge [sflag:s14], $0x7D  }
0xab: {  	[sflag:s14] =	ssyncset.done $0x0  }
0xac: {  	[sflag:s14] =	ssyncadd.s32 $0xFFFFFF83  }
0xad: {  	_ =	swait.ge [sflag:s14], $0x7D  }
0xae: {  	[sflag:s14] =	ssyncset.done $0x0  }
0xaf: {  	[sflag:s14] =	ssyncadd.s32 $0xFFFFFF83  }
0xb0: {  	_ =	swait.ge [sflag:s14], $0x7D  }
0xb1: {  	[sflag:s14] =	ssyncset.done $0x0  }
0xb2: {  	[sflag:s14] =	ssyncadd.s32 $0xFFFFFF83  }
0xb3: {  	_ =	swait.ge [sflag:s14], $0x7D  }
0xb4: {  	[sflag:s14] =	ssyncset.done $0x0  }
0xb5: {  	[sflag:s14] =	ssyncadd.s32 $0xFFFFFF83  }
.Ltmp0:
0xb6: {  	_ =	swait.ge [sflag:s14], $0x7D;
	(pc) =	sbr.rel @p0 .LBB2_2-.Ltmp0, $4  }
0xb7: {  	[sflag:s14] =	ssyncset.done $0x0  }
0xb8: {  	[sflag:s14] =	ssyncadd.s32 $0xFFFFFF83  }
0xb9: {  	_ =	swait.ge [sflag:s14], $0x7D  }
0xba: {  	s21 =	smov.u32 s19;
	[sflag:s14] =	ssyncset.done $0x0  }
0xbb: {  	s18 =	sshra.s32 s18, $0x2;
	[sflag:s14] =	ssyncadd.s32 $0xFFFFFF83  }
0xbc: {  	[spmem:s2] =	stream.indirect.scatter.add.f32 [tilespmem:s12], [sflag:$0x1], $0x1, s18, s13, $0xb8;
	[tilespmem:$0x2B00] =	vst v63  }
0xbd: {  	s19 =	sadd.s32 $0x80, s18  }
0xbe: {  	[spmem:s2] =	stream.indirect.scatter.add.f32 [tilespmem:s12], [sflag:$0x1], $0x1, s19, s13, $0xb8;
	[tilespmem:$0x2B00] =	vst v63  }
0xbf: {  	s30 =	sadd.s32 $0x100, s18  }
0xc0: {  	[spmem:s2] =	stream.indirect.scatter.add.f32 [tilespmem:s12], [sflag:$0x1], $0x1, s30, s13, $0xb8;
	[tilespmem:$0x2B00] =	vst v63  }
0xc1: {  	s31 =	sadd.s32 $0x180, s18  }
0xc2: {  	[spmem:s2] =	stream.indirect.scatter.add.f32 [tilespmem:s12], [sflag:$0x1], $0x1, s31, s13, $0xb8;
	[tilespmem:$0x2B00] =	vst v63  }
0xc3: {  	s20 =	sadd.s32 $0x200, s18  }
0xc4: {  	[spmem:s2] =	stream.indirect.scatter.add.f32 [tilespmem:s12], [sflag:$0x1], $0x1, s20, s13, $0xb8;
	[tilespmem:$0x2B00] =	vst v63  }
0xc5: {  	s21 =	sadd.s32 $0x280, s18  }
0xc6: {  	[spmem:s2] =	stream.indirect.scatter.add.f32 [tilespmem:s12], [sflag:$0x1], $0x1, s21, s13, $0xb8;
	[tilespmem:$0x2B00] =	vst v63  }
0xc7: {  	s22 =	sadd.s32 $0x300, s18  }
0xc8: {  	[spmem:s2] =	stream.indirect.scatter.add.f32 [tilespmem:s12], [sflag:$0x1], $0x1, s22, s13, $0xb8;
	[tilespmem:$0x2B00] =	vst v63  }
0xc9: {  	s23 =	sadd.s32 $0x380, s18  }
0xca: {  	[spmem:s2] =	stream.indirect.scatter.add.f32 [tilespmem:s12], [sflag:$0x1], $0x1, s23, s13, $0xb8;
	[tilespmem:$0x2B00] =	vst v63  }
0xcb: {  	s24 =	sadd.s32 $0x400, s18  }
0xcc: {  	[spmem:s2] =	stream.indirect.scatter.add.f32 [tilespmem:s12], [sflag:$0x1], $0x1, s24, s13, $0xb8;
	[tilespmem:$0x2B00] =	vst v63  }
0xcd: {  	s25 =	sadd.s32 $0x480, s18  }
0xce: {  	[spmem:s2] =	stream.indirect.scatter.add.f32 [tilespmem:s12], [sflag:$0x1], $0x1, s25, s13, $0xb8;
	[tilespmem:$0x2B00] =	vst v63  }
0xcf: {  	s26 =	sadd.s32 $0x500, s18  }
0xd0: {  	[spmem:s2] =	stream.indirect.scatter.add.f32 [tilespmem:s12], [sflag:$0x1], $0x1, s26, s13, $0xb8;
	[tilespmem:$0x2B00] =	vst v63  }
0xd1: {  	s28 =	sadd.s32 $0x580, s18  }
0xd2: {  	[spmem:s2] =	stream.indirect.scatter.add.f32 [tilespmem:s12], [sflag:$0x1], $0x1, s28, s13, $0xb8;
	[tilespmem:$0x2B00] =	vst v63  }
0xd3: {  	s29 =	sadd.s32 $0x600, s18  }
0xd4: {  	[spmem:s2] =	stream.indirect.scatter.add.f32 [tilespmem:s12], [sflag:$0x1], $0x1, s29, s13, $0xb8;
	[tilespmem:$0x2B00] =	vst v63  }
0xd5: {  	s30 =	sadd.s32 $0x680, s18  }
0xd6: {  	[spmem:s2] =	stream.indirect.scatter.add.f32 [tilespmem:s12], [sflag:$0x1], $0x1, s30, s13, $0xb8;
	[tilespmem:$0x2B00] =	vst v63  }
0xd7: {  	s31 =	sadd.s32 $0x700, s18  }
0xd8: {  	[spmem:s2] =	stream.indirect.scatter.add.f32 [tilespmem:s12], [sflag:$0x1], $0x1, s31, s13, $0xb8;
	[tilespmem:$0x2B00] =	vst v63  }
0xd9: {  	s18 =	sadd.s32 $0x780, s18  }
0xda: {  	[spmem:s2] =	stream.indirect.scatter.add.f32 [tilespmem:s12], [sflag:$0x1], $0x1, s18, s13, $0xb8;
	[tilespmem:$0x2B00] =	vst v63  }
0xdb: {  	_ =	swait.ge [sflag:s14], $0x7D  }
0xdc: {  	[sflag:s14] =	ssyncset.done $0x0  }
0xdd: {  	[sflag:s14] =	ssyncadd.s32 $0xFFFFFF83  }
0xde: {  	_ =	swait.ge [sflag:s14], $0x7D  }
0xdf: {  	[sflag:s14] =	ssyncset.done $0x0  }
0xe0: {  	[sflag:s14] =	ssyncadd.s32 $0xFFFFFF83  }
0xe1: {  	_ =	swait.ge [sflag:s14], $0x7D  }
0xe2: {  	[sflag:s14] =	ssyncset.done $0x0  }
0xe3: {  	[sflag:s14] =	ssyncadd.s32 $0xFFFFFF83  }
0xe4: {  	_ =	swait.ge [sflag:s14], $0x7D  }
0xe5: {  	[sflag:s14] =	ssyncset.done $0x0  }
0xe6: {  	[sflag:s14] =	ssyncadd.s32 $0xFFFFFF83  }
0xe7: {  	_ =	swait.ge [sflag:s14], $0x7D  }
0xe8: {  	[sflag:s14] =	ssyncset.done $0x0  }
0xe9: {  	[sflag:s14] =	ssyncadd.s32 $0xFFFFFF83  }
0xea: {  	_ =	swait.ge [sflag:s14], $0x7D  }
0xeb: {  	[sflag:s14] =	ssyncset.done $0x0  }
0xec: {  	[sflag:s14] =	ssyncadd.s32 $0xFFFFFF83  }
0xed: {  	_ =	swait.ge [sflag:s14], $0x7D  }
0xee: {  	[sflag:s14] =	ssyncset.done $0x0  }
0xef: {  	[sflag:s14] =	ssyncadd.s32 $0xFFFFFF83  }
0xf0: {  	_ =	swait.ge [sflag:s14], $0x7D  }
0xf1: {  	[sflag:s14] =	ssyncset.done $0x0  }
0xf2: {  	[sflag:s14] =	ssyncadd.s32 $0xFFFFFF83  }
0xf3: {  	_ =	swait.ge [sflag:s14], $0x7D  }
0xf4: {  	[sflag:s14] =	ssyncset.done $0x0  }
0xf5: {  	[sflag:s14] =	ssyncadd.s32 $0xFFFFFF83  }
0xf6: {  	_ =	swait.ge [sflag:s14], $0x7D  }
0xf7: {  	[sflag:s14] =	ssyncset.done $0x0  }
0xf8: {  	[sflag:s14] =	ssyncadd.s32 $0xFFFFFF83  }
0xf9: {  	_ =	swait.ge [sflag:s14], $0x7D  }
0xfa: {  	[sflag:s14] =	ssyncset.done $0x0  }
0xfb: {  	[sflag:s14] =	ssyncadd.s32 $0xFFFFFF83  }
0xfc: {  	_ =	swait.ge [sflag:s14], $0x7D  }
0xfd: {  	[sflag:s14] =	ssyncset.done $0x0  }
0xfe: {  	[sflag:s14] =	ssyncadd.s32 $0xFFFFFF83  }
0xff: {  	_ =	swait.ge [sflag:s14], $0x7D  }
0x100: {  	[sflag:s14] =	ssyncset.done $0x0  }
0x101: {  	[sflag:s14] =	ssyncadd.s32 $0xFFFFFF83  }
0x102: {  	_ =	swait.ge [sflag:s14], $0x7D  }
0x103: {  	[sflag:s14] =	ssyncset.done $0x0  }
0x104: {  	[sflag:s14] =	ssyncadd.s32 $0xFFFFFF83  }
0x105: {  	_ =	swait.ge [sflag:s14], $0x7D  }
0x106: {  	[sflag:s14] =	ssyncset.done $0x0  }
0x107: {  	[sflag:s14] =	ssyncadd.s32 $0xFFFFFF83  }
0x108: {  	_ =	swait.ge [sflag:s14], $0x7D  }
0x109: {  	s17 =	sadd.s32 $0x1, s17;
	[sflag:s14] =	ssyncset.done $0x0  }
0x10a: {  	p0 =	sne.s32 s17, s9;
	[sflag:s14] =	ssyncadd.s32 $0xFFFFFF83  }
.Ltmp1:
0x10b: {  	[bflag:$0x0] =	sbarrier.arrive $0xFFFF;
	(pc) =	sbr.rel @p0 .LBB2_1-.Ltmp1, $4  }
0x10c: {  	[hbm:s8@s15], [sflag:s6] =	dma.strided [spmem:s10@s16], $0x50, s14, $0x10   }
0x10d: {  	_ =	swait.ge [sflag:s11], $0x50  }
0x10e: {  	[sflag:s11] =	ssyncset.done $0x0  }
0x10f: {  	[sflag:s11] =	ssyncadd.s32 $0xFFFFFFB0  }
0x110: {  	_ =	sfence.sel $0x180000  }
0x111: {  	[bflag:$0x0] =	sbarrier.arrive $0xFFFF  }
0x112: {  	p0 =	sne.s32 s0, $0x0;
	_ =	strace $0x90000047  }
0x113: {  	s0 =	sadd.s32 @!p0 $0x100000, s1;
	[bflag:$0x2] =	sbarrier.arrive $0xFFFF  }
0x114: {  	[sflag:s0] =	ssyncadd.tile.s32 @!p0 $0x1;
	_ =	shalt  }
.Lfunc_end2:
_tile_overlayer_lowered:
.L_overlay_start_2:
0x115: {  	(tag) =	ssettag $0x2  }
0x116: {  	s0 =	rddreg [dreg:$0x0];
	s2 =	stileid.u32  }
0x117: {  	s1 =	rddreg [dreg:$0x1];
	p0 =	sne.s32 s2, $0x0  }
0x118: {  	s3 =	rddreg [dreg:$0x2];
	[bflag:$0x3] =	sbarrier.arrive $0xFFFF;
	s2 =	simm.s32 @!p0 $0x1C02  }
0x119: {  	[timem:s3], [sflag:s2] =	dma.local @!p0 [hbm:s0], s1  }
0x11a: {  	s0 =	simm.s32 @!p0 $0x2  }
0x11b: {  	_ =	swait.ge @!p0 [sflag:s0], s1  }
0x11c: {  	s1 =	ssub.s32 @!p0 $0x0, s1;
	[sflag:s0] =	ssyncset.done @!p0 $0x0  }
0x11d: {  	[sflag:s0] =	ssyncadd.s32 @!p0 s1  }
0x11e: {  	[bflag:$0x3] =	sbarrier.arrive $0xFFFF  }
0x11f: {  	_ =	shalt  }

</sc_bundles>
